<compile_context>
chip_gen: v7x
topology: tpu7x:2x2x1
jax: 0.10.2.dev20260603
libtpu: 0.0.44.dev20260713+nightly
codegen_flags: <defaults>
</compile_context>

<pallas_src>
import functools

import jax
import jax.numpy as jnp
from jax import lax
from jax.experimental import pallas as pl
from jax.experimental.pallas import tpu as pltpu
from jax.experimental.pallas import tpu_sc as plsc

N = 10000
E = 160000
IN_DIM = 128
NUM_ETYPES = 4
OUT = 32

NC = 2
NS = 16
NW = NC * NS
CHUNK = 128
N_PAD = 10240
ROWS_PER_S = N_PAD // NS
ACC_ROWS = N_PAD


def _mm_body(x_ref, wcat_ref, rt_ref, b_ref, y_ref, res_ref):
    xb = x_ref[...]
    y_ref[...] = jnp.dot(xb, wcat_ref[...], preferred_element_type=jnp.float32)
    res_ref[...] = (
        jnp.dot(xb, rt_ref[...], preferred_element_type=jnp.float32) + b_ref[...]
    )


def _typed_mm(x, wcat, rt, bias2d):
    bn = 2000
    grid = N // bn
    return pl.pallas_call(
        _mm_body,
        grid=(grid,),
        in_specs=[
            pl.BlockSpec((bn, IN_DIM), lambda i: (i, 0)),
            pl.BlockSpec((IN_DIM, NUM_ETYPES * OUT), lambda i: (0, 0)),
            pl.BlockSpec((IN_DIM, OUT), lambda i: (0, 0)),
            pl.BlockSpec((1, OUT), lambda i: (0, 0)),
        ],
        out_specs=[
            pl.BlockSpec((bn, NUM_ETYPES * OUT), lambda i: (i, 0)),
            pl.BlockSpec((bn, OUT), lambda i: (i, 0)),
        ],
        out_shape=[
            jax.ShapeDtypeStruct((N, NUM_ETYPES * OUT), jnp.float32),
            jax.ShapeDtypeStruct((N, OUT), jnp.float32),
        ],
    )(x, wcat, rt, bias2d)


NBUF = 4
KW = 40
EPW = KW * CHUNK
KLAST = (E - (NW - 1) * EPW) // CHUNK


def _sc_body(ei, et, ytab, out, src_st, et_st, dst_st, gidx_v, dst_v, rows_v,
             drain_v, acc, gsem):
    c = lax.axis_index("c")
    s = lax.axis_index("s")
    wid = c * NS + s

    zeros16 = jnp.zeros((16,), jnp.float32)

    def _zero(r, _):
        rows_v[0, r, pl.ds(0, 16)] = zeros16
        rows_v[0, r, pl.ds(16, 16)] = zeros16
        return 0

    lax.fori_loop(0, CHUNK, _zero, 0)
    for k in range(ROWS_PER_S // CHUNK):
        pltpu.sync_copy(
            rows_v.at[0], acc.at[pl.ds(s * ROWS_PER_S + k * CHUNK, CHUNK)])
    plsc.subcore_barrier()

    def _work(base, nch):
        ne = nch * CHUNK
        pltpu.sync_copy(ei.at[0, pl.ds(base, ne)], src_st.at[pl.ds(0, ne)])
        pltpu.sync_copy(ei.at[1, pl.ds(base, ne)], dst_st.at[pl.ds(0, ne)])
        pltpu.sync_copy(et.at[pl.ds(base, ne)], et_st.at[pl.ds(0, ne)])

        def _mkidx(j, _):
            for b in range(CHUNK // 16):
                o = j * CHUNK + b * 16
                gidx_v[j, pl.ds(b * 16, 16)] = (
                    src_st[pl.ds(o, 16)] * NUM_ETYPES + et_st[pl.ds(o, 16)])
                dst_v[j, pl.ds(b * 16, 16)] = dst_st[pl.ds(o, 16)]
            return 0

        lax.fori_loop(0, nch, _mkidx, 0)

        def _round(g, _):
            descs = []
            for b in range(NBUF):
                descs.append(pltpu.async_copy(
                    ytab.at[gidx_v.at[g * NBUF + b]], rows_v.at[b],
                    gsem.at[b]))
            for b in range(NBUF):
                descs[b].wait()
                pltpu.sync_copy(
                    rows_v.at[b], acc.at[dst_v.at[g * NBUF + b]], add=True)
            return 0

        lax.fori_loop(0, nch // NBUF, _round, 0, unroll=False)
        for b in range(nch % NBUF):
            d = pltpu.async_copy(
                ytab.at[gidx_v.at[(nch // NBUF) * NBUF + b]], rows_v.at[b],
                gsem.at[b])
            d.wait()
            pltpu.sync_copy(
                rows_v.at[b], acc.at[dst_v.at[(nch // NBUF) * NBUF + b]],
                add=True)

    @pl.when(wid < NW - 1)
    def _():
        _work(wid * EPW, KW)

    @pl.when(wid == NW - 1)
    def _():
        _work((NW - 1) * EPW, KLAST)

    plsc.subcore_barrier()

    pltpu.sync_copy(acc.at[pl.ds(s * ROWS_PER_S, ROWS_PER_S)], drain_v)
    pltpu.sync_copy(drain_v, out.at[c, pl.ds(s * ROWS_PER_S, ROWS_PER_S)])


@functools.cache
def _scatter_kernel():
  return pl.kernel(
    _sc_body,
    out_type=jax.ShapeDtypeStruct((NC, N_PAD, OUT), jnp.float32),
    mesh=plsc.VectorSubcoreMesh(
        core_axis_name="c", subcore_axis_name="s",
        num_cores=NC, num_subcores=NS),
    scratch_types=[
        pltpu.VMEM((EPW,), jnp.int32),
        pltpu.VMEM((EPW,), jnp.int32),
        pltpu.VMEM((EPW,), jnp.int32),
        pltpu.VMEM((KW, CHUNK), jnp.int32),
        pltpu.VMEM((KW, CHUNK), jnp.int32),
        pltpu.VMEM((NBUF, CHUNK, OUT), jnp.float32),
        pltpu.VMEM((ROWS_PER_S, OUT), jnp.float32),
        pltpu.VMEM_SHARED((ACC_ROWS, OUT), jnp.float32),
        pltpu.SemaphoreType.DMA((NBUF,)),
    ],
    compiler_params=pltpu.CompilerParams(use_tc_tiling_on_sc=False),
  )


NW128 = N * OUT // 128


def _combine_body(p_ref, res_ref, o_ref):
    o_ref[...] = p_ref[0, :NW128] + p_ref[1, :NW128] + res_ref[...]


def _combine(partials, res128):
    p128 = partials.reshape(NC, N_PAD * OUT // 128, 128)
    return pl.pallas_call(
        _combine_body,
        out_shape=jax.ShapeDtypeStruct((NW128, 128), jnp.float32),
    )(p128, res128)


def kernel(x, edge_index, ntype, etype, W_weight, al_weight, ar_weight,
           res_weight, res_bias):
    del ntype, al_weight, ar_weight

    wcat = jnp.transpose(W_weight, (1, 0, 2)).reshape(IN_DIM, NUM_ETYPES * OUT)
    y, res = _typed_mm(x, wcat, res_weight.T, res_bias.reshape(1, OUT))
    ytab = y.reshape(N * NUM_ETYPES, OUT)

    partials = _scatter_kernel()(edge_index, etype, ytab)
    out128 = _combine(partials, res.reshape(NW128, 128))
    return out128.reshape(N, OUT)

# --- scband reference (transcript-rebuilt; emitter-appended) ---
"""Pipeline reference for scband-het-sannconv-32238024524292 (READ-ONLY COPY).

The authoritative reference and input builder live on the scoring server;
editing this copy changes nothing except your own understanding.
"""

import jax, jax.numpy as jnp
import numpy as np

N = 10000
E = 160000
IN_DIM = 128
NUM_HEADS = 4
HIDDEN = 8
NUM_ETYPES = 4
OUT = NUM_HEADS * HIDDEN
NEG_SLOPE = 0.2


def typed_linear(h, etype, w):
    # DGL TypedLinear: per-edge-type linear transform, no bias.
    out = jnp.zeros((h.shape[0], w.shape[2]), dtype=h.dtype)
    for t in range(w.shape[0]):
        out = out + jnp.where((etype == t)[:, None], h @ w[t], 0.0)
    return out


def edge_softmax(scores, dst, n):
    # softmax over incoming edges per destination node, per head
    m = jax.ops.segment_max(scores, dst, num_segments=n)
    m = jnp.where(jnp.isfinite(m), m, 0.0)
    e = jnp.exp(scores - m[dst])
    s = jax.ops.segment_sum(e, dst, num_segments=n)
    return e / s[dst]


def setup_inputs(seed: int = 0):
    key = jax.random.key(seed)
    ks = jax.random.split(key, 9)
    x = jax.random.normal(ks[0], (N, IN_DIM), dtype=jnp.float32)
    edge_index = jax.random.randint(ks[1], (2, E), 0, N, dtype=jnp.int32)
    ntype = jax.random.randint(ks[2], (N,), 0, 4, dtype=jnp.int32)
    etype = jax.random.randint(ks[3], (E,), 0, NUM_ETYPES, dtype=jnp.int32)
    W_weight = jax.random.normal(ks[4], (NUM_ETYPES, IN_DIM, OUT), dtype=jnp.float32) * 0.05
    al_weight = jax.random.normal(ks[5], (NUM_ETYPES, OUT, OUT), dtype=jnp.float32) * 0.05
    ar_weight = jax.random.normal(ks[6], (NUM_ETYPES, OUT, OUT), dtype=jnp.float32) * 0.05
    res_weight = jax.random.normal(ks[7], (OUT, IN_DIM), dtype=jnp.float32) * 0.05
    res_bias = jnp.zeros((OUT,), dtype=jnp.float32)
    return {"x": x, "edge_index": edge_index, "ntype": ntype, "etype": etype,
            "W_weight": W_weight, "al_weight": al_weight, "ar_weight": ar_weight,
            "res_weight": res_weight, "res_bias": res_bias}


def reference(x, edge_index, ntype, etype, W_weight, al_weight, ar_weight, res_weight, res_bias):
    src = edge_index[0]
    dst = edge_index[1]
    # g.apply_edges(copy_u): gather source-node features onto edges
    h_src = x[src]
    feat = typed_linear(h_src, etype, W_weight)
    h = feat  # dropout is identity in eval mode (p=0.0)
    h3 = h.reshape(-1, NUM_HEADS, HIDDEN)
    h_l = typed_linear(h, etype, al_weight).reshape(-1, NUM_HEADS, HIDDEN).sum(axis=-1)
    h_r = typed_linear(h, etype, ar_weight).reshape(-1, NUM_HEADS, HIDDEN).sum(axis=-1)
    z = h_l + h_r
    att = jnp.where(z >= 0, z, NEG_SLOPE * z)  # LeakyReLU
    att = edge_softmax(att, dst, N)
    # faithful to original: alpha is computed and stored on edges but update_all
    # aggregates edata['m'] (the typed-linear features), not alpha
    hp = jnp.transpose(h3, (0, 2, 1))
    alpha = jnp.matmul(hp, att[:, :, None])
    h_output = jax.ops.segment_sum(h, dst, num_segments=N)
    res = x @ res_weight.T + res_bias  # residual branch (residual=True)
    h_output = h_output + res
    # activation is None -> skipped
    return h_output

if __name__ == "__main__":
    import jax
    _d = setup_inputs()
    print(jax.jit(kernel)(*tuple(_d.values())))

</pallas_src>

<mosaic_0001>
#map = affine_map<(d0, d1) -> (0, 0)>
#map1 = affine_map<(d0, d1) -> (0)>
#map2 = affine_map<(d0, d1) -> (0, 0, 0)>
module attributes {stable_mosaic.version = 14 : i64} {
  func.func @_sc_body(%arg0: i32, %arg1: i32, %arg2: memref<2x160000xi32, #tpu.memory_space<hbm>>, %arg3: memref<160000xi32, #tpu.memory_space<hbm>>, %arg4: memref<40000x32xf32, #tpu.memory_space<hbm>>, %arg5: memref<2x10240x32xf32, #tpu.memory_space<hbm>>, %arg6: memref<5120xi32, #tpu.memory_space<vmem>>, %arg7: memref<5120xi32, #tpu.memory_space<vmem>>, %arg8: memref<5120xi32, #tpu.memory_space<vmem>>, %arg9: memref<40x128xi32, #tpu.memory_space<vmem>>, %arg10: memref<40x128xi32, #tpu.memory_space<vmem>>, %arg11: memref<4x128x32xf32, #tpu.memory_space<vmem>>, %arg12: memref<640x32xf32, #tpu.memory_space<vmem>>, %arg13: memref<10240x32xf32, #tpu.memory_space<vmem_shared>>, %arg14: memref<4x!tpu.dma_semaphore, #tpu.memory_space<semaphore_mem>>) attributes {dimension_semantics = [#tpu.dimension_semantics<core_parallel>, #tpu.dimension_semantics<subcore_parallel>], iteration_bounds = array<i64: 2, 16>, scalar_prefetch = 0 : i64, scratch_operands = 9 : i64, tpu.core_type = #tpu.core_type<sc_vector_subcore>, window_params = [{transform_indices = #map}, {transform_indices = #map1}, {transform_indices = #map}, {transform_indices = #map2}]} {
    %mul3A = arith.constant 16 : i32
    %mul3A_0 = arith.muli %arg0, %mul3A : i32
    %add3A = arith.addi %mul3A_0, %arg1 : i32
    %broadcast_in_dim3A = arith.constant 0.000000e+00 : f32
    %broadcast_in_dim3A_1 = vector.broadcast %broadcast_in_dim3A : f32 to vector<16xf32>
    %scan3A = arith.constant 0 : i32
    %scan3A_2 = arith.constant 0 : i32
    %scan3A_3 = arith.constant 128 : i32
    %scan3A_4 = arith.addi %scan3A_2, %scan3A_3 : i32
    %scan3A_5 = arith.constant 1 : i32
    %scan3A_6 = scf.for %scan3A_43 = %scan3A_2 to %scan3A_4 step %scan3A_5 iter_args(%scan3A_44 = %scan3A) -> (i32)  : i32 {
      %swap3A = arith.constant 0 : i32
      %swap3A_45 = arith.index_cast %swap3A : i32 to index
      %swap3A_46 = arith.index_cast %scan3A_43 : i32 to index
      %swap3A_47 = arith.constant 0 : index
      %swap3A_48 = tpu.vector_load %arg11[%swap3A_45, %swap3A_46, %swap3A_47] {strides = array<i32>} : memref<4x128x32xf32, #tpu.memory_space<vmem>>, vector<1x1x16xf32>,
      %swap3A_49 = vector.shape_cast %swap3A_48 : vector<1x1x16xf32> to vector<16xf32>
      %swap3A_50 = vector.shape_cast %broadcast_in_dim3A_1 : vector<16xf32> to vector<1x1x16xf32>
      tpu.vector_store %arg11[%swap3A_45, %swap3A_46, %swap3A_47], %swap3A_50 {strides = array<i32>} : memref<4x128x32xf32, #tpu.memory_space<vmem>>, vector<1x1x16xf32>,
      %swap3A_51 = arith.constant 0 : i32
      %swap3A_52 = arith.index_cast %swap3A_51 : i32 to index
      %swap3A_53 = arith.index_cast %scan3A_43 : i32 to index
      %swap3A_54 = arith.constant 16 : index
      %swap3A_55 = tpu.vector_load %arg11[%swap3A_52, %swap3A_53, %swap3A_54] {strides = array<i32>} : memref<4x128x32xf32, #tpu.memory_space<vmem>>, vector<1x1x16xf32>,
      %swap3A_56 = vector.shape_cast %swap3A_55 : vector<1x1x16xf32> to vector<16xf32>
      %swap3A_57 = vector.shape_cast %broadcast_in_dim3A_1 : vector<16xf32> to vector<1x1x16xf32>
      tpu.vector_store %arg11[%swap3A_52, %swap3A_53, %swap3A_54], %swap3A_57 {strides = array<i32>} : memref<4x128x32xf32, #tpu.memory_space<vmem>>, vector<1x1x16xf32>,
      %scan3A_58 = arith.constant 0 : i32
      scf.yield %scan3A_58 : i32
    }
    %scan3A_7 = arith.constant 128 : i32
    %mul3A_8 = arith.constant 640 : i32
    %mul3A_9 = arith.muli %arg1, %mul3A_8 : i32
    %add3A_10 = arith.constant 0 : i32
    %add3A_11 = arith.addi %mul3A_9, %add3A_10 : i32
    %run_scoped3A = arith.constant 0 : i32
    "tpu.region"() ({
      %run_scoped3A_43 = tpu.sem_alloc : memref<!tpu.dma_semaphore, #tpu.memory_space<semaphore_mem>>
      %dma_start3A = arith.constant 0 : i32
      %dma_start3A_44 = arith.constant 0 : i32
      %dma_start3A_45 = tpu.memref_slice %arg11[%run_scoped3A, %dma_start3A, %dma_start3A_44] : memref<4x128x32xf32, #tpu.memory_space<vmem>> -> memref<1x128x32xf32, #tpu.memory_space<vmem>>
      %dma_start3A_46 = tpu.memref_squeeze %dma_start3A_45 : memref<1x128x32xf32, #tpu.memory_space<vmem>> -> memref<128x32xf32, #tpu.memory_space<vmem>>
      %dma_start3A_47 = arith.constant 0 : i32
      %dma_start3A_48 = tpu.memref_slice %arg13[%add3A_11, %dma_start3A_47] : memref<10240x32xf32, #tpu.memory_space<vmem_shared>> -> memref<128x32xf32, #tpu.memory_space<vmem_shared>>
      %dma_start3A_49 = arith.constant 0 : i32
      %dma_start3A_50 = tpu.memref_slice %arg13[%add3A_11, %dma_start3A_49] : memref<10240x32xf32, #tpu.memory_space<vmem_shared>> -> memref<128x32xf32, #tpu.memory_space<vmem_shared>>
      %dma_start3A_51 = arith.constant 0 : i32
      %dma_start3A_52 = arith.constant 0 : i32
      %dma_start3A_53 = tpu.memref_slice %arg11[%run_scoped3A, %dma_start3A_51, %dma_start3A_52] : memref<4x128x32xf32, #tpu.memory_space<vmem>> -> memref<1x128x32xf32, #tpu.memory_space<vmem>>
      %dma_start3A_54 = tpu.memref_squeeze %dma_start3A_53 : memref<1x128x32xf32, #tpu.memory_space<vmem>> -> memref<128x32xf32, #tpu.memory_space<vmem>>
      tpu.enqueue_dma source(%dma_start3A_54 : memref<128x32xf32, #tpu.memory_space<vmem>>) target(%dma_start3A_50 : memref<128x32xf32, #tpu.memory_space<vmem_shared>>) target_semaphore(%run_scoped3A_43 : memref<!tpu.dma_semaphore, #tpu.memory_space<semaphore_mem>>)
      %dma_wait3A = arith.constant 0 : i32
      %dma_wait3A_55 = arith.constant 0 : i32
      %dma_wait3A_56 = tpu.memref_slice %arg11[%run_scoped3A, %dma_wait3A, %dma_wait3A_55] : memref<4x128x32xf32, #tpu.memory_space<vmem>> -> memref<1x128x32xf32, #tpu.memory_space<vmem>>
      %dma_wait3A_57 = tpu.memref_squeeze %dma_wait3A_56 : memref<1x128x32xf32, #tpu.memory_space<vmem>> -> memref<128x32xf32, #tpu.memory_space<vmem>>
      %dma_wait3A_58 = arith.constant 0 : i32
      %dma_wait3A_59 = tpu.memref_slice %arg13[%add3A_11, %dma_wait3A_58] : memref<10240x32xf32, #tpu.memory_space<vmem_shared>> -> memref<128x32xf32, #tpu.memory_space<vmem_shared>>
      %dma_wait3A_60 = arith.constant 0 : i32
      %dma_wait3A_61 = tpu.memref_slice %arg13[%add3A_11, %dma_wait3A_60] : memref<10240x32xf32, #tpu.memory_space<vmem_shared>> -> memref<128x32xf32, #tpu.memory_space<vmem_shared>>
      %dma_wait3A_62 = arith.constant 0 : i32
      %dma_wait3A_63 = arith.constant 0 : i32
      %dma_wait3A_64 = tpu.memref_slice %arg11[%run_scoped3A, %dma_wait3A_62, %dma_wait3A_63] : memref<4x128x32xf32, #tpu.memory_space<vmem>> -> memref<1x128x32xf32, #tpu.memory_space<vmem>>
      %dma_wait3A_65 = tpu.memref_squeeze %dma_wait3A_64 : memref<1x128x32xf32, #tpu.memory_space<vmem>> -> memref<128x32xf32, #tpu.memory_space<vmem>>
      tpu.wait_dma2 semaphore(%run_scoped3A_43 : memref<!tpu.dma_semaphore, #tpu.memory_space<semaphore_mem>>) src(%dma_wait3A_65 : memref<128x32xf32, #tpu.memory_space<vmem>>) dst(%dma_wait3A_61 : memref<128x32xf32, #tpu.memory_space<vmem_shared>>)
      tpu.yield
    }) : () -> ()
    %mul3A_12 = arith.constant 640 : i32
    %mul3A_13 = arith.muli %arg1, %mul3A_12 : i32
    %add3A_14 = arith.constant 128 : i32
    %add3A_15 = arith.addi %mul3A_13, %add3A_14 : i32
    %run_scoped3A_16 = arith.constant 0 : i32
    "tpu.region"() ({
      %run_scoped3A_43 = tpu.sem_alloc : memref<!tpu.dma_semaphore, #tpu.memory_space<semaphore_mem>>
      %dma_start3A = arith.constant 0 : i32
      %dma_start3A_44 = arith.constant 0 : i32
      %dma_start3A_45 = tpu.memref_slice %arg11[%run_scoped3A_16, %dma_start3A, %dma_start3A_44] : memref<4x128x32xf32, #tpu.memory_space<vmem>> -> memref<1x128x32xf32, #tpu.memory_space<vmem>>
      %dma_start3A_46 = tpu.memref_squeeze %dma_start3A_45 : memref<1x128x32xf32, #tpu.memory_space<vmem>> -> memref<128x32xf32, #tpu.memory_space<vmem>>
      %dma_start3A_47 = arith.constant 0 : i32
      %dma_start3A_48 = tpu.memref_slice %arg13[%add3A_15, %dma_start3A_47] : memref<10240x32xf32, #tpu.memory_space<vmem_shared>> -> memref<128x32xf32, #tpu.memory_space<vmem_shared>>
      %dma_start3A_49 = arith.constant 0 : i32
      %dma_start3A_50 = tpu.memref_slice %arg13[%add3A_15, %dma_start3A_49] : memref<10240x32xf32, #tpu.memory_space<vmem_shared>> -> memref<128x32xf32, #tpu.memory_space<vmem_shared>>
      %dma_start3A_51 = arith.constant 0 : i32
      %dma_start3A_52 = arith.constant 0 : i32
      %dma_start3A_53 = tpu.memref_slice %arg11[%run_scoped3A_16, %dma_start3A_51, %dma_start3A_52] : memref<4x128x32xf32, #tpu.memory_space<vmem>> -> memref<1x128x32xf32, #tpu.memory_space<vmem>>
      %dma_start3A_54 = tpu.memref_squeeze %dma_start3A_53 : memref<1x128x32xf32, #tpu.memory_space<vmem>> -> memref<128x32xf32, #tpu.memory_space<vmem>>
      tpu.enqueue_dma source(%dma_start3A_54 : memref<128x32xf32, #tpu.memory_space<vmem>>) target(%dma_start3A_50 : memref<128x32xf32, #tpu.memory_space<vmem_shared>>) target_semaphore(%run_scoped3A_43 : memref<!tpu.dma_semaphore, #tpu.memory_space<semaphore_mem>>)
      %dma_wait3A = arith.constant 0 : i32
      %dma_wait3A_55 = arith.constant 0 : i32
      %dma_wait3A_56 = tpu.memref_slice %arg11[%run_scoped3A_16, %dma_wait3A, %dma_wait3A_55] : memref<4x128x32xf32, #tpu.memory_space<vmem>> -> memref<1x128x32xf32, #tpu.memory_space<vmem>>
      %dma_wait3A_57 = tpu.memref_squeeze %dma_wait3A_56 : memref<1x128x32xf32, #tpu.memory_space<vmem>> -> memref<128x32xf32, #tpu.memory_space<vmem>>
      %dma_wait3A_58 = arith.constant 0 : i32
      %dma_wait3A_59 = tpu.memref_slice %arg13[%add3A_15, %dma_wait3A_58] : memref<10240x32xf32, #tpu.memory_space<vmem_shared>> -> memref<128x32xf32, #tpu.memory_space<vmem_shared>>
      %dma_wait3A_60 = arith.constant 0 : i32
      %dma_wait3A_61 = tpu.memref_slice %arg13[%add3A_15, %dma_wait3A_60] : memref<10240x32xf32, #tpu.memory_space<vmem_shared>> -> memref<128x32xf32, #tpu.memory_space<vmem_shared>>
      %dma_wait3A_62 = arith.constant 0 : i32
      %dma_wait3A_63 = arith.constant 0 : i32
      %dma_wait3A_64 = tpu.memref_slice %arg11[%run_scoped3A_16, %dma_wait3A_62, %dma_wait3A_63] : memref<4x128x32xf32, #tpu.memory_space<vmem>> -> memref<1x128x32xf32, #tpu.memory_space<vmem>>
      %dma_wait3A_65 = tpu.memref_squeeze %dma_wait3A_64 : memref<1x128x32xf32, #tpu.memory_space<vmem>> -> memref<128x32xf32, #tpu.memory_space<vmem>>
      tpu.wait_dma2 semaphore(%run_scoped3A_43 : memref<!tpu.dma_semaphore, #tpu.memory_space<semaphore_mem>>) src(%dma_wait3A_65 : memref<128x32xf32, #tpu.memory_space<vmem>>) dst(%dma_wait3A_61 : memref<128x32xf32, #tpu.memory_space<vmem_shared>>)
      tpu.yield
    }) : () -> ()
    %mul3A_17 = arith.constant 640 : i32
    %mul3A_18 = arith.muli %arg1, %mul3A_17 : i32
    %add3A_19 = arith.constant 256 : i32
    %add3A_20 = arith.addi %mul3A_18, %add3A_19 : i32
    %run_scoped3A_21 = arith.constant 0 : i32
    "tpu.region"() ({
      %run_scoped3A_43 = tpu.sem_alloc : memref<!tpu.dma_semaphore, #tpu.memory_space<semaphore_mem>>
      %dma_start3A = arith.constant 0 : i32
      %dma_start3A_44 = arith.constant 0 : i32
      %dma_start3A_45 = tpu.memref_slice %arg11[%run_scoped3A_21, %dma_start3A, %dma_start3A_44] : memref<4x128x32xf32, #tpu.memory_space<vmem>> -> memref<1x128x32xf32, #tpu.memory_space<vmem>>
      %dma_start3A_46 = tpu.memref_squeeze %dma_start3A_45 : memref<1x128x32xf32, #tpu.memory_space<vmem>> -> memref<128x32xf32, #tpu.memory_space<vmem>>
      %dma_start3A_47 = arith.constant 0 : i32
      %dma_start3A_48 = tpu.memref_slice %arg13[%add3A_20, %dma_start3A_47] : memref<10240x32xf32, #tpu.memory_space<vmem_shared>> -> memref<128x32xf32, #tpu.memory_space<vmem_shared>>
      %dma_start3A_49 = arith.constant 0 : i32
      %dma_start3A_50 = tpu.memref_slice %arg13[%add3A_20, %dma_start3A_49] : memref<10240x32xf32, #tpu.memory_space<vmem_shared>> -> memref<128x32xf32, #tpu.memory_space<vmem_shared>>
      %dma_start3A_51 = arith.constant 0 : i32
      %dma_start3A_52 = arith.constant 0 : i32
      %dma_start3A_53 = tpu.memref_slice %arg11[%run_scoped3A_21, %dma_start3A_51, %dma_start3A_52] : memref<4x128x32xf32, #tpu.memory_space<vmem>> -> memref<1x128x32xf32, #tpu.memory_space<vmem>>
      %dma_start3A_54 = tpu.memref_squeeze %dma_start3A_53 : memref<1x128x32xf32, #tpu.memory_space<vmem>> -> memref<128x32xf32, #tpu.memory_space<vmem>>
      tpu.enqueue_dma source(%dma_start3A_54 : memref<128x32xf32, #tpu.memory_space<vmem>>) target(%dma_start3A_50 : memref<128x32xf32, #tpu.memory_space<vmem_shared>>) target_semaphore(%run_scoped3A_43 : memref<!tpu.dma_semaphore, #tpu.memory_space<semaphore_mem>>)
      %dma_wait3A = arith.constant 0 : i32
      %dma_wait3A_55 = arith.constant 0 : i32
      %dma_wait3A_56 = tpu.memref_slice %arg11[%run_scoped3A_21, %dma_wait3A, %dma_wait3A_55] : memref<4x128x32xf32, #tpu.memory_space<vmem>> -> memref<1x128x32xf32, #tpu.memory_space<vmem>>
      %dma_wait3A_57 = tpu.memref_squeeze %dma_wait3A_56 : memref<1x128x32xf32, #tpu.memory_space<vmem>> -> memref<128x32xf32, #tpu.memory_space<vmem>>
      %dma_wait3A_58 = arith.constant 0 : i32
      %dma_wait3A_59 = tpu.memref_slice %arg13[%add3A_20, %dma_wait3A_58] : memref<10240x32xf32, #tpu.memory_space<vmem_shared>> -> memref<128x32xf32, #tpu.memory_space<vmem_shared>>
      %dma_wait3A_60 = arith.constant 0 : i32
      %dma_wait3A_61 = tpu.memref_slice %arg13[%add3A_20, %dma_wait3A_60] : memref<10240x32xf32, #tpu.memory_space<vmem_shared>> -> memref<128x32xf32, #tpu.memory_space<vmem_shared>>
      %dma_wait3A_62 = arith.constant 0 : i32
      %dma_wait3A_63 = arith.constant 0 : i32
      %dma_wait3A_64 = tpu.memref_slice %arg11[%run_scoped3A_21, %dma_wait3A_62, %dma_wait3A_63] : memref<4x128x32xf32, #tpu.memory_space<vmem>> -> memref<1x128x32xf32, #tpu.memory_space<vmem>>
      %dma_wait3A_65 = tpu.memref_squeeze %dma_wait3A_64 : memref<1x128x32xf32, #tpu.memory_space<vmem>> -> memref<128x32xf32, #tpu.memory_space<vmem>>
      tpu.wait_dma2 semaphore(%run_scoped3A_43 : memref<!tpu.dma_semaphore, #tpu.memory_space<semaphore_mem>>) src(%dma_wait3A_65 : memref<128x32xf32, #tpu.memory_space<vmem>>) dst(%dma_wait3A_61 : memref<128x32xf32, #tpu.memory_space<vmem_shared>>)
      tpu.yield
    }) : () -> ()
    %mul3A_22 = arith.constant 640 : i32
    %mul3A_23 = arith.muli %arg1, %mul3A_22 : i32
    %add3A_24 = arith.constant 384 : i32
    %add3A_25 = arith.addi %mul3A_23, %add3A_24 : i32
    %run_scoped3A_26 = arith.constant 0 : i32
    "tpu.region"() ({
      %run_scoped3A_43 = tpu.sem_alloc : memref<!tpu.dma_semaphore, #tpu.memory_space<semaphore_mem>>
      %dma_start3A = arith.constant 0 : i32
      %dma_start3A_44 = arith.constant 0 : i32
      %dma_start3A_45 = tpu.memref_slice %arg11[%run_scoped3A_26, %dma_start3A, %dma_start3A_44] : memref<4x128x32xf32, #tpu.memory_space<vmem>> -> memref<1x128x32xf32, #tpu.memory_space<vmem>>
      %dma_start3A_46 = tpu.memref_squeeze %dma_start3A_45 : memref<1x128x32xf32, #tpu.memory_space<vmem>> -> memref<128x32xf32, #tpu.memory_space<vmem>>
      %dma_start3A_47 = arith.constant 0 : i32
      %dma_start3A_48 = tpu.memref_slice %arg13[%add3A_25, %dma_start3A_47] : memref<10240x32xf32, #tpu.memory_space<vmem_shared>> -> memref<128x32xf32, #tpu.memory_space<vmem_shared>>
      %dma_start3A_49 = arith.constant 0 : i32
      %dma_start3A_50 = tpu.memref_slice %arg13[%add3A_25, %dma_start3A_49] : memref<10240x32xf32, #tpu.memory_space<vmem_shared>> -> memref<128x32xf32, #tpu.memory_space<vmem_shared>>
      %dma_start3A_51 = arith.constant 0 : i32
      %dma_start3A_52 = arith.constant 0 : i32
      %dma_start3A_53 = tpu.memref_slice %arg11[%run_scoped3A_26, %dma_start3A_51, %dma_start3A_52] : memref<4x128x32xf32, #tpu.memory_space<vmem>> -> memref<1x128x32xf32, #tpu.memory_space<vmem>>
      %dma_start3A_54 = tpu.memref_squeeze %dma_start3A_53 : memref<1x128x32xf32, #tpu.memory_space<vmem>> -> memref<128x32xf32, #tpu.memory_space<vmem>>
      tpu.enqueue_dma source(%dma_start3A_54 : memref<128x32xf32, #tpu.memory_space<vmem>>) target(%dma_start3A_50 : memref<128x32xf32, #tpu.memory_space<vmem_shared>>) target_semaphore(%run_scoped3A_43 : memref<!tpu.dma_semaphore, #tpu.memory_space<semaphore_mem>>)
      %dma_wait3A = arith.constant 0 : i32
      %dma_wait3A_55 = arith.constant 0 : i32
      %dma_wait3A_56 = tpu.memref_slice %arg11[%run_scoped3A_26, %dma_wait3A, %dma_wait3A_55] : memref<4x128x32xf32, #tpu.memory_space<vmem>> -> memref<1x128x32xf32, #tpu.memory_space<vmem>>
      %dma_wait3A_57 = tpu.memref_squeeze %dma_wait3A_56 : memref<1x128x32xf32, #tpu.memory_space<vmem>> -> memref<128x32xf32, #tpu.memory_space<vmem>>
      %dma_wait3A_58 = arith.constant 0 : i32
      %dma_wait3A_59 = tpu.memref_slice %arg13[%add3A_25, %dma_wait3A_58] : memref<10240x32xf32, #tpu.memory_space<vmem_shared>> -> memref<128x32xf32, #tpu.memory_space<vmem_shared>>
      %dma_wait3A_60 = arith.constant 0 : i32
      %dma_wait3A_61 = tpu.memref_slice %arg13[%add3A_25, %dma_wait3A_60] : memref<10240x32xf32, #tpu.memory_space<vmem_shared>> -> memref<128x32xf32, #tpu.memory_space<vmem_shared>>
      %dma_wait3A_62 = arith.constant 0 : i32
      %dma_wait3A_63 = arith.constant 0 : i32
      %dma_wait3A_64 = tpu.memref_slice %arg11[%run_scoped3A_26, %dma_wait3A_62, %dma_wait3A_63] : memref<4x128x32xf32, #tpu.memory_space<vmem>> -> memref<1x128x32xf32, #tpu.memory_space<vmem>>
      %dma_wait3A_65 = tpu.memref_squeeze %dma_wait3A_64 : memref<1x128x32xf32, #tpu.memory_space<vmem>> -> memref<128x32xf32, #tpu.memory_space<vmem>>
      tpu.wait_dma2 semaphore(%run_scoped3A_43 : memref<!tpu.dma_semaphore, #tpu.memory_space<semaphore_mem>>) src(%dma_wait3A_65 : memref<128x32xf32, #tpu.memory_space<vmem>>) dst(%dma_wait3A_61 : memref<128x32xf32, #tpu.memory_space<vmem_shared>>)
      tpu.yield
    }) : () -> ()
    %mul3A_27 = arith.constant 640 : i32
    %mul3A_28 = arith.muli %arg1, %mul3A_27 : i32
    %add3A_29 = arith.constant 512 : i32
    %add3A_30 = arith.addi %mul3A_28, %add3A_29 : i32
    %run_scoped3A_31 = arith.constant 0 : i32
    "tpu.region"() ({
      %run_scoped3A_43 = tpu.sem_alloc : memref<!tpu.dma_semaphore, #tpu.memory_space<semaphore_mem>>
      %dma_start3A = arith.constant 0 : i32
      %dma_start3A_44 = arith.constant 0 : i32
      %dma_start3A_45 = tpu.memref_slice %arg11[%run_scoped3A_31, %dma_start3A, %dma_start3A_44] : memref<4x128x32xf32, #tpu.memory_space<vmem>> -> memref<1x128x32xf32, #tpu.memory_space<vmem>>
      %dma_start3A_46 = tpu.memref_squeeze %dma_start3A_45 : memref<1x128x32xf32, #tpu.memory_space<vmem>> -> memref<128x32xf32, #tpu.memory_space<vmem>>
      %dma_start3A_47 = arith.constant 0 : i32
      %dma_start3A_48 = tpu.memref_slice %arg13[%add3A_30, %dma_start3A_47] : memref<10240x32xf32, #tpu.memory_space<vmem_shared>> -> memref<128x32xf32, #tpu.memory_space<vmem_shared>>
      %dma_start3A_49 = arith.constant 0 : i32
      %dma_start3A_50 = tpu.memref_slice %arg13[%add3A_30, %dma_start3A_49] : memref<10240x32xf32, #tpu.memory_space<vmem_shared>> -> memref<128x32xf32, #tpu.memory_space<vmem_shared>>
      %dma_start3A_51 = arith.constant 0 : i32
      %dma_start3A_52 = arith.constant 0 : i32
      %dma_start3A_53 = tpu.memref_slice %arg11[%run_scoped3A_31, %dma_start3A_51, %dma_start3A_52] : memref<4x128x32xf32, #tpu.memory_space<vmem>> -> memref<1x128x32xf32, #tpu.memory_space<vmem>>
      %dma_start3A_54 = tpu.memref_squeeze %dma_start3A_53 : memref<1x128x32xf32, #tpu.memory_space<vmem>> -> memref<128x32xf32, #tpu.memory_space<vmem>>
      tpu.enqueue_dma source(%dma_start3A_54 : memref<128x32xf32, #tpu.memory_space<vmem>>) target(%dma_start3A_50 : memref<128x32xf32, #tpu.memory_space<vmem_shared>>) target_semaphore(%run_scoped3A_43 : memref<!tpu.dma_semaphore, #tpu.memory_space<semaphore_mem>>)
      %dma_wait3A = arith.constant 0 : i32
      %dma_wait3A_55 = arith.constant 0 : i32
      %dma_wait3A_56 = tpu.memref_slice %arg11[%run_scoped3A_31, %dma_wait3A, %dma_wait3A_55] : memref<4x128x32xf32, #tpu.memory_space<vmem>> -> memref<1x128x32xf32, #tpu.memory_space<vmem>>
      %dma_wait3A_57 = tpu.memref_squeeze %dma_wait3A_56 : memref<1x128x32xf32, #tpu.memory_space<vmem>> -> memref<128x32xf32, #tpu.memory_space<vmem>>
      %dma_wait3A_58 = arith.constant 0 : i32
      %dma_wait3A_59 = tpu.memref_slice %arg13[%add3A_30, %dma_wait3A_58] : memref<10240x32xf32, #tpu.memory_space<vmem_shared>> -> memref<128x32xf32, #tpu.memory_space<vmem_shared>>
      %dma_wait3A_60 = arith.constant 0 : i32
      %dma_wait3A_61 = tpu.memref_slice %arg13[%add3A_30, %dma_wait3A_60] : memref<10240x32xf32, #tpu.memory_space<vmem_shared>> -> memref<128x32xf32, #tpu.memory_space<vmem_shared>>
      %dma_wait3A_62 = arith.constant 0 : i32
      %dma_wait3A_63 = arith.constant 0 : i32
      %dma_wait3A_64 = tpu.memref_slice %arg11[%run_scoped3A_31, %dma_wait3A_62, %dma_wait3A_63] : memref<4x128x32xf32, #tpu.memory_space<vmem>> -> memref<1x128x32xf32, #tpu.memory_space<vmem>>
      %dma_wait3A_65 = tpu.memref_squeeze %dma_wait3A_64 : memref<1x128x32xf32, #tpu.memory_space<vmem>> -> memref<128x32xf32, #tpu.memory_space<vmem>>
      tpu.wait_dma2 semaphore(%run_scoped3A_43 : memref<!tpu.dma_semaphore, #tpu.memory_space<semaphore_mem>>) src(%dma_wait3A_65 : memref<128x32xf32, #tpu.memory_space<vmem>>) dst(%dma_wait3A_61 : memref<128x32xf32, #tpu.memory_space<vmem_shared>>)
      tpu.yield
    }) : () -> ()
    %barrier3A = arith.constant 0 : index
    tpu.barrier barrier_id(%barrier3A)
    %lt3A = arith.constant 31 : i32
    %lt3A_32 = arith.cmpi slt, %add3A, %lt3A : i32
    %convert_element_type3A = arith.extui %lt3A_32 : i1 to i32
    %cond3A = arith.constant 0 : i32
    %cond3A_33 = arith.cmpi ne, %convert_element_type3A, %cond3A : i32
    scf.if %cond3A_33 {
      %mul3A_43 = arith.constant 5120 : i32
      %mul3A_44 = arith.muli %add3A, %mul3A_43 : i32
      %run_scoped3A_45 = arith.constant 0 : i32
      "tpu.region"() ({
        %run_scoped3A_61 = tpu.sem_alloc : memref<!tpu.dma_semaphore, #tpu.memory_space<semaphore_mem>>
        %dma_start3A = arith.constant 0 : i32
        %dma_start3A_62 = tpu.memref_slice %arg6[%dma_start3A] : memref<5120xi32, #tpu.memory_space<vmem>> -> memref<5120xi32, #tpu.memory_space<vmem>>
        %dma_start3A_63 = tpu.memref_slice %arg2[%run_scoped3A_45, %mul3A_44] : memref<2x160000xi32, #tpu.memory_space<hbm>> -> memref<1x5120xi32, #tpu.memory_space<hbm>>
        %dma_start3A_64 = tpu.memref_squeeze %dma_start3A_63 : memref<1x5120xi32, #tpu.memory_space<hbm>> -> memref<5120xi32, #tpu.memory_space<hbm>>
        %dma_start3A_65 = arith.constant 0 : i32
        %dma_start3A_66 = tpu.memref_slice %arg6[%dma_start3A_65] : memref<5120xi32, #tpu.memory_space<vmem>> -> memref<5120xi32, #tpu.memory_space<vmem>>
        %dma_start3A_67 = tpu.memref_slice %arg2[%run_scoped3A_45, %mul3A_44] : memref<2x160000xi32, #tpu.memory_space<hbm>> -> memref<1x5120xi32, #tpu.memory_space<hbm>>
        %dma_start3A_68 = tpu.memref_squeeze %dma_start3A_67 : memref<1x5120xi32, #tpu.memory_space<hbm>> -> memref<5120xi32, #tpu.memory_space<hbm>>
        tpu.enqueue_dma source(%dma_start3A_68 : memref<5120xi32, #tpu.memory_space<hbm>>) target(%dma_start3A_66 : memref<5120xi32, #tpu.memory_space<vmem>>) target_semaphore(%run_scoped3A_61 : memref<!tpu.dma_semaphore, #tpu.memory_space<semaphore_mem>>)
        %dma_wait3A = arith.constant 0 : i32
        %dma_wait3A_69 = tpu.memref_slice %arg6[%dma_wait3A] : memref<5120xi32, #tpu.memory_space<vmem>> -> memref<5120xi32, #tpu.memory_space<vmem>>
        %dma_wait3A_70 = tpu.memref_slice %arg2[%run_scoped3A_45, %mul3A_44] : memref<2x160000xi32, #tpu.memory_space<hbm>> -> memref<1x5120xi32, #tpu.memory_space<hbm>>
        %dma_wait3A_71 = tpu.memref_squeeze %dma_wait3A_70 : memref<1x5120xi32, #tpu.memory_space<hbm>> -> memref<5120xi32, #tpu.memory_space<hbm>>
        %dma_wait3A_72 = arith.constant 0 : i32
        %dma_wait3A_73 = tpu.memref_slice %arg6[%dma_wait3A_72] : memref<5120xi32, #tpu.memory_space<vmem>> -> memref<5120xi32, #tpu.memory_space<vmem>>
        %dma_wait3A_74 = tpu.memref_slice %arg2[%run_scoped3A_45, %mul3A_44] : memref<2x160000xi32, #tpu.memory_space<hbm>> -> memref<1x5120xi32, #tpu.memory_space<hbm>>
        %dma_wait3A_75 = tpu.memref_squeeze %dma_wait3A_74 : memref<1x5120xi32, #tpu.memory_space<hbm>> -> memref<5120xi32, #tpu.memory_space<hbm>>
        tpu.wait_dma2 semaphore(%run_scoped3A_61 : memref<!tpu.dma_semaphore, #tpu.memory_space<semaphore_mem>>) src(%dma_wait3A_75 : memref<5120xi32, #tpu.memory_space<hbm>>) dst(%dma_wait3A_73 : memref<5120xi32, #tpu.memory_space<vmem>>)
        tpu.yield
      }) : () -> ()
      %run_scoped3A_46 = arith.constant 1 : i32
      "tpu.region"() ({
        %run_scoped3A_61 = tpu.sem_alloc : memref<!tpu.dma_semaphore, #tpu.memory_space<semaphore_mem>>
        %dma_start3A = arith.constant 0 : i32
        %dma_start3A_62 = tpu.memref_slice %arg8[%dma_start3A] : memref<5120xi32, #tpu.memory_space<vmem>> -> memref<5120xi32, #tpu.memory_space<vmem>>
        %dma_start3A_63 = tpu.memref_slice %arg2[%run_scoped3A_46, %mul3A_44] : memref<2x160000xi32, #tpu.memory_space<hbm>> -> memref<1x5120xi32, #tpu.memory_space<hbm>>
        %dma_start3A_64 = tpu.memref_squeeze %dma_start3A_63 : memref<1x5120xi32, #tpu.memory_space<hbm>> -> memref<5120xi32, #tpu.memory_space<hbm>>
        %dma_start3A_65 = arith.constant 0 : i32
        %dma_start3A_66 = tpu.memref_slice %arg8[%dma_start3A_65] : memref<5120xi32, #tpu.memory_space<vmem>> -> memref<5120xi32, #tpu.memory_space<vmem>>
        %dma_start3A_67 = tpu.memref_slice %arg2[%run_scoped3A_46, %mul3A_44] : memref<2x160000xi32, #tpu.memory_space<hbm>> -> memref<1x5120xi32, #tpu.memory_space<hbm>>
        %dma_start3A_68 = tpu.memref_squeeze %dma_start3A_67 : memref<1x5120xi32, #tpu.memory_space<hbm>> -> memref<5120xi32, #tpu.memory_space<hbm>>
        tpu.enqueue_dma source(%dma_start3A_68 : memref<5120xi32, #tpu.memory_space<hbm>>) target(%dma_start3A_66 : memref<5120xi32, #tpu.memory_space<vmem>>) target_semaphore(%run_scoped3A_61 : memref<!tpu.dma_semaphore, #tpu.memory_space<semaphore_mem>>)
        %dma_wait3A = arith.constant 0 : i32
        %dma_wait3A_69 = tpu.memref_slice %arg8[%dma_wait3A] : memref<5120xi32, #tpu.memory_space<vmem>> -> memref<5120xi32, #tpu.memory_space<vmem>>
        %dma_wait3A_70 = tpu.memref_slice %arg2[%run_scoped3A_46, %mul3A_44] : memref<2x160000xi32, #tpu.memory_space<hbm>> -> memref<1x5120xi32, #tpu.memory_space<hbm>>
        %dma_wait3A_71 = tpu.memref_squeeze %dma_wait3A_70 : memref<1x5120xi32, #tpu.memory_space<hbm>> -> memref<5120xi32, #tpu.memory_space<hbm>>
        %dma_wait3A_72 = arith.constant 0 : i32
        %dma_wait3A_73 = tpu.memref_slice %arg8[%dma_wait3A_72] : memref<5120xi32, #tpu.memory_space<vmem>> -> memref<5120xi32, #tpu.memory_space<vmem>>
        %dma_wait3A_74 = tpu.memref_slice %arg2[%run_scoped3A_46, %mul3A_44] : memref<2x160000xi32, #tpu.memory_space<hbm>> -> memref<1x5120xi32, #tpu.memory_space<hbm>>
        %dma_wait3A_75 = tpu.memref_squeeze %dma_wait3A_74 : memref<1x5120xi32, #tpu.memory_space<hbm>> -> memref<5120xi32, #tpu.memory_space<hbm>>
        tpu.wait_dma2 semaphore(%run_scoped3A_61 : memref<!tpu.dma_semaphore, #tpu.memory_space<semaphore_mem>>) src(%dma_wait3A_75 : memref<5120xi32, #tpu.memory_space<hbm>>) dst(%dma_wait3A_73 : memref<5120xi32, #tpu.memory_space<vmem>>)
        tpu.yield
      }) : () -> ()
      "tpu.region"() ({
        %run_scoped3A_61 = tpu.sem_alloc : memref<!tpu.dma_semaphore, #tpu.memory_space<semaphore_mem>>
        %dma_start3A = arith.constant 0 : i32
        %dma_start3A_62 = tpu.memref_slice %arg7[%dma_start3A] : memref<5120xi32, #tpu.memory_space<vmem>> -> memref<5120xi32, #tpu.memory_space<vmem>>
        %dma_start3A_63 = tpu.memref_slice %arg3[%mul3A_44] : memref<160000xi32, #tpu.memory_space<hbm>> -> memref<5120xi32, #tpu.memory_space<hbm>>
        %dma_start3A_64 = arith.constant 0 : i32
        %dma_start3A_65 = tpu.memref_slice %arg7[%dma_start3A_64] : memref<5120xi32, #tpu.memory_space<vmem>> -> memref<5120xi32, #tpu.memory_space<vmem>>
        %dma_start3A_66 = tpu.memref_slice %arg3[%mul3A_44] : memref<160000xi32, #tpu.memory_space<hbm>> -> memref<5120xi32, #tpu.memory_space<hbm>>
        tpu.enqueue_dma source(%dma_start3A_66 : memref<5120xi32, #tpu.memory_space<hbm>>) target(%dma_start3A_65 : memref<5120xi32, #tpu.memory_space<vmem>>) target_semaphore(%run_scoped3A_61 : memref<!tpu.dma_semaphore, #tpu.memory_space<semaphore_mem>>)
        %dma_wait3A = arith.constant 0 : i32
        %dma_wait3A_67 = tpu.memref_slice %arg7[%dma_wait3A] : memref<5120xi32, #tpu.memory_space<vmem>> -> memref<5120xi32, #tpu.memory_space<vmem>>
        %dma_wait3A_68 = tpu.memref_slice %arg3[%mul3A_44] : memref<160000xi32, #tpu.memory_space<hbm>> -> memref<5120xi32, #tpu.memory_space<hbm>>
        %dma_wait3A_69 = arith.constant 0 : i32
        %dma_wait3A_70 = tpu.memref_slice %arg7[%dma_wait3A_69] : memref<5120xi32, #tpu.memory_space<vmem>> -> memref<5120xi32, #tpu.memory_space<vmem>>
        %dma_wait3A_71 = tpu.memref_slice %arg3[%mul3A_44] : memref<160000xi32, #tpu.memory_space<hbm>> -> memref<5120xi32, #tpu.memory_space<hbm>>
        tpu.wait_dma2 semaphore(%run_scoped3A_61 : memref<!tpu.dma_semaphore, #tpu.memory_space<semaphore_mem>>) src(%dma_wait3A_71 : memref<5120xi32, #tpu.memory_space<hbm>>) dst(%dma_wait3A_70 : memref<5120xi32, #tpu.memory_space<vmem>>)
        tpu.yield
      }) : () -> ()
      %scan3A_47 = arith.constant 0 : i32
      %scan3A_48 = arith.constant 0 : i32
      %scan3A_49 = arith.constant 40 : i32
      %scan3A_50 = arith.addi %scan3A_48, %scan3A_49 : i32
      %scan3A_51 = arith.constant 1 : i32
      %scan3A_52 = scf.for %scan3A_61 = %scan3A_48 to %scan3A_50 step %scan3A_51 iter_args(%scan3A_62 = %scan3A_47) -> (i32)  : i32 {
        %mul3A_63 = arith.constant 128 : i32
        %mul3A_64 = arith.muli %scan3A_61, %mul3A_63 : i32
        %add3A_65 = arith.constant 0 : i32
        %add3A_66 = arith.addi %mul3A_64, %add3A_65 : i32
        %get3A = arith.index_cast %add3A_66 : i32 to index
        %get3A_67 = tpu.vector_load %arg6[%get3A] {strides = array<i32>} : memref<5120xi32, #tpu.memory_space<vmem>>, vector<16xi32>,
        %get3A_68 = vector.shape_cast %get3A_67 : vector<16xi32> to vector<16xi32>
        %mul3A_69 = arith.constant 4 : i32
        %mul3A_70 = vector.broadcast %mul3A_69 : i32 to vector<16xi32>
        %mul3A_71 = arith.muli %get3A_68, %mul3A_70 : vector<16xi32>
        %get3A_72 = arith.index_cast %add3A_66 : i32 to index
        %get3A_73 = tpu.vector_load %arg7[%get3A_72] {strides = array<i32>} : memref<5120xi32, #tpu.memory_space<vmem>>, vector<16xi32>,
        %get3A_74 = vector.shape_cast %get3A_73 : vector<16xi32> to vector<16xi32>
        %add3A_75 = arith.addi %mul3A_71, %get3A_74 : vector<16xi32>
        %swap3A = arith.index_cast %scan3A_61 : i32 to index
        %swap3A_76 = arith.constant 0 : index
        %swap3A_77 = tpu.vector_load %arg9[%swap3A, %swap3A_76] {strides = array<i32>} : memref<40x128xi32, #tpu.memory_space<vmem>>, vector<1x16xi32>,
        %swap3A_78 = vector.shape_cast %swap3A_77 : vector<1x16xi32> to vector<16xi32>
        %swap3A_79 = vector.shape_cast %add3A_75 : vector<16xi32> to vector<1x16xi32>
        tpu.vector_store %arg9[%swap3A, %swap3A_76], %swap3A_79 {strides = array<i32>} : memref<40x128xi32, #tpu.memory_space<vmem>>, vector<1x16xi32>,
        %get3A_80 = arith.index_cast %add3A_66 : i32 to index
        %get3A_81 = tpu.vector_load %arg8[%get3A_80] {strides = array<i32>} : memref<5120xi32, #tpu.memory_space<vmem>>, vector<16xi32>,
        %get3A_82 = vector.shape_cast %get3A_81 : vector<16xi32> to vector<16xi32>
        %swap3A_83 = arith.index_cast %scan3A_61 : i32 to index
        %swap3A_84 = arith.constant 0 : index
        %swap3A_85 = tpu.vector_load %arg10[%swap3A_83, %swap3A_84] {strides = array<i32>} : memref<40x128xi32, #tpu.memory_space<vmem>>, vector<1x16xi32>,
        %swap3A_86 = vector.shape_cast %swap3A_85 : vector<1x16xi32> to vector<16xi32>
        %swap3A_87 = vector.shape_cast %get3A_82 : vector<16xi32> to vector<1x16xi32>
        tpu.vector_store %arg10[%swap3A_83, %swap3A_84], %swap3A_87 {strides = array<i32>} : memref<40x128xi32, #tpu.memory_space<vmem>>, vector<1x16xi32>,
        %mul3A_88 = arith.constant 128 : i32
        %mul3A_89 = arith.muli %scan3A_61, %mul3A_88 : i32
        %add3A_90 = arith.constant 16 : i32
        %add3A_91 = arith.addi %mul3A_89, %add3A_90 : i32
        %get3A_92 = arith.index_cast %add3A_91 : i32 to index
        %get3A_93 = tpu.vector_load %arg6[%get3A_92] {strides = array<i32>} : memref<5120xi32, #tpu.memory_space<vmem>>, vector<16xi32>,
        %get3A_94 = vector.shape_cast %get3A_93 : vector<16xi32> to vector<16xi32>
        %mul3A_95 = arith.constant 4 : i32
        %mul3A_96 = vector.broadcast %mul3A_95 : i32 to vector<16xi32>
        %mul3A_97 = arith.muli %get3A_94, %mul3A_96 : vector<16xi32>
        %get3A_98 = arith.index_cast %add3A_91 : i32 to index
        %get3A_99 = tpu.vector_load %arg7[%get3A_98] {strides = array<i32>} : memref<5120xi32, #tpu.memory_space<vmem>>, vector<16xi32>,
        %get3A_100 = vector.shape_cast %get3A_99 : vector<16xi32> to vector<16xi32>
        %add3A_101 = arith.addi %mul3A_97, %get3A_100 : vector<16xi32>
        %swap3A_102 = arith.index_cast %scan3A_61 : i32 to index
        %swap3A_103 = arith.constant 16 : index
        %swap3A_104 = tpu.vector_load %arg9[%swap3A_102, %swap3A_103] {strides = array<i32>} : memref<40x128xi32, #tpu.memory_space<vmem>>, vector<1x16xi32>,
        %swap3A_105 = vector.shape_cast %swap3A_104 : vector<1x16xi32> to vector<16xi32>
        %swap3A_106 = vector.shape_cast %add3A_101 : vector<16xi32> to vector<1x16xi32>
        tpu.vector_store %arg9[%swap3A_102, %swap3A_103], %swap3A_106 {strides = array<i32>} : memref<40x128xi32, #tpu.memory_space<vmem>>, vector<1x16xi32>,
        %get3A_107 = arith.index_cast %add3A_91 : i32 to index
        %get3A_108 = tpu.vector_load %arg8[%get3A_107] {strides = array<i32>} : memref<5120xi32, #tpu.memory_space<vmem>>, vector<16xi32>,
        %get3A_109 = vector.shape_cast %get3A_108 : vector<16xi32> to vector<16xi32>
        %swap3A_110 = arith.index_cast %scan3A_61 : i32 to index
        %swap3A_111 = arith.constant 16 : index
        %swap3A_112 = tpu.vector_load %arg10[%swap3A_110, %swap3A_111] {strides = array<i32>} : memref<40x128xi32, #tpu.memory_space<vmem>>, vector<1x16xi32>,
        %swap3A_113 = vector.shape_cast %swap3A_112 : vector<1x16xi32> to vector<16xi32>
        %swap3A_114 = vector.shape_cast %get3A_109 : vector<16xi32> to vector<1x16xi32>
        tpu.vector_store %arg10[%swap3A_110, %swap3A_111], %swap3A_114 {strides = array<i32>} : memref<40x128xi32, #tpu.memory_space<vmem>>, vector<1x16xi32>,
        %mul3A_115 = arith.constant 128 : i32
        %mul3A_116 = arith.muli %scan3A_61, %mul3A_115 : i32
        %add3A_117 = arith.constant 32 : i32
        %add3A_118 = arith.addi %mul3A_116, %add3A_117 : i32
        %get3A_119 = arith.index_cast %add3A_118 : i32 to index
        %get3A_120 = tpu.vector_load %arg6[%get3A_119] {strides = array<i32>} : memref<5120xi32, #tpu.memory_space<vmem>>, vector<16xi32>,
        %get3A_121 = vector.shape_cast %get3A_120 : vector<16xi32> to vector<16xi32>
        %mul3A_122 = arith.constant 4 : i32
        %mul3A_123 = vector.broadcast %mul3A_122 : i32 to vector<16xi32>
        %mul3A_124 = arith.muli %get3A_121, %mul3A_123 : vector<16xi32>
        %get3A_125 = arith.index_cast %add3A_118 : i32 to index
        %get3A_126 = tpu.vector_load %arg7[%get3A_125] {strides = array<i32>} : memref<5120xi32, #tpu.memory_space<vmem>>, vector<16xi32>,
        %get3A_127 = vector.shape_cast %get3A_126 : vector<16xi32> to vector<16xi32>
        %add3A_128 = arith.addi %mul3A_124, %get3A_127 : vector<16xi32>
        %swap3A_129 = arith.index_cast %scan3A_61 : i32 to index
        %swap3A_130 = arith.constant 32 : index
        %swap3A_131 = tpu.vector_load %arg9[%swap3A_129, %swap3A_130] {strides = array<i32>} : memref<40x128xi32, #tpu.memory_space<vmem>>, vector<1x16xi32>,
        %swap3A_132 = vector.shape_cast %swap3A_131 : vector<1x16xi32> to vector<16xi32>
        %swap3A_133 = vector.shape_cast %add3A_128 : vector<16xi32> to vector<1x16xi32>
        tpu.vector_store %arg9[%swap3A_129, %swap3A_130], %swap3A_133 {strides = array<i32>} : memref<40x128xi32, #tpu.memory_space<vmem>>, vector<1x16xi32>,
        %get3A_134 = arith.index_cast %add3A_118 : i32 to index
        %get3A_135 = tpu.vector_load %arg8[%get3A_134] {strides = array<i32>} : memref<5120xi32, #tpu.memory_space<vmem>>, vector<16xi32>,
        %get3A_136 = vector.shape_cast %get3A_135 : vector<16xi32> to vector<16xi32>
        %swap3A_137 = arith.index_cast %scan3A_61 : i32 to index
        %swap3A_138 = arith.constant 32 : index
        %swap3A_139 = tpu.vector_load %arg10[%swap3A_137, %swap3A_138] {strides = array<i32>} : memref<40x128xi32, #tpu.memory_space<vmem>>, vector<1x16xi32>,
        %swap3A_140 = vector.shape_cast %swap3A_139 : vector<1x16xi32> to vector<16xi32>
        %swap3A_141 = vector.shape_cast %get3A_136 : vector<16xi32> to vector<1x16xi32>
        tpu.vector_store %arg10[%swap3A_137, %swap3A_138], %swap3A_141 {strides = array<i32>} : memref<40x128xi32, #tpu.memory_space<vmem>>, vector<1x16xi32>,
        %mul3A_142 = arith.constant 128 : i32
        %mul3A_143 = arith.muli %scan3A_61, %mul3A_142 : i32
        %add3A_144 = arith.constant 48 : i32
        %add3A_145 = arith.addi %mul3A_143, %add3A_144 : i32
        %get3A_146 = arith.index_cast %add3A_145 : i32 to index
        %get3A_147 = tpu.vector_load %arg6[%get3A_146] {strides = array<i32>} : memref<5120xi32, #tpu.memory_space<vmem>>, vector<16xi32>,
        %get3A_148 = vector.shape_cast %get3A_147 : vector<16xi32> to vector<16xi32>
        %mul3A_149 = arith.constant 4 : i32
        %mul3A_150 = vector.broadcast %mul3A_149 : i32 to vector<16xi32>
        %mul3A_151 = arith.muli %get3A_148, %mul3A_150 : vector<16xi32>
        %get3A_152 = arith.index_cast %add3A_145 : i32 to index
        %get3A_153 = tpu.vector_load %arg7[%get3A_152] {strides = array<i32>} : memref<5120xi32, #tpu.memory_space<vmem>>, vector<16xi32>,
        %get3A_154 = vector.shape_cast %get3A_153 : vector<16xi32> to vector<16xi32>
        %add3A_155 = arith.addi %mul3A_151, %get3A_154 : vector<16xi32>
        %swap3A_156 = arith.index_cast %scan3A_61 : i32 to index
        %swap3A_157 = arith.constant 48 : index
        %swap3A_158 = tpu.vector_load %arg9[%swap3A_156, %swap3A_157] {strides = array<i32>} : memref<40x128xi32, #tpu.memory_space<vmem>>, vector<1x16xi32>,
        %swap3A_159 = vector.shape_cast %swap3A_158 : vector<1x16xi32> to vector<16xi32>
        %swap3A_160 = vector.shape_cast %add3A_155 : vector<16xi32> to vector<1x16xi32>
        tpu.vector_store %arg9[%swap3A_156, %swap3A_157], %swap3A_160 {strides = array<i32>} : memref<40x128xi32, #tpu.memory_space<vmem>>, vector<1x16xi32>,
        %get3A_161 = arith.index_cast %add3A_145 : i32 to index
        %get3A_162 = tpu.vector_load %arg8[%get3A_161] {strides = array<i32>} : memref<5120xi32, #tpu.memory_space<vmem>>, vector<16xi32>,
        %get3A_163 = vector.shape_cast %get3A_162 : vector<16xi32> to vector<16xi32>
        %swap3A_164 = arith.index_cast %scan3A_61 : i32 to index
        %swap3A_165 = arith.constant 48 : index
        %swap3A_166 = tpu.vector_load %arg10[%swap3A_164, %swap3A_165] {strides = array<i32>} : memref<40x128xi32, #tpu.memory_space<vmem>>, vector<1x16xi32>,
        %swap3A_167 = vector.shape_cast %swap3A_166 : vector<1x16xi32> to vector<16xi32>
        %swap3A_168 = vector.shape_cast %get3A_163 : vector<16xi32> to vector<1x16xi32>
        tpu.vector_store %arg10[%swap3A_164, %swap3A_165], %swap3A_168 {strides = array<i32>} : memref<40x128xi32, #tpu.memory_space<vmem>>, vector<1x16xi32>,
        %mul3A_169 = arith.constant 128 : i32
        %mul3A_170 = arith.muli %scan3A_61, %mul3A_169 : i32
        %add3A_171 = arith.constant 64 : i32
        %add3A_172 = arith.addi %mul3A_170, %add3A_171 : i32
        %get3A_173 = arith.index_cast %add3A_172 : i32 to index
        %get3A_174 = tpu.vector_load %arg6[%get3A_173] {strides = array<i32>} : memref<5120xi32, #tpu.memory_space<vmem>>, vector<16xi32>,
        %get3A_175 = vector.shape_cast %get3A_174 : vector<16xi32> to vector<16xi32>
        %mul3A_176 = arith.constant 4 : i32
        %mul3A_177 = vector.broadcast %mul3A_176 : i32 to vector<16xi32>
        %mul3A_178 = arith.muli %get3A_175, %mul3A_177 : vector<16xi32>
        %get3A_179 = arith.index_cast %add3A_172 : i32 to index
        %get3A_180 = tpu.vector_load %arg7[%get3A_179] {strides = array<i32>} : memref<5120xi32, #tpu.memory_space<vmem>>, vector<16xi32>,
        %get3A_181 = vector.shape_cast %get3A_180 : vector<16xi32> to vector<16xi32>
        %add3A_182 = arith.addi %mul3A_178, %get3A_181 : vector<16xi32>
        %swap3A_183 = arith.index_cast %scan3A_61 : i32 to index
        %swap3A_184 = arith.constant 64 : index
        %swap3A_185 = tpu.vector_load %arg9[%swap3A_183, %swap3A_184] {strides = array<i32>} : memref<40x128xi32, #tpu.memory_space<vmem>>, vector<1x16xi32>,
        %swap3A_186 = vector.shape_cast %swap3A_185 : vector<1x16xi32> to vector<16xi32>
        %swap3A_187 = vector.shape_cast %add3A_182 : vector<16xi32> to vector<1x16xi32>
        tpu.vector_store %arg9[%swap3A_183, %swap3A_184], %swap3A_187 {strides = array<i32>} : memref<40x128xi32, #tpu.memory_space<vmem>>, vector<1x16xi32>,
        %get3A_188 = arith.index_cast %add3A_172 : i32 to index
        %get3A_189 = tpu.vector_load %arg8[%get3A_188] {strides = array<i32>} : memref<5120xi32, #tpu.memory_space<vmem>>, vector<16xi32>,
        %get3A_190 = vector.shape_cast %get3A_189 : vector<16xi32> to vector<16xi32>
        %swap3A_191 = arith.index_cast %scan3A_61 : i32 to index
        %swap3A_192 = arith.constant 64 : index
        %swap3A_193 = tpu.vector_load %arg10[%swap3A_191, %swap3A_192] {strides = array<i32>} : memref<40x128xi32, #tpu.memory_space<vmem>>, vector<1x16xi32>,
        %swap3A_194 = vector.shape_cast %swap3A_193 : vector<1x16xi32> to vector<16xi32>
        %swap3A_195 = vector.shape_cast %get3A_190 : vector<16xi32> to vector<1x16xi32>
        tpu.vector_store %arg10[%swap3A_191, %swap3A_192], %swap3A_195 {strides = array<i32>} : memref<40x128xi32, #tpu.memory_space<vmem>>, vector<1x16xi32>,
        %mul3A_196 = arith.constant 128 : i32
        %mul3A_197 = arith.muli %scan3A_61, %mul3A_196 : i32
        %add3A_198 = arith.constant 80 : i32
        %add3A_199 = arith.addi %mul3A_197, %add3A_198 : i32
        %get3A_200 = arith.index_cast %add3A_199 : i32 to index
        %get3A_201 = tpu.vector_load %arg6[%get3A_200] {strides = array<i32>} : memref<5120xi32, #tpu.memory_space<vmem>>, vector<16xi32>,
        %get3A_202 = vector.shape_cast %get3A_201 : vector<16xi32> to vector<16xi32>
        %mul3A_203 = arith.constant 4 : i32
        %mul3A_204 = vector.broadcast %mul3A_203 : i32 to vector<16xi32>
        %mul3A_205 = arith.muli %get3A_202, %mul3A_204 : vector<16xi32>
        %get3A_206 = arith.index_cast %add3A_199 : i32 to index
        %get3A_207 = tpu.vector_load %arg7[%get3A_206] {strides = array<i32>} : memref<5120xi32, #tpu.memory_space<vmem>>, vector<16xi32>,
        %get3A_208 = vector.shape_cast %get3A_207 : vector<16xi32> to vector<16xi32>
        %add3A_209 = arith.addi %mul3A_205, %get3A_208 : vector<16xi32>
        %swap3A_210 = arith.index_cast %scan3A_61 : i32 to index
        %swap3A_211 = arith.constant 80 : index
        %swap3A_212 = tpu.vector_load %arg9[%swap3A_210, %swap3A_211] {strides = array<i32>} : memref<40x128xi32, #tpu.memory_space<vmem>>, vector<1x16xi32>,
        %swap3A_213 = vector.shape_cast %swap3A_212 : vector<1x16xi32> to vector<16xi32>
        %swap3A_214 = vector.shape_cast %add3A_209 : vector<16xi32> to vector<1x16xi32>
        tpu.vector_store %arg9[%swap3A_210, %swap3A_211], %swap3A_214 {strides = array<i32>} : memref<40x128xi32, #tpu.memory_space<vmem>>, vector<1x16xi32>,
        %get3A_215 = arith.index_cast %add3A_199 : i32 to index
        %get3A_216 = tpu.vector_load %arg8[%get3A_215] {strides = array<i32>} : memref<5120xi32, #tpu.memory_space<vmem>>, vector<16xi32>,
        %get3A_217 = vector.shape_cast %get3A_216 : vector<16xi32> to vector<16xi32>
        %swap3A_218 = arith.index_cast %scan3A_61 : i32 to index
        %swap3A_219 = arith.constant 80 : index
        %swap3A_220 = tpu.vector_load %arg10[%swap3A_218, %swap3A_219] {strides = array<i32>} : memref<40x128xi32, #tpu.memory_space<vmem>>, vector<1x16xi32>,
        %swap3A_221 = vector.shape_cast %swap3A_220 : vector<1x16xi32> to vector<16xi32>
        %swap3A_222 = vector.shape_cast %get3A_217 : vector<16xi32> to vector<1x16xi32>
        tpu.vector_store %arg10[%swap3A_218, %swap3A_219], %swap3A_222 {strides = array<i32>} : memref<40x128xi32, #tpu.memory_space<vmem>>, vector<1x16xi32>,
        %mul3A_223 = arith.constant 128 : i32
        %mul3A_224 = arith.muli %scan3A_61, %mul3A_223 : i32
        %add3A_225 = arith.constant 96 : i32
        %add3A_226 = arith.addi %mul3A_224, %add3A_225 : i32
        %get3A_227 = arith.index_cast %add3A_226 : i32 to index
        %get3A_228 = tpu.vector_load %arg6[%get3A_227] {strides = array<i32>} : memref<5120xi32, #tpu.memory_space<vmem>>, vector<16xi32>,
        %get3A_229 = vector.shape_cast %get3A_228 : vector<16xi32> to vector<16xi32>
        %mul3A_230 = arith.constant 4 : i32
        %mul3A_231 = vector.broadcast %mul3A_230 : i32 to vector<16xi32>
        %mul3A_232 = arith.muli %get3A_229, %mul3A_231 : vector<16xi32>
        %get3A_233 = arith.index_cast %add3A_226 : i32 to index
        %get3A_234 = tpu.vector_load %arg7[%get3A_233] {strides = array<i32>} : memref<5120xi32, #tpu.memory_space<vmem>>, vector<16xi32>,
        %get3A_235 = vector.shape_cast %get3A_234 : vector<16xi32> to vector<16xi32>
        %add3A_236 = arith.addi %mul3A_232, %get3A_235 : vector<16xi32>
        %swap3A_237 = arith.index_cast %scan3A_61 : i32 to index
        %swap3A_238 = arith.constant 96 : index
        %swap3A_239 = tpu.vector_load %arg9[%swap3A_237, %swap3A_238] {strides = array<i32>} : memref<40x128xi32, #tpu.memory_space<vmem>>, vector<1x16xi32>,
        %swap3A_240 = vector.shape_cast %swap3A_239 : vector<1x16xi32> to vector<16xi32>
        %swap3A_241 = vector.shape_cast %add3A_236 : vector<16xi32> to vector<1x16xi32>
        tpu.vector_store %arg9[%swap3A_237, %swap3A_238], %swap3A_241 {strides = array<i32>} : memref<40x128xi32, #tpu.memory_space<vmem>>, vector<1x16xi32>,
        %get3A_242 = arith.index_cast %add3A_226 : i32 to index
        %get3A_243 = tpu.vector_load %arg8[%get3A_242] {strides = array<i32>} : memref<5120xi32, #tpu.memory_space<vmem>>, vector<16xi32>,
        %get3A_244 = vector.shape_cast %get3A_243 : vector<16xi32> to vector<16xi32>
        %swap3A_245 = arith.index_cast %scan3A_61 : i32 to index
        %swap3A_246 = arith.constant 96 : index
        %swap3A_247 = tpu.vector_load %arg10[%swap3A_245, %swap3A_246] {strides = array<i32>} : memref<40x128xi32, #tpu.memory_space<vmem>>, vector<1x16xi32>,
        %swap3A_248 = vector.shape_cast %swap3A_247 : vector<1x16xi32> to vector<16xi32>
        %swap3A_249 = vector.shape_cast %get3A_244 : vector<16xi32> to vector<1x16xi32>
        tpu.vector_store %arg10[%swap3A_245, %swap3A_246], %swap3A_249 {strides = array<i32>} : memref<40x128xi32, #tpu.memory_space<vmem>>, vector<1x16xi32>,
        %mul3A_250 = arith.constant 128 : i32
        %mul3A_251 = arith.muli %scan3A_61, %mul3A_250 : i32
        %add3A_252 = arith.constant 112 : i32
        %add3A_253 = arith.addi %mul3A_251, %add3A_252 : i32
        %get3A_254 = arith.index_cast %add3A_253 : i32 to index
        %get3A_255 = tpu.vector_load %arg6[%get3A_254] {strides = array<i32>} : memref<5120xi32, #tpu.memory_space<vmem>>, vector<16xi32>,
        %get3A_256 = vector.shape_cast %get3A_255 : vector<16xi32> to vector<16xi32>
        %mul3A_257 = arith.constant 4 : i32
        %mul3A_258 = vector.broadcast %mul3A_257 : i32 to vector<16xi32>
        %mul3A_259 = arith.muli %get3A_256, %mul3A_258 : vector<16xi32>
        %get3A_260 = arith.index_cast %add3A_253 : i32 to index
        %get3A_261 = tpu.vector_load %arg7[%get3A_260] {strides = array<i32>} : memref<5120xi32, #tpu.memory_space<vmem>>, vector<16xi32>,
        %get3A_262 = vector.shape_cast %get3A_261 : vector<16xi32> to vector<16xi32>
        %add3A_263 = arith.addi %mul3A_259, %get3A_262 : vector<16xi32>
        %swap3A_264 = arith.index_cast %scan3A_61 : i32 to index
        %swap3A_265 = arith.constant 112 : index
        %swap3A_266 = tpu.vector_load %arg9[%swap3A_264, %swap3A_265] {strides = array<i32>} : memref<40x128xi32, #tpu.memory_space<vmem>>, vector<1x16xi32>,
        %swap3A_267 = vector.shape_cast %swap3A_266 : vector<1x16xi32> to vector<16xi32>
        %swap3A_268 = vector.shape_cast %add3A_263 : vector<16xi32> to vector<1x16xi32>
        tpu.vector_store %arg9[%swap3A_264, %swap3A_265], %swap3A_268 {strides = array<i32>} : memref<40x128xi32, #tpu.memory_space<vmem>>, vector<1x16xi32>,
        %get3A_269 = arith.index_cast %add3A_253 : i32 to index
        %get3A_270 = tpu.vector_load %arg8[%get3A_269] {strides = array<i32>} : memref<5120xi32, #tpu.memory_space<vmem>>, vector<16xi32>,
        %get3A_271 = vector.shape_cast %get3A_270 : vector<16xi32> to vector<16xi32>
        %swap3A_272 = arith.index_cast %scan3A_61 : i32 to index
        %swap3A_273 = arith.constant 112 : index
        %swap3A_274 = tpu.vector_load %arg10[%swap3A_272, %swap3A_273] {strides = array<i32>} : memref<40x128xi32, #tpu.memory_space<vmem>>, vector<1x16xi32>,
        %swap3A_275 = vector.shape_cast %swap3A_274 : vector<1x16xi32> to vector<16xi32>
        %swap3A_276 = vector.shape_cast %get3A_271 : vector<16xi32> to vector<1x16xi32>
        tpu.vector_store %arg10[%swap3A_272, %swap3A_273], %swap3A_276 {strides = array<i32>} : memref<40x128xi32, #tpu.memory_space<vmem>>, vector<1x16xi32>,
        %scan3A_277 = arith.constant 0 : i32
        scf.yield %scan3A_277 : i32
      }
      %scan3A_53 = arith.constant 40 : i32
      %scan3A_54 = arith.constant 0 : i32
      %scan3A_55 = arith.constant 0 : i32
      %scan3A_56 = arith.constant 10 : i32
      %scan3A_57 = arith.addi %scan3A_55, %scan3A_56 : i32
      %scan3A_58 = arith.constant 1 : i32
      %scan3A_59 = scf.for %scan3A_61 = %scan3A_55 to %scan3A_57 step %scan3A_58 iter_args(%scan3A_62 = %scan3A_54) -> (i32)  : i32 {
        %mul3A_63 = arith.constant 4 : i32
        %mul3A_64 = arith.muli %scan3A_61, %mul3A_63 : i32
        %add3A_65 = arith.constant 0 : i32
        %add3A_66 = arith.addi %mul3A_64, %add3A_65 : i32
        %dma_start3A = arith.constant 0 : i32
        %dma_start3A_67 = arith.constant 0 : i32
        %dma_start3A_68 = arith.constant 0 : i32
        %dma_start3A_69 = arith.constant 0 : i32
        %dma_start3A_70 = tpu.memref_slice %arg11[%dma_start3A, %dma_start3A_68, %dma_start3A_69] : memref<4x128x32xf32, #tpu.memory_space<vmem>> -> memref<1x128x32xf32, #tpu.memory_space<vmem>>
        %dma_start3A_71 = tpu.memref_squeeze %dma_start3A_70 : memref<1x128x32xf32, #tpu.memory_space<vmem>> -> memref<128x32xf32, #tpu.memory_space<vmem>>
        %dma_start3A_72 = arith.constant 0 : i32
        %dma_start3A_73 = tpu.memref_slice %arg9[%add3A_66, %dma_start3A_72] : memref<40x128xi32, #tpu.memory_space<vmem>> -> memref<1x128xi32, #tpu.memory_space<vmem>>
        %dma_start3A_74 = tpu.memref_squeeze %dma_start3A_73 : memref<1x128xi32, #tpu.memory_space<vmem>> -> memref<128xi32, #tpu.memory_space<vmem>>
        %dma_start3A_75 = arith.constant 0 : i32
        %dma_start3A_76 = arith.constant 0 : i32
        %dma_start3A_77 = tpu.memref_slice %arg4[%dma_start3A_75, %dma_start3A_76] : memref<40000x32xf32, #tpu.memory_space<hbm>> -> memref<40000x32xf32, #tpu.memory_space<hbm>>
        %dma_start3A_78 = tpu.memref_slice %arg14[%dma_start3A_67] : memref<4x!tpu.dma_semaphore, #tpu.memory_space<semaphore_mem>> -> memref<1x!tpu.dma_semaphore, #tpu.memory_space<semaphore_mem>>
        %dma_start3A_79 = tpu.memref_squeeze %dma_start3A_78 : memref<1x!tpu.dma_semaphore, #tpu.memory_space<semaphore_mem>> -> memref<!tpu.dma_semaphore, #tpu.memory_space<semaphore_mem>>
        tpu.enqueue_indirect_dma source(%dma_start3A_77 : memref<40000x32xf32, #tpu.memory_space<hbm>>) target(%dma_start3A_71 : memref<128x32xf32, #tpu.memory_space<vmem>>) offsets(%dma_start3A_74 : memref<128xi32, #tpu.memory_space<vmem>>) semaphore(%dma_start3A_79 : memref<!tpu.dma_semaphore, #tpu.memory_space<semaphore_mem>>)
        %mul3A_80 = arith.constant 4 : i32
        %mul3A_81 = arith.muli %scan3A_61, %mul3A_80 : i32
        %add3A_82 = arith.constant 1 : i32
        %add3A_83 = arith.addi %mul3A_81, %add3A_82 : i32
        %dma_start3A_84 = arith.constant 1 : i32
        %dma_start3A_85 = arith.constant 1 : i32
        %dma_start3A_86 = arith.constant 0 : i32
        %dma_start3A_87 = arith.constant 0 : i32
        %dma_start3A_88 = tpu.memref_slice %arg11[%dma_start3A_84, %dma_start3A_86, %dma_start3A_87] : memref<4x128x32xf32, #tpu.memory_space<vmem>> -> memref<1x128x32xf32, #tpu.memory_space<vmem>>
        %dma_start3A_89 = tpu.memref_squeeze %dma_start3A_88 : memref<1x128x32xf32, #tpu.memory_space<vmem>> -> memref<128x32xf32, #tpu.memory_space<vmem>>
        %dma_start3A_90 = arith.constant 0 : i32
        %dma_start3A_91 = tpu.memref_slice %arg9[%add3A_83, %dma_start3A_90] : memref<40x128xi32, #tpu.memory_space<vmem>> -> memref<1x128xi32, #tpu.memory_space<vmem>>
        %dma_start3A_92 = tpu.memref_squeeze %dma_start3A_91 : memref<1x128xi32, #tpu.memory_space<vmem>> -> memref<128xi32, #tpu.memory_space<vmem>>
        %dma_start3A_93 = arith.constant 0 : i32
        %dma_start3A_94 = arith.constant 0 : i32
        %dma_start3A_95 = tpu.memref_slice %arg4[%dma_start3A_93, %dma_start3A_94] : memref<40000x32xf32, #tpu.memory_space<hbm>> -> memref<40000x32xf32, #tpu.memory_space<hbm>>
        %dma_start3A_96 = tpu.memref_slice %arg14[%dma_start3A_85] : memref<4x!tpu.dma_semaphore, #tpu.memory_space<semaphore_mem>> -> memref<1x!tpu.dma_semaphore, #tpu.memory_space<semaphore_mem>>
        %dma_start3A_97 = tpu.memref_squeeze %dma_start3A_96 : memref<1x!tpu.dma_semaphore, #tpu.memory_space<semaphore_mem>> -> memref<!tpu.dma_semaphore, #tpu.memory_space<semaphore_mem>>
        tpu.enqueue_indirect_dma source(%dma_start3A_95 : memref<40000x32xf32, #tpu.memory_space<hbm>>) target(%dma_start3A_89 : memref<128x32xf32, #tpu.memory_space<vmem>>) offsets(%dma_start3A_92 : memref<128xi32, #tpu.memory_space<vmem>>) semaphore(%dma_start3A_97 : memref<!tpu.dma_semaphore, #tpu.memory_space<semaphore_mem>>)
        %mul3A_98 = arith.constant 4 : i32
        %mul3A_99 = arith.muli %scan3A_61, %mul3A_98 : i32
        %add3A_100 = arith.constant 2 : i32
        %add3A_101 = arith.addi %mul3A_99, %add3A_100 : i32
        %dma_start3A_102 = arith.constant 2 : i32
        %dma_start3A_103 = arith.constant 2 : i32
        %dma_start3A_104 = arith.constant 0 : i32
        %dma_start3A_105 = arith.constant 0 : i32
        %dma_start3A_106 = tpu.memref_slice %arg11[%dma_start3A_102, %dma_start3A_104, %dma_start3A_105] : memref<4x128x32xf32, #tpu.memory_space<vmem>> -> memref<1x128x32xf32, #tpu.memory_space<vmem>>
        %dma_start3A_107 = tpu.memref_squeeze %dma_start3A_106 : memref<1x128x32xf32, #tpu.memory_space<vmem>> -> memref<128x32xf32, #tpu.memory_space<vmem>>
        %dma_start3A_108 = arith.constant 0 : i32
        %dma_start3A_109 = tpu.memref_slice %arg9[%add3A_101, %dma_start3A_108] : memref<40x128xi32, #tpu.memory_space<vmem>> -> memref<1x128xi32, #tpu.memory_space<vmem>>
        %dma_start3A_110 = tpu.memref_squeeze %dma_start3A_109 : memref<1x128xi32, #tpu.memory_space<vmem>> -> memref<128xi32, #tpu.memory_space<vmem>>
        %dma_start3A_111 = arith.constant 0 : i32
        %dma_start3A_112 = arith.constant 0 : i32
        %dma_start3A_113 = tpu.memref_slice %arg4[%dma_start3A_111, %dma_start3A_112] : memref<40000x32xf32, #tpu.memory_space<hbm>> -> memref<40000x32xf32, #tpu.memory_space<hbm>>
        %dma_start3A_114 = tpu.memref_slice %arg14[%dma_start3A_103] : memref<4x!tpu.dma_semaphore, #tpu.memory_space<semaphore_mem>> -> memref<1x!tpu.dma_semaphore, #tpu.memory_space<semaphore_mem>>
        %dma_start3A_115 = tpu.memref_squeeze %dma_start3A_114 : memref<1x!tpu.dma_semaphore, #tpu.memory_space<semaphore_mem>> -> memref<!tpu.dma_semaphore, #tpu.memory_space<semaphore_mem>>
        tpu.enqueue_indirect_dma source(%dma_start3A_113 : memref<40000x32xf32, #tpu.memory_space<hbm>>) target(%dma_start3A_107 : memref<128x32xf32, #tpu.memory_space<vmem>>) offsets(%dma_start3A_110 : memref<128xi32, #tpu.memory_space<vmem>>) semaphore(%dma_start3A_115 : memref<!tpu.dma_semaphore, #tpu.memory_space<semaphore_mem>>)
        %mul3A_116 = arith.constant 4 : i32
        %mul3A_117 = arith.muli %scan3A_61, %mul3A_116 : i32
        %add3A_118 = arith.constant 3 : i32
        %add3A_119 = arith.addi %mul3A_117, %add3A_118 : i32
        %dma_start3A_120 = arith.constant 3 : i32
        %dma_start3A_121 = arith.constant 3 : i32
        %dma_start3A_122 = arith.constant 0 : i32
        %dma_start3A_123 = arith.constant 0 : i32
        %dma_start3A_124 = tpu.memref_slice %arg11[%dma_start3A_120, %dma_start3A_122, %dma_start3A_123] : memref<4x128x32xf32, #tpu.memory_space<vmem>> -> memref<1x128x32xf32, #tpu.memory_space<vmem>>
        %dma_start3A_125 = tpu.memref_squeeze %dma_start3A_124 : memref<1x128x32xf32, #tpu.memory_space<vmem>> -> memref<128x32xf32, #tpu.memory_space<vmem>>
        %dma_start3A_126 = arith.constant 0 : i32
        %dma_start3A_127 = tpu.memref_slice %arg9[%add3A_119, %dma_start3A_126] : memref<40x128xi32, #tpu.memory_space<vmem>> -> memref<1x128xi32, #tpu.memory_space<vmem>>
        %dma_start3A_128 = tpu.memref_squeeze %dma_start3A_127 : memref<1x128xi32, #tpu.memory_space<vmem>> -> memref<128xi32, #tpu.memory_space<vmem>>
        %dma_start3A_129 = arith.constant 0 : i32
        %dma_start3A_130 = arith.constant 0 : i32
        %dma_start3A_131 = tpu.memref_slice %arg4[%dma_start3A_129, %dma_start3A_130] : memref<40000x32xf32, #tpu.memory_space<hbm>> -> memref<40000x32xf32, #tpu.memory_space<hbm>>
        %dma_start3A_132 = tpu.memref_slice %arg14[%dma_start3A_121] : memref<4x!tpu.dma_semaphore, #tpu.memory_space<semaphore_mem>> -> memref<1x!tpu.dma_semaphore, #tpu.memory_space<semaphore_mem>>
        %dma_start3A_133 = tpu.memref_squeeze %dma_start3A_132 : memref<1x!tpu.dma_semaphore, #tpu.memory_space<semaphore_mem>> -> memref<!tpu.dma_semaphore, #tpu.memory_space<semaphore_mem>>
        tpu.enqueue_indirect_dma source(%dma_start3A_131 : memref<40000x32xf32, #tpu.memory_space<hbm>>) target(%dma_start3A_125 : memref<128x32xf32, #tpu.memory_space<vmem>>) offsets(%dma_start3A_128 : memref<128xi32, #tpu.memory_space<vmem>>) semaphore(%dma_start3A_133 : memref<!tpu.dma_semaphore, #tpu.memory_space<semaphore_mem>>)
        %dma_wait3A = arith.constant 0 : i32
        %dma_wait3A_134 = arith.constant 0 : i32
        %dma_wait3A_135 = arith.constant 0 : i32
        %dma_wait3A_136 = arith.constant 0 : i32
        %dma_wait3A_137 = tpu.memref_slice %arg11[%dma_wait3A, %dma_wait3A_135, %dma_wait3A_136] : memref<4x128x32xf32, #tpu.memory_space<vmem>> -> memref<1x128x32xf32, #tpu.memory_space<vmem>>
        %dma_wait3A_138 = tpu.memref_squeeze %dma_wait3A_137 : memref<1x128x32xf32, #tpu.memory_space<vmem>> -> memref<128x32xf32, #tpu.memory_space<vmem>>
        %dma_wait3A_139 = arith.constant 0 : i32
        %dma_wait3A_140 = tpu.memref_slice %arg9[%add3A_66, %dma_wait3A_139] : memref<40x128xi32, #tpu.memory_space<vmem>> -> memref<1x128xi32, #tpu.memory_space<vmem>>
        %dma_wait3A_141 = tpu.memref_squeeze %dma_wait3A_140 : memref<1x128xi32, #tpu.memory_space<vmem>> -> memref<128xi32, #tpu.memory_space<vmem>>
        %dma_wait3A_142 = arith.constant 0 : i32
        %dma_wait3A_143 = arith.constant 0 : i32
        %dma_wait3A_144 = tpu.memref_slice %arg4[%dma_wait3A_142, %dma_wait3A_143] : memref<40000x32xf32, #tpu.memory_space<hbm>> -> memref<40000x32xf32, #tpu.memory_space<hbm>>
        %dma_wait3A_145 = tpu.memref_slice %arg14[%dma_wait3A_134] : memref<4x!tpu.dma_semaphore, #tpu.memory_space<semaphore_mem>> -> memref<1x!tpu.dma_semaphore, #tpu.memory_space<semaphore_mem>>
        %dma_wait3A_146 = tpu.memref_squeeze %dma_wait3A_145 : memref<1x!tpu.dma_semaphore, #tpu.memory_space<semaphore_mem>> -> memref<!tpu.dma_semaphore, #tpu.memory_space<semaphore_mem>>
        tpu.wait_indirect_dma semaphore(%dma_wait3A_146 : memref<!tpu.dma_semaphore, #tpu.memory_space<semaphore_mem>>) src(%dma_wait3A_144 : memref<40000x32xf32, #tpu.memory_space<hbm>>) dst(%dma_wait3A_138 : memref<128x32xf32, #tpu.memory_space<vmem>>)
        %mul3A_147 = arith.constant 4 : i32
        %mul3A_148 = arith.muli %scan3A_61, %mul3A_147 : i32
        %add3A_149 = arith.constant 0 : i32
        %add3A_150 = arith.addi %mul3A_148, %add3A_149 : i32
        %run_scoped3A_151 = arith.constant 0 : i32
        "tpu.region"() ({
          %run_scoped3A_210 = tpu.sem_alloc : memref<!tpu.dma_semaphore, #tpu.memory_space<semaphore_mem>>
          %dma_start3A_211 = arith.constant 0 : i32
          %dma_start3A_212 = arith.constant 0 : i32
          %dma_start3A_213 = tpu.memref_slice %arg11[%run_scoped3A_151, %dma_start3A_211, %dma_start3A_212] : memref<4x128x32xf32, #tpu.memory_space<vmem>> -> memref<1x128x32xf32, #tpu.memory_space<vmem>>
          %dma_start3A_214 = tpu.memref_squeeze %dma_start3A_213 : memref<1x128x32xf32, #tpu.memory_space<vmem>> -> memref<128x32xf32, #tpu.memory_space<vmem>>
          %dma_start3A_215 = arith.constant 0 : i32
          %dma_start3A_216 = tpu.memref_slice %arg10[%add3A_150, %dma_start3A_215] : memref<40x128xi32, #tpu.memory_space<vmem>> -> memref<1x128xi32, #tpu.memory_space<vmem>>
          %dma_start3A_217 = tpu.memref_squeeze %dma_start3A_216 : memref<1x128xi32, #tpu.memory_space<vmem>> -> memref<128xi32, #tpu.memory_space<vmem>>
          %dma_start3A_218 = arith.constant 0 : i32
          %dma_start3A_219 = arith.constant 0 : i32
          %dma_start3A_220 = tpu.memref_slice %arg13[%dma_start3A_218, %dma_start3A_219] : memref<10240x32xf32, #tpu.memory_space<vmem_shared>> -> memref<10240x32xf32, #tpu.memory_space<vmem_shared>>
          tpu.enqueue_indirect_dma source(%dma_start3A_214 : memref<128x32xf32, #tpu.memory_space<vmem>>) target(%dma_start3A_220 : memref<10240x32xf32, #tpu.memory_space<vmem_shared>>) offsets(%dma_start3A_217 : memref<128xi32, #tpu.memory_space<vmem>>) semaphore(%run_scoped3A_210 : memref<!tpu.dma_semaphore, #tpu.memory_space<semaphore_mem>>) {add = true}
          %dma_wait3A_221 = arith.constant 0 : i32
          %dma_wait3A_222 = arith.constant 0 : i32
          %dma_wait3A_223 = tpu.memref_slice %arg11[%run_scoped3A_151, %dma_wait3A_221, %dma_wait3A_222] : memref<4x128x32xf32, #tpu.memory_space<vmem>> -> memref<1x128x32xf32, #tpu.memory_space<vmem>>
          %dma_wait3A_224 = tpu.memref_squeeze %dma_wait3A_223 : memref<1x128x32xf32, #tpu.memory_space<vmem>> -> memref<128x32xf32, #tpu.memory_space<vmem>>
          %dma_wait3A_225 = arith.constant 0 : i32
          %dma_wait3A_226 = tpu.memref_slice %arg10[%add3A_150, %dma_wait3A_225] : memref<40x128xi32, #tpu.memory_space<vmem>> -> memref<1x128xi32, #tpu.memory_space<vmem>>
          %dma_wait3A_227 = tpu.memref_squeeze %dma_wait3A_226 : memref<1x128xi32, #tpu.memory_space<vmem>> -> memref<128xi32, #tpu.memory_space<vmem>>
          %dma_wait3A_228 = arith.constant 0 : i32
          %dma_wait3A_229 = arith.constant 0 : i32
          %dma_wait3A_230 = tpu.memref_slice %arg13[%dma_wait3A_228, %dma_wait3A_229] : memref<10240x32xf32, #tpu.memory_space<vmem_shared>> -> memref<10240x32xf32, #tpu.memory_space<vmem_shared>>
          tpu.wait_indirect_dma semaphore(%run_scoped3A_210 : memref<!tpu.dma_semaphore, #tpu.memory_space<semaphore_mem>>) src(%dma_wait3A_224 : memref<128x32xf32, #tpu.memory_space<vmem>>) dst(%dma_wait3A_230 : memref<10240x32xf32, #tpu.memory_space<vmem_shared>>)
          tpu.yield
        }) : () -> ()
        %dma_wait3A_152 = arith.constant 1 : i32
        %dma_wait3A_153 = arith.constant 1 : i32
        %dma_wait3A_154 = arith.constant 0 : i32
        %dma_wait3A_155 = arith.constant 0 : i32
        %dma_wait3A_156 = tpu.memref_slice %arg11[%dma_wait3A_152, %dma_wait3A_154, %dma_wait3A_155] : memref<4x128x32xf32, #tpu.memory_space<vmem>> -> memref<1x128x32xf32, #tpu.memory_space<vmem>>
        %dma_wait3A_157 = tpu.memref_squeeze %dma_wait3A_156 : memref<1x128x32xf32, #tpu.memory_space<vmem>> -> memref<128x32xf32, #tpu.memory_space<vmem>>
        %dma_wait3A_158 = arith.constant 0 : i32
        %dma_wait3A_159 = tpu.memref_slice %arg9[%add3A_83, %dma_wait3A_158] : memref<40x128xi32, #tpu.memory_space<vmem>> -> memref<1x128xi32, #tpu.memory_space<vmem>>
        %dma_wait3A_160 = tpu.memref_squeeze %dma_wait3A_159 : memref<1x128xi32, #tpu.memory_space<vmem>> -> memref<128xi32, #tpu.memory_space<vmem>>
        %dma_wait3A_161 = arith.constant 0 : i32
        %dma_wait3A_162 = arith.constant 0 : i32
        %dma_wait3A_163 = tpu.memref_slice %arg4[%dma_wait3A_161, %dma_wait3A_162] : memref<40000x32xf32, #tpu.memory_space<hbm>> -> memref<40000x32xf32, #tpu.memory_space<hbm>>
        %dma_wait3A_164 = tpu.memref_slice %arg14[%dma_wait3A_153] : memref<4x!tpu.dma_semaphore, #tpu.memory_space<semaphore_mem>> -> memref<1x!tpu.dma_semaphore, #tpu.memory_space<semaphore_mem>>
        %dma_wait3A_165 = tpu.memref_squeeze %dma_wait3A_164 : memref<1x!tpu.dma_semaphore, #tpu.memory_space<semaphore_mem>> -> memref<!tpu.dma_semaphore, #tpu.memory_space<semaphore_mem>>
        tpu.wait_indirect_dma semaphore(%dma_wait3A_165 : memref<!tpu.dma_semaphore, #tpu.memory_space<semaphore_mem>>) src(%dma_wait3A_163 : memref<40000x32xf32, #tpu.memory_space<hbm>>) dst(%dma_wait3A_157 : memref<128x32xf32, #tpu.memory_space<vmem>>)
        %mul3A_166 = arith.constant 4 : i32
        %mul3A_167 = arith.muli %scan3A_61, %mul3A_166 : i32
        %add3A_168 = arith.constant 1 : i32
        %add3A_169 = arith.addi %mul3A_167, %add3A_168 : i32
        %run_scoped3A_170 = arith.constant 1 : i32
        "tpu.region"() ({
          %run_scoped3A_210 = tpu.sem_alloc : memref<!tpu.dma_semaphore, #tpu.memory_space<semaphore_mem>>
          %dma_start3A_211 = arith.constant 0 : i32
          %dma_start3A_212 = arith.constant 0 : i32
          %dma_start3A_213 = tpu.memref_slice %arg11[%run_scoped3A_170, %dma_start3A_211, %dma_start3A_212] : memref<4x128x32xf32, #tpu.memory_space<vmem>> -> memref<1x128x32xf32, #tpu.memory_space<vmem>>
          %dma_start3A_214 = tpu.memref_squeeze %dma_start3A_213 : memref<1x128x32xf32, #tpu.memory_space<vmem>> -> memref<128x32xf32, #tpu.memory_space<vmem>>
          %dma_start3A_215 = arith.constant 0 : i32
          %dma_start3A_216 = tpu.memref_slice %arg10[%add3A_169, %dma_start3A_215] : memref<40x128xi32, #tpu.memory_space<vmem>> -> memref<1x128xi32, #tpu.memory_space<vmem>>
          %dma_start3A_217 = tpu.memref_squeeze %dma_start3A_216 : memref<1x128xi32, #tpu.memory_space<vmem>> -> memref<128xi32, #tpu.memory_space<vmem>>
          %dma_start3A_218 = arith.constant 0 : i32
          %dma_start3A_219 = arith.constant 0 : i32
          %dma_start3A_220 = tpu.memref_slice %arg13[%dma_start3A_218, %dma_start3A_219] : memref<10240x32xf32, #tpu.memory_space<vmem_shared>> -> memref<10240x32xf32, #tpu.memory_space<vmem_shared>>
          tpu.enqueue_indirect_dma source(%dma_start3A_214 : memref<128x32xf32, #tpu.memory_space<vmem>>) target(%dma_start3A_220 : memref<10240x32xf32, #tpu.memory_space<vmem_shared>>) offsets(%dma_start3A_217 : memref<128xi32, #tpu.memory_space<vmem>>) semaphore(%run_scoped3A_210 : memref<!tpu.dma_semaphore, #tpu.memory_space<semaphore_mem>>) {add = true}
          %dma_wait3A_221 = arith.constant 0 : i32
          %dma_wait3A_222 = arith.constant 0 : i32
          %dma_wait3A_223 = tpu.memref_slice %arg11[%run_scoped3A_170, %dma_wait3A_221, %dma_wait3A_222] : memref<4x128x32xf32, #tpu.memory_space<vmem>> -> memref<1x128x32xf32, #tpu.memory_space<vmem>>
          %dma_wait3A_224 = tpu.memref_squeeze %dma_wait3A_223 : memref<1x128x32xf32, #tpu.memory_space<vmem>> -> memref<128x32xf32, #tpu.memory_space<vmem>>
          %dma_wait3A_225 = arith.constant 0 : i32
          %dma_wait3A_226 = tpu.memref_slice %arg10[%add3A_169, %dma_wait3A_225] : memref<40x128xi32, #tpu.memory_space<vmem>> -> memref<1x128xi32, #tpu.memory_space<vmem>>
          %dma_wait3A_227 = tpu.memref_squeeze %dma_wait3A_226 : memref<1x128xi32, #tpu.memory_space<vmem>> -> memref<128xi32, #tpu.memory_space<vmem>>
          %dma_wait3A_228 = arith.constant 0 : i32
          %dma_wait3A_229 = arith.constant 0 : i32
          %dma_wait3A_230 = tpu.memref_slice %arg13[%dma_wait3A_228, %dma_wait3A_229] : memref<10240x32xf32, #tpu.memory_space<vmem_shared>> -> memref<10240x32xf32, #tpu.memory_space<vmem_shared>>
          tpu.wait_indirect_dma semaphore(%run_scoped3A_210 : memref<!tpu.dma_semaphore, #tpu.memory_space<semaphore_mem>>) src(%dma_wait3A_224 : memref<128x32xf32, #tpu.memory_space<vmem>>) dst(%dma_wait3A_230 : memref<10240x32xf32, #tpu.memory_space<vmem_shared>>)
          tpu.yield
        }) : () -> ()
        %dma_wait3A_171 = arith.constant 2 : i32
        %dma_wait3A_172 = arith.constant 2 : i32
        %dma_wait3A_173 = arith.constant 0 : i32
        %dma_wait3A_174 = arith.constant 0 : i32
        %dma_wait3A_175 = tpu.memref_slice %arg11[%dma_wait3A_171, %dma_wait3A_173, %dma_wait3A_174] : memref<4x128x32xf32, #tpu.memory_space<vmem>> -> memref<1x128x32xf32, #tpu.memory_space<vmem>>
        %dma_wait3A_176 = tpu.memref_squeeze %dma_wait3A_175 : memref<1x128x32xf32, #tpu.memory_space<vmem>> -> memref<128x32xf32, #tpu.memory_space<vmem>>
        %dma_wait3A_177 = arith.constant 0 : i32
        %dma_wait3A_178 = tpu.memref_slice %arg9[%add3A_101, %dma_wait3A_177] : memref<40x128xi32, #tpu.memory_space<vmem>> -> memref<1x128xi32, #tpu.memory_space<vmem>>
        %dma_wait3A_179 = tpu.memref_squeeze %dma_wait3A_178 : memref<1x128xi32, #tpu.memory_space<vmem>> -> memref<128xi32, #tpu.memory_space<vmem>>
        %dma_wait3A_180 = arith.constant 0 : i32
        %dma_wait3A_181 = arith.constant 0 : i32
        %dma_wait3A_182 = tpu.memref_slice %arg4[%dma_wait3A_180, %dma_wait3A_181] : memref<40000x32xf32, #tpu.memory_space<hbm>> -> memref<40000x32xf32, #tpu.memory_space<hbm>>
        %dma_wait3A_183 = tpu.memref_slice %arg14[%dma_wait3A_172] : memref<4x!tpu.dma_semaphore, #tpu.memory_space<semaphore_mem>> -> memref<1x!tpu.dma_semaphore, #tpu.memory_space<semaphore_mem>>
        %dma_wait3A_184 = tpu.memref_squeeze %dma_wait3A_183 : memref<1x!tpu.dma_semaphore, #tpu.memory_space<semaphore_mem>> -> memref<!tpu.dma_semaphore, #tpu.memory_space<semaphore_mem>>
        tpu.wait_indirect_dma semaphore(%dma_wait3A_184 : memref<!tpu.dma_semaphore, #tpu.memory_space<semaphore_mem>>) src(%dma_wait3A_182 : memref<40000x32xf32, #tpu.memory_space<hbm>>) dst(%dma_wait3A_176 : memref<128x32xf32, #tpu.memory_space<vmem>>)
        %mul3A_185 = arith.constant 4 : i32
        %mul3A_186 = arith.muli %scan3A_61, %mul3A_185 : i32
        %add3A_187 = arith.constant 2 : i32
        %add3A_188 = arith.addi %mul3A_186, %add3A_187 : i32
        %run_scoped3A_189 = arith.constant 2 : i32
        "tpu.region"() ({
          %run_scoped3A_210 = tpu.sem_alloc : memref<!tpu.dma_semaphore, #tpu.memory_space<semaphore_mem>>
          %dma_start3A_211 = arith.constant 0 : i32
          %dma_start3A_212 = arith.constant 0 : i32
          %dma_start3A_213 = tpu.memref_slice %arg11[%run_scoped3A_189, %dma_start3A_211, %dma_start3A_212] : memref<4x128x32xf32, #tpu.memory_space<vmem>> -> memref<1x128x32xf32, #tpu.memory_space<vmem>>
          %dma_start3A_214 = tpu.memref_squeeze %dma_start3A_213 : memref<1x128x32xf32, #tpu.memory_space<vmem>> -> memref<128x32xf32, #tpu.memory_space<vmem>>
          %dma_start3A_215 = arith.constant 0 : i32
          %dma_start3A_216 = tpu.memref_slice %arg10[%add3A_188, %dma_start3A_215] : memref<40x128xi32, #tpu.memory_space<vmem>> -> memref<1x128xi32, #tpu.memory_space<vmem>>
          %dma_start3A_217 = tpu.memref_squeeze %dma_start3A_216 : memref<1x128xi32, #tpu.memory_space<vmem>> -> memref<128xi32, #tpu.memory_space<vmem>>
          %dma_start3A_218 = arith.constant 0 : i32
          %dma_start3A_219 = arith.constant 0 : i32
          %dma_start3A_220 = tpu.memref_slice %arg13[%dma_start3A_218, %dma_start3A_219] : memref<10240x32xf32, #tpu.memory_space<vmem_shared>> -> memref<10240x32xf32, #tpu.memory_space<vmem_shared>>
          tpu.enqueue_indirect_dma source(%dma_start3A_214 : memref<128x32xf32, #tpu.memory_space<vmem>>) target(%dma_start3A_220 : memref<10240x32xf32, #tpu.memory_space<vmem_shared>>) offsets(%dma_start3A_217 : memref<128xi32, #tpu.memory_space<vmem>>) semaphore(%run_scoped3A_210 : memref<!tpu.dma_semaphore, #tpu.memory_space<semaphore_mem>>) {add = true}
          %dma_wait3A_221 = arith.constant 0 : i32
          %dma_wait3A_222 = arith.constant 0 : i32
          %dma_wait3A_223 = tpu.memref_slice %arg11[%run_scoped3A_189, %dma_wait3A_221, %dma_wait3A_222] : memref<4x128x32xf32, #tpu.memory_space<vmem>> -> memref<1x128x32xf32, #tpu.memory_space<vmem>>
          %dma_wait3A_224 = tpu.memref_squeeze %dma_wait3A_223 : memref<1x128x32xf32, #tpu.memory_space<vmem>> -> memref<128x32xf32, #tpu.memory_space<vmem>>
          %dma_wait3A_225 = arith.constant 0 : i32
          %dma_wait3A_226 = tpu.memref_slice %arg10[%add3A_188, %dma_wait3A_225] : memref<40x128xi32, #tpu.memory_space<vmem>> -> memref<1x128xi32, #tpu.memory_space<vmem>>
          %dma_wait3A_227 = tpu.memref_squeeze %dma_wait3A_226 : memref<1x128xi32, #tpu.memory_space<vmem>> -> memref<128xi32, #tpu.memory_space<vmem>>
          %dma_wait3A_228 = arith.constant 0 : i32
          %dma_wait3A_229 = arith.constant 0 : i32
          %dma_wait3A_230 = tpu.memref_slice %arg13[%dma_wait3A_228, %dma_wait3A_229] : memref<10240x32xf32, #tpu.memory_space<vmem_shared>> -> memref<10240x32xf32, #tpu.memory_space<vmem_shared>>
          tpu.wait_indirect_dma semaphore(%run_scoped3A_210 : memref<!tpu.dma_semaphore, #tpu.memory_space<semaphore_mem>>) src(%dma_wait3A_224 : memref<128x32xf32, #tpu.memory_space<vmem>>) dst(%dma_wait3A_230 : memref<10240x32xf32, #tpu.memory_space<vmem_shared>>)
          tpu.yield
        }) : () -> ()
        %dma_wait3A_190 = arith.constant 3 : i32
        %dma_wait3A_191 = arith.constant 3 : i32
        %dma_wait3A_192 = arith.constant 0 : i32
        %dma_wait3A_193 = arith.constant 0 : i32
        %dma_wait3A_194 = tpu.memref_slice %arg11[%dma_wait3A_190, %dma_wait3A_192, %dma_wait3A_193] : memref<4x128x32xf32, #tpu.memory_space<vmem>> -> memref<1x128x32xf32, #tpu.memory_space<vmem>>
        %dma_wait3A_195 = tpu.memref_squeeze %dma_wait3A_194 : memref<1x128x32xf32, #tpu.memory_space<vmem>> -> memref<128x32xf32, #tpu.memory_space<vmem>>
        %dma_wait3A_196 = arith.constant 0 : i32
        %dma_wait3A_197 = tpu.memref_slice %arg9[%add3A_119, %dma_wait3A_196] : memref<40x128xi32, #tpu.memory_space<vmem>> -> memref<1x128xi32, #tpu.memory_space<vmem>>
        %dma_wait3A_198 = tpu.memref_squeeze %dma_wait3A_197 : memref<1x128xi32, #tpu.memory_space<vmem>> -> memref<128xi32, #tpu.memory_space<vmem>>
        %dma_wait3A_199 = arith.constant 0 : i32
        %dma_wait3A_200 = arith.constant 0 : i32
        %dma_wait3A_201 = tpu.memref_slice %arg4[%dma_wait3A_199, %dma_wait3A_200] : memref<40000x32xf32, #tpu.memory_space<hbm>> -> memref<40000x32xf32, #tpu.memory_space<hbm>>
        %dma_wait3A_202 = tpu.memref_slice %arg14[%dma_wait3A_191] : memref<4x!tpu.dma_semaphore, #tpu.memory_space<semaphore_mem>> -> memref<1x!tpu.dma_semaphore, #tpu.memory_space<semaphore_mem>>
        %dma_wait3A_203 = tpu.memref_squeeze %dma_wait3A_202 : memref<1x!tpu.dma_semaphore, #tpu.memory_space<semaphore_mem>> -> memref<!tpu.dma_semaphore, #tpu.memory_space<semaphore_mem>>
        tpu.wait_indirect_dma semaphore(%dma_wait3A_203 : memref<!tpu.dma_semaphore, #tpu.memory_space<semaphore_mem>>) src(%dma_wait3A_201 : memref<40000x32xf32, #tpu.memory_space<hbm>>) dst(%dma_wait3A_195 : memref<128x32xf32, #tpu.memory_space<vmem>>)
        %mul3A_204 = arith.constant 4 : i32
        %mul3A_205 = arith.muli %scan3A_61, %mul3A_204 : i32
        %add3A_206 = arith.constant 3 : i32
        %add3A_207 = arith.addi %mul3A_205, %add3A_206 : i32
        %run_scoped3A_208 = arith.constant 3 : i32
        "tpu.region"() ({
          %run_scoped3A_210 = tpu.sem_alloc : memref<!tpu.dma_semaphore, #tpu.memory_space<semaphore_mem>>
          %dma_start3A_211 = arith.constant 0 : i32
          %dma_start3A_212 = arith.constant 0 : i32
          %dma_start3A_213 = tpu.memref_slice %arg11[%run_scoped3A_208, %dma_start3A_211, %dma_start3A_212] : memref<4x128x32xf32, #tpu.memory_space<vmem>> -> memref<1x128x32xf32, #tpu.memory_space<vmem>>
          %dma_start3A_214 = tpu.memref_squeeze %dma_start3A_213 : memref<1x128x32xf32, #tpu.memory_space<vmem>> -> memref<128x32xf32, #tpu.memory_space<vmem>>
          %dma_start3A_215 = arith.constant 0 : i32
          %dma_start3A_216 = tpu.memref_slice %arg10[%add3A_207, %dma_start3A_215] : memref<40x128xi32, #tpu.memory_space<vmem>> -> memref<1x128xi32, #tpu.memory_space<vmem>>
          %dma_start3A_217 = tpu.memref_squeeze %dma_start3A_216 : memref<1x128xi32, #tpu.memory_space<vmem>> -> memref<128xi32, #tpu.memory_space<vmem>>
          %dma_start3A_218 = arith.constant 0 : i32
          %dma_start3A_219 = arith.constant 0 : i32
          %dma_start3A_220 = tpu.memref_slice %arg13[%dma_start3A_218, %dma_start3A_219] : memref<10240x32xf32, #tpu.memory_space<vmem_shared>> -> memref<10240x32xf32, #tpu.memory_space<vmem_shared>>
          tpu.enqueue_indirect_dma source(%dma_start3A_214 : memref<128x32xf32, #tpu.memory_space<vmem>>) target(%dma_start3A_220 : memref<10240x32xf32, #tpu.memory_space<vmem_shared>>) offsets(%dma_start3A_217 : memref<128xi32, #tpu.memory_space<vmem>>) semaphore(%run_scoped3A_210 : memref<!tpu.dma_semaphore, #tpu.memory_space<semaphore_mem>>) {add = true}
          %dma_wait3A_221 = arith.constant 0 : i32
          %dma_wait3A_222 = arith.constant 0 : i32
          %dma_wait3A_223 = tpu.memref_slice %arg11[%run_scoped3A_208, %dma_wait3A_221, %dma_wait3A_222] : memref<4x128x32xf32, #tpu.memory_space<vmem>> -> memref<1x128x32xf32, #tpu.memory_space<vmem>>
          %dma_wait3A_224 = tpu.memref_squeeze %dma_wait3A_223 : memref<1x128x32xf32, #tpu.memory_space<vmem>> -> memref<128x32xf32, #tpu.memory_space<vmem>>
          %dma_wait3A_225 = arith.constant 0 : i32
          %dma_wait3A_226 = tpu.memref_slice %arg10[%add3A_207, %dma_wait3A_225] : memref<40x128xi32, #tpu.memory_space<vmem>> -> memref<1x128xi32, #tpu.memory_space<vmem>>
          %dma_wait3A_227 = tpu.memref_squeeze %dma_wait3A_226 : memref<1x128xi32, #tpu.memory_space<vmem>> -> memref<128xi32, #tpu.memory_space<vmem>>
          %dma_wait3A_228 = arith.constant 0 : i32
          %dma_wait3A_229 = arith.constant 0 : i32
          %dma_wait3A_230 = tpu.memref_slice %arg13[%dma_wait3A_228, %dma_wait3A_229] : memref<10240x32xf32, #tpu.memory_space<vmem_shared>> -> memref<10240x32xf32, #tpu.memory_space<vmem_shared>>
          tpu.wait_indirect_dma semaphore(%run_scoped3A_210 : memref<!tpu.dma_semaphore, #tpu.memory_space<semaphore_mem>>) src(%dma_wait3A_224 : memref<128x32xf32, #tpu.memory_space<vmem>>) dst(%dma_wait3A_230 : memref<10240x32xf32, #tpu.memory_space<vmem_shared>>)
          tpu.yield
        }) : () -> ()
        %scan3A_209 = arith.constant 0 : i32
        scf.yield %scan3A_209 : i32
      }
      %scan3A_60 = arith.constant 10 : i32
    } else {
    }
    %eq3A = arith.constant 31 : i32
    %eq3A_34 = arith.cmpi eq, %add3A, %eq3A : i32
    %convert_element_type3A_35 = arith.extui %eq3A_34 : i1 to i32
    %cond3A_36 = arith.constant 0 : i32
    %cond3A_37 = arith.cmpi ne, %convert_element_type3A_35, %cond3A_36 : i32
    scf.if %cond3A_37 {
      %run_scoped3A_43 = arith.constant 0 : i32
      "tpu.region"() ({
        %run_scoped3A_121 = tpu.sem_alloc : memref<!tpu.dma_semaphore, #tpu.memory_space<semaphore_mem>>
        %dma_start3A_122 = arith.constant 0 : i32
        %dma_start3A_123 = tpu.memref_slice %arg6[%dma_start3A_122] : memref<5120xi32, #tpu.memory_space<vmem>> -> memref<1280xi32, #tpu.memory_space<vmem>>
        %dma_start3A_124 = arith.constant 158720 : i32
        %dma_start3A_125 = tpu.memref_slice %arg2[%run_scoped3A_43, %dma_start3A_124] : memref<2x160000xi32, #tpu.memory_space<hbm>> -> memref<1x1280xi32, #tpu.memory_space<hbm>>
        %dma_start3A_126 = tpu.memref_squeeze %dma_start3A_125 : memref<1x1280xi32, #tpu.memory_space<hbm>> -> memref<1280xi32, #tpu.memory_space<hbm>>
        %dma_start3A_127 = arith.constant 0 : i32
        %dma_start3A_128 = tpu.memref_slice %arg6[%dma_start3A_127] : memref<5120xi32, #tpu.memory_space<vmem>> -> memref<1280xi32, #tpu.memory_space<vmem>>
        %dma_start3A_129 = arith.constant 158720 : i32
        %dma_start3A_130 = tpu.memref_slice %arg2[%run_scoped3A_43, %dma_start3A_129] : memref<2x160000xi32, #tpu.memory_space<hbm>> -> memref<1x1280xi32, #tpu.memory_space<hbm>>
        %dma_start3A_131 = tpu.memref_squeeze %dma_start3A_130 : memref<1x1280xi32, #tpu.memory_space<hbm>> -> memref<1280xi32, #tpu.memory_space<hbm>>
        tpu.enqueue_dma source(%dma_start3A_131 : memref<1280xi32, #tpu.memory_space<hbm>>) target(%dma_start3A_128 : memref<1280xi32, #tpu.memory_space<vmem>>) target_semaphore(%run_scoped3A_121 : memref<!tpu.dma_semaphore, #tpu.memory_space<semaphore_mem>>)
        %dma_wait3A_132 = arith.constant 0 : i32
        %dma_wait3A_133 = tpu.memref_slice %arg6[%dma_wait3A_132] : memref<5120xi32, #tpu.memory_space<vmem>> -> memref<1280xi32, #tpu.memory_space<vmem>>
        %dma_wait3A_134 = arith.constant 158720 : i32
        %dma_wait3A_135 = tpu.memref_slice %arg2[%run_scoped3A_43, %dma_wait3A_134] : memref<2x160000xi32, #tpu.memory_space<hbm>> -> memref<1x1280xi32, #tpu.memory_space<hbm>>
        %dma_wait3A_136 = tpu.memref_squeeze %dma_wait3A_135 : memref<1x1280xi32, #tpu.memory_space<hbm>> -> memref<1280xi32, #tpu.memory_space<hbm>>
        %dma_wait3A_137 = arith.constant 0 : i32
        %dma_wait3A_138 = tpu.memref_slice %arg6[%dma_wait3A_137] : memref<5120xi32, #tpu.memory_space<vmem>> -> memref<1280xi32, #tpu.memory_space<vmem>>
        %dma_wait3A_139 = arith.constant 158720 : i32
        %dma_wait3A_140 = tpu.memref_slice %arg2[%run_scoped3A_43, %dma_wait3A_139] : memref<2x160000xi32, #tpu.memory_space<hbm>> -> memref<1x1280xi32, #tpu.memory_space<hbm>>
        %dma_wait3A_141 = tpu.memref_squeeze %dma_wait3A_140 : memref<1x1280xi32, #tpu.memory_space<hbm>> -> memref<1280xi32, #tpu.memory_space<hbm>>
        tpu.wait_dma2 semaphore(%run_scoped3A_121 : memref<!tpu.dma_semaphore, #tpu.memory_space<semaphore_mem>>) src(%dma_wait3A_141 : memref<1280xi32, #tpu.memory_space<hbm>>) dst(%dma_wait3A_138 : memref<1280xi32, #tpu.memory_space<vmem>>)
        tpu.yield
      }) : () -> ()
      %run_scoped3A_44 = arith.constant 1 : i32
      "tpu.region"() ({
        %run_scoped3A_121 = tpu.sem_alloc : memref<!tpu.dma_semaphore, #tpu.memory_space<semaphore_mem>>
        %dma_start3A_122 = arith.constant 0 : i32
        %dma_start3A_123 = tpu.memref_slice %arg8[%dma_start3A_122] : memref<5120xi32, #tpu.memory_space<vmem>> -> memref<1280xi32, #tpu.memory_space<vmem>>
        %dma_start3A_124 = arith.constant 158720 : i32
        %dma_start3A_125 = tpu.memref_slice %arg2[%run_scoped3A_44, %dma_start3A_124] : memref<2x160000xi32, #tpu.memory_space<hbm>> -> memref<1x1280xi32, #tpu.memory_space<hbm>>
        %dma_start3A_126 = tpu.memref_squeeze %dma_start3A_125 : memref<1x1280xi32, #tpu.memory_space<hbm>> -> memref<1280xi32, #tpu.memory_space<hbm>>
        %dma_start3A_127 = arith.constant 0 : i32
        %dma_start3A_128 = tpu.memref_slice %arg8[%dma_start3A_127] : memref<5120xi32, #tpu.memory_space<vmem>> -> memref<1280xi32, #tpu.memory_space<vmem>>
        %dma_start3A_129 = arith.constant 158720 : i32
        %dma_start3A_130 = tpu.memref_slice %arg2[%run_scoped3A_44, %dma_start3A_129] : memref<2x160000xi32, #tpu.memory_space<hbm>> -> memref<1x1280xi32, #tpu.memory_space<hbm>>
        %dma_start3A_131 = tpu.memref_squeeze %dma_start3A_130 : memref<1x1280xi32, #tpu.memory_space<hbm>> -> memref<1280xi32, #tpu.memory_space<hbm>>
        tpu.enqueue_dma source(%dma_start3A_131 : memref<1280xi32, #tpu.memory_space<hbm>>) target(%dma_start3A_128 : memref<1280xi32, #tpu.memory_space<vmem>>) target_semaphore(%run_scoped3A_121 : memref<!tpu.dma_semaphore, #tpu.memory_space<semaphore_mem>>)
        %dma_wait3A_132 = arith.constant 0 : i32
        %dma_wait3A_133 = tpu.memref_slice %arg8[%dma_wait3A_132] : memref<5120xi32, #tpu.memory_space<vmem>> -> memref<1280xi32, #tpu.memory_space<vmem>>
        %dma_wait3A_134 = arith.constant 158720 : i32
        %dma_wait3A_135 = tpu.memref_slice %arg2[%run_scoped3A_44, %dma_wait3A_134] : memref<2x160000xi32, #tpu.memory_space<hbm>> -> memref<1x1280xi32, #tpu.memory_space<hbm>>
        %dma_wait3A_136 = tpu.memref_squeeze %dma_wait3A_135 : memref<1x1280xi32, #tpu.memory_space<hbm>> -> memref<1280xi32, #tpu.memory_space<hbm>>
        %dma_wait3A_137 = arith.constant 0 : i32
        %dma_wait3A_138 = tpu.memref_slice %arg8[%dma_wait3A_137] : memref<5120xi32, #tpu.memory_space<vmem>> -> memref<1280xi32, #tpu.memory_space<vmem>>
        %dma_wait3A_139 = arith.constant 158720 : i32
        %dma_wait3A_140 = tpu.memref_slice %arg2[%run_scoped3A_44, %dma_wait3A_139] : memref<2x160000xi32, #tpu.memory_space<hbm>> -> memref<1x1280xi32, #tpu.memory_space<hbm>>
        %dma_wait3A_141 = tpu.memref_squeeze %dma_wait3A_140 : memref<1x1280xi32, #tpu.memory_space<hbm>> -> memref<1280xi32, #tpu.memory_space<hbm>>
        tpu.wait_dma2 semaphore(%run_scoped3A_121 : memref<!tpu.dma_semaphore, #tpu.memory_space<semaphore_mem>>) src(%dma_wait3A_141 : memref<1280xi32, #tpu.memory_space<hbm>>) dst(%dma_wait3A_138 : memref<1280xi32, #tpu.memory_space<vmem>>)
        tpu.yield
      }) : () -> ()
      "tpu.region"() ({
        %run_scoped3A_121 = tpu.sem_alloc : memref<!tpu.dma_semaphore, #tpu.memory_space<semaphore_mem>>
        %dma_start3A_122 = arith.constant 0 : i32
        %dma_start3A_123 = tpu.memref_slice %arg7[%dma_start3A_122] : memref<5120xi32, #tpu.memory_space<vmem>> -> memref<1280xi32, #tpu.memory_space<vmem>>
        %dma_start3A_124 = arith.constant 158720 : i32
        %dma_start3A_125 = tpu.memref_slice %arg3[%dma_start3A_124] : memref<160000xi32, #tpu.memory_space<hbm>> -> memref<1280xi32, #tpu.memory_space<hbm>>
        %dma_start3A_126 = arith.constant 0 : i32
        %dma_start3A_127 = tpu.memref_slice %arg7[%dma_start3A_126] : memref<5120xi32, #tpu.memory_space<vmem>> -> memref<1280xi32, #tpu.memory_space<vmem>>
        %dma_start3A_128 = arith.constant 158720 : i32
        %dma_start3A_129 = tpu.memref_slice %arg3[%dma_start3A_128] : memref<160000xi32, #tpu.memory_space<hbm>> -> memref<1280xi32, #tpu.memory_space<hbm>>
        tpu.enqueue_dma source(%dma_start3A_129 : memref<1280xi32, #tpu.memory_space<hbm>>) target(%dma_start3A_127 : memref<1280xi32, #tpu.memory_space<vmem>>) target_semaphore(%run_scoped3A_121 : memref<!tpu.dma_semaphore, #tpu.memory_space<semaphore_mem>>)
        %dma_wait3A_130 = arith.constant 0 : i32
        %dma_wait3A_131 = tpu.memref_slice %arg7[%dma_wait3A_130] : memref<5120xi32, #tpu.memory_space<vmem>> -> memref<1280xi32, #tpu.memory_space<vmem>>
        %dma_wait3A_132 = arith.constant 158720 : i32
        %dma_wait3A_133 = tpu.memref_slice %arg3[%dma_wait3A_132] : memref<160000xi32, #tpu.memory_space<hbm>> -> memref<1280xi32, #tpu.memory_space<hbm>>
        %dma_wait3A_134 = arith.constant 0 : i32
        %dma_wait3A_135 = tpu.memref_slice %arg7[%dma_wait3A_134] : memref<5120xi32, #tpu.memory_space<vmem>> -> memref<1280xi32, #tpu.memory_space<vmem>>
        %dma_wait3A_136 = arith.constant 158720 : i32
        %dma_wait3A_137 = tpu.memref_slice %arg3[%dma_wait3A_136] : memref<160000xi32, #tpu.memory_space<hbm>> -> memref<1280xi32, #tpu.memory_space<hbm>>
        tpu.wait_dma2 semaphore(%run_scoped3A_121 : memref<!tpu.dma_semaphore, #tpu.memory_space<semaphore_mem>>) src(%dma_wait3A_137 : memref<1280xi32, #tpu.memory_space<hbm>>) dst(%dma_wait3A_135 : memref<1280xi32, #tpu.memory_space<vmem>>)
        tpu.yield
      }) : () -> ()
      %scan3A_45 = arith.constant 0 : i32
      %scan3A_46 = arith.constant 0 : i32
      %scan3A_47 = arith.constant 10 : i32
      %scan3A_48 = arith.addi %scan3A_46, %scan3A_47 : i32
      %scan3A_49 = arith.constant 1 : i32
      %scan3A_50 = scf.for %scan3A_121 = %scan3A_46 to %scan3A_48 step %scan3A_49 iter_args(%scan3A_122 = %scan3A_45) -> (i32)  : i32 {
        %mul3A_123 = arith.constant 128 : i32
        %mul3A_124 = arith.muli %scan3A_121, %mul3A_123 : i32
        %add3A_125 = arith.constant 0 : i32
        %add3A_126 = arith.addi %mul3A_124, %add3A_125 : i32
        %get3A = arith.index_cast %add3A_126 : i32 to index
        %get3A_127 = tpu.vector_load %arg6[%get3A] {strides = array<i32>} : memref<5120xi32, #tpu.memory_space<vmem>>, vector<16xi32>,
        %get3A_128 = vector.shape_cast %get3A_127 : vector<16xi32> to vector<16xi32>
        %mul3A_129 = arith.constant 4 : i32
        %mul3A_130 = vector.broadcast %mul3A_129 : i32 to vector<16xi32>
        %mul3A_131 = arith.muli %get3A_128, %mul3A_130 : vector<16xi32>
        %get3A_132 = arith.index_cast %add3A_126 : i32 to index
        %get3A_133 = tpu.vector_load %arg7[%get3A_132] {strides = array<i32>} : memref<5120xi32, #tpu.memory_space<vmem>>, vector<16xi32>,
        %get3A_134 = vector.shape_cast %get3A_133 : vector<16xi32> to vector<16xi32>
        %add3A_135 = arith.addi %mul3A_131, %get3A_134 : vector<16xi32>
        %swap3A = arith.index_cast %scan3A_121 : i32 to index
        %swap3A_136 = arith.constant 0 : index
        %swap3A_137 = tpu.vector_load %arg9[%swap3A, %swap3A_136] {strides = array<i32>} : memref<40x128xi32, #tpu.memory_space<vmem>>, vector<1x16xi32>,
        %swap3A_138 = vector.shape_cast %swap3A_137 : vector<1x16xi32> to vector<16xi32>
        %swap3A_139 = vector.shape_cast %add3A_135 : vector<16xi32> to vector<1x16xi32>
        tpu.vector_store %arg9[%swap3A, %swap3A_136], %swap3A_139 {strides = array<i32>} : memref<40x128xi32, #tpu.memory_space<vmem>>, vector<1x16xi32>,
        %get3A_140 = arith.index_cast %add3A_126 : i32 to index
        %get3A_141 = tpu.vector_load %arg8[%get3A_140] {strides = array<i32>} : memref<5120xi32, #tpu.memory_space<vmem>>, vector<16xi32>,
        %get3A_142 = vector.shape_cast %get3A_141 : vector<16xi32> to vector<16xi32>
        %swap3A_143 = arith.index_cast %scan3A_121 : i32 to index
        %swap3A_144 = arith.constant 0 : index
        %swap3A_145 = tpu.vector_load %arg10[%swap3A_143, %swap3A_144] {strides = array<i32>} : memref<40x128xi32, #tpu.memory_space<vmem>>, vector<1x16xi32>,
        %swap3A_146 = vector.shape_cast %swap3A_145 : vector<1x16xi32> to vector<16xi32>
        %swap3A_147 = vector.shape_cast %get3A_142 : vector<16xi32> to vector<1x16xi32>
        tpu.vector_store %arg10[%swap3A_143, %swap3A_144], %swap3A_147 {strides = array<i32>} : memref<40x128xi32, #tpu.memory_space<vmem>>, vector<1x16xi32>,
        %mul3A_148 = arith.constant 128 : i32
        %mul3A_149 = arith.muli %scan3A_121, %mul3A_148 : i32
        %add3A_150 = arith.constant 16 : i32
        %add3A_151 = arith.addi %mul3A_149, %add3A_150 : i32
        %get3A_152 = arith.index_cast %add3A_151 : i32 to index
        %get3A_153 = tpu.vector_load %arg6[%get3A_152] {strides = array<i32>} : memref<5120xi32, #tpu.memory_space<vmem>>, vector<16xi32>,
        %get3A_154 = vector.shape_cast %get3A_153 : vector<16xi32> to vector<16xi32>
        %mul3A_155 = arith.constant 4 : i32
        %mul3A_156 = vector.broadcast %mul3A_155 : i32 to vector<16xi32>
        %mul3A_157 = arith.muli %get3A_154, %mul3A_156 : vector<16xi32>
        %get3A_158 = arith.index_cast %add3A_151 : i32 to index
        %get3A_159 = tpu.vector_load %arg7[%get3A_158] {strides = array<i32>} : memref<5120xi32, #tpu.memory_space<vmem>>, vector<16xi32>,
        %get3A_160 = vector.shape_cast %get3A_159 : vector<16xi32> to vector<16xi32>
        %add3A_161 = arith.addi %mul3A_157, %get3A_160 : vector<16xi32>
        %swap3A_162 = arith.index_cast %scan3A_121 : i32 to index
        %swap3A_163 = arith.constant 16 : index
        %swap3A_164 = tpu.vector_load %arg9[%swap3A_162, %swap3A_163] {strides = array<i32>} : memref<40x128xi32, #tpu.memory_space<vmem>>, vector<1x16xi32>,
        %swap3A_165 = vector.shape_cast %swap3A_164 : vector<1x16xi32> to vector<16xi32>
        %swap3A_166 = vector.shape_cast %add3A_161 : vector<16xi32> to vector<1x16xi32>
        tpu.vector_store %arg9[%swap3A_162, %swap3A_163], %swap3A_166 {strides = array<i32>} : memref<40x128xi32, #tpu.memory_space<vmem>>, vector<1x16xi32>,
        %get3A_167 = arith.index_cast %add3A_151 : i32 to index
        %get3A_168 = tpu.vector_load %arg8[%get3A_167] {strides = array<i32>} : memref<5120xi32, #tpu.memory_space<vmem>>, vector<16xi32>,
        %get3A_169 = vector.shape_cast %get3A_168 : vector<16xi32> to vector<16xi32>
        %swap3A_170 = arith.index_cast %scan3A_121 : i32 to index
        %swap3A_171 = arith.constant 16 : index
        %swap3A_172 = tpu.vector_load %arg10[%swap3A_170, %swap3A_171] {strides = array<i32>} : memref<40x128xi32, #tpu.memory_space<vmem>>, vector<1x16xi32>,
        %swap3A_173 = vector.shape_cast %swap3A_172 : vector<1x16xi32> to vector<16xi32>
        %swap3A_174 = vector.shape_cast %get3A_169 : vector<16xi32> to vector<1x16xi32>
        tpu.vector_store %arg10[%swap3A_170, %swap3A_171], %swap3A_174 {strides = array<i32>} : memref<40x128xi32, #tpu.memory_space<vmem>>, vector<1x16xi32>,
        %mul3A_175 = arith.constant 128 : i32
        %mul3A_176 = arith.muli %scan3A_121, %mul3A_175 : i32
        %add3A_177 = arith.constant 32 : i32
        %add3A_178 = arith.addi %mul3A_176, %add3A_177 : i32
        %get3A_179 = arith.index_cast %add3A_178 : i32 to index
        %get3A_180 = tpu.vector_load %arg6[%get3A_179] {strides = array<i32>} : memref<5120xi32, #tpu.memory_space<vmem>>, vector<16xi32>,
        %get3A_181 = vector.shape_cast %get3A_180 : vector<16xi32> to vector<16xi32>
        %mul3A_182 = arith.constant 4 : i32
        %mul3A_183 = vector.broadcast %mul3A_182 : i32 to vector<16xi32>
        %mul3A_184 = arith.muli %get3A_181, %mul3A_183 : vector<16xi32>
        %get3A_185 = arith.index_cast %add3A_178 : i32 to index
        %get3A_186 = tpu.vector_load %arg7[%get3A_185] {strides = array<i32>} : memref<5120xi32, #tpu.memory_space<vmem>>, vector<16xi32>,
        %get3A_187 = vector.shape_cast %get3A_186 : vector<16xi32> to vector<16xi32>
        %add3A_188 = arith.addi %mul3A_184, %get3A_187 : vector<16xi32>
        %swap3A_189 = arith.index_cast %scan3A_121 : i32 to index
        %swap3A_190 = arith.constant 32 : index
        %swap3A_191 = tpu.vector_load %arg9[%swap3A_189, %swap3A_190] {strides = array<i32>} : memref<40x128xi32, #tpu.memory_space<vmem>>, vector<1x16xi32>,
        %swap3A_192 = vector.shape_cast %swap3A_191 : vector<1x16xi32> to vector<16xi32>
        %swap3A_193 = vector.shape_cast %add3A_188 : vector<16xi32> to vector<1x16xi32>
        tpu.vector_store %arg9[%swap3A_189, %swap3A_190], %swap3A_193 {strides = array<i32>} : memref<40x128xi32, #tpu.memory_space<vmem>>, vector<1x16xi32>,
        %get3A_194 = arith.index_cast %add3A_178 : i32 to index
        %get3A_195 = tpu.vector_load %arg8[%get3A_194] {strides = array<i32>} : memref<5120xi32, #tpu.memory_space<vmem>>, vector<16xi32>,
        %get3A_196 = vector.shape_cast %get3A_195 : vector<16xi32> to vector<16xi32>
        %swap3A_197 = arith.index_cast %scan3A_121 : i32 to index
        %swap3A_198 = arith.constant 32 : index
        %swap3A_199 = tpu.vector_load %arg10[%swap3A_197, %swap3A_198] {strides = array<i32>} : memref<40x128xi32, #tpu.memory_space<vmem>>, vector<1x16xi32>,
        %swap3A_200 = vector.shape_cast %swap3A_199 : vector<1x16xi32> to vector<16xi32>
        %swap3A_201 = vector.shape_cast %get3A_196 : vector<16xi32> to vector<1x16xi32>
        tpu.vector_store %arg10[%swap3A_197, %swap3A_198], %swap3A_201 {strides = array<i32>} : memref<40x128xi32, #tpu.memory_space<vmem>>, vector<1x16xi32>,
        %mul3A_202 = arith.constant 128 : i32
        %mul3A_203 = arith.muli %scan3A_121, %mul3A_202 : i32
        %add3A_204 = arith.constant 48 : i32
        %add3A_205 = arith.addi %mul3A_203, %add3A_204 : i32
        %get3A_206 = arith.index_cast %add3A_205 : i32 to index
        %get3A_207 = tpu.vector_load %arg6[%get3A_206] {strides = array<i32>} : memref<5120xi32, #tpu.memory_space<vmem>>, vector<16xi32>,
        %get3A_208 = vector.shape_cast %get3A_207 : vector<16xi32> to vector<16xi32>
        %mul3A_209 = arith.constant 4 : i32
        %mul3A_210 = vector.broadcast %mul3A_209 : i32 to vector<16xi32>
        %mul3A_211 = arith.muli %get3A_208, %mul3A_210 : vector<16xi32>
        %get3A_212 = arith.index_cast %add3A_205 : i32 to index
        %get3A_213 = tpu.vector_load %arg7[%get3A_212] {strides = array<i32>} : memref<5120xi32, #tpu.memory_space<vmem>>, vector<16xi32>,
        %get3A_214 = vector.shape_cast %get3A_213 : vector<16xi32> to vector<16xi32>
        %add3A_215 = arith.addi %mul3A_211, %get3A_214 : vector<16xi32>
        %swap3A_216 = arith.index_cast %scan3A_121 : i32 to index
        %swap3A_217 = arith.constant 48 : index
        %swap3A_218 = tpu.vector_load %arg9[%swap3A_216, %swap3A_217] {strides = array<i32>} : memref<40x128xi32, #tpu.memory_space<vmem>>, vector<1x16xi32>,
        %swap3A_219 = vector.shape_cast %swap3A_218 : vector<1x16xi32> to vector<16xi32>
        %swap3A_220 = vector.shape_cast %add3A_215 : vector<16xi32> to vector<1x16xi32>
        tpu.vector_store %arg9[%swap3A_216, %swap3A_217], %swap3A_220 {strides = array<i32>} : memref<40x128xi32, #tpu.memory_space<vmem>>, vector<1x16xi32>,
        %get3A_221 = arith.index_cast %add3A_205 : i32 to index
        %get3A_222 = tpu.vector_load %arg8[%get3A_221] {strides = array<i32>} : memref<5120xi32, #tpu.memory_space<vmem>>, vector<16xi32>,
        %get3A_223 = vector.shape_cast %get3A_222 : vector<16xi32> to vector<16xi32>
        %swap3A_224 = arith.index_cast %scan3A_121 : i32 to index
        %swap3A_225 = arith.constant 48 : index
        %swap3A_226 = tpu.vector_load %arg10[%swap3A_224, %swap3A_225] {strides = array<i32>} : memref<40x128xi32, #tpu.memory_space<vmem>>, vector<1x16xi32>,
        %swap3A_227 = vector.shape_cast %swap3A_226 : vector<1x16xi32> to vector<16xi32>
        %swap3A_228 = vector.shape_cast %get3A_223 : vector<16xi32> to vector<1x16xi32>
        tpu.vector_store %arg10[%swap3A_224, %swap3A_225], %swap3A_228 {strides = array<i32>} : memref<40x128xi32, #tpu.memory_space<vmem>>, vector<1x16xi32>,
        %mul3A_229 = arith.constant 128 : i32
        %mul3A_230 = arith.muli %scan3A_121, %mul3A_229 : i32
        %add3A_231 = arith.constant 64 : i32
        %add3A_232 = arith.addi %mul3A_230, %add3A_231 : i32
        %get3A_233 = arith.index_cast %add3A_232 : i32 to index
        %get3A_234 = tpu.vector_load %arg6[%get3A_233] {strides = array<i32>} : memref<5120xi32, #tpu.memory_space<vmem>>, vector<16xi32>,
        %get3A_235 = vector.shape_cast %get3A_234 : vector<16xi32> to vector<16xi32>
        %mul3A_236 = arith.constant 4 : i32
        %mul3A_237 = vector.broadcast %mul3A_236 : i32 to vector<16xi32>
        %mul3A_238 = arith.muli %get3A_235, %mul3A_237 : vector<16xi32>
        %get3A_239 = arith.index_cast %add3A_232 : i32 to index
        %get3A_240 = tpu.vector_load %arg7[%get3A_239] {strides = array<i32>} : memref<5120xi32, #tpu.memory_space<vmem>>, vector<16xi32>,
        %get3A_241 = vector.shape_cast %get3A_240 : vector<16xi32> to vector<16xi32>
        %add3A_242 = arith.addi %mul3A_238, %get3A_241 : vector<16xi32>
        %swap3A_243 = arith.index_cast %scan3A_121 : i32 to index
        %swap3A_244 = arith.constant 64 : index
        %swap3A_245 = tpu.vector_load %arg9[%swap3A_243, %swap3A_244] {strides = array<i32>} : memref<40x128xi32, #tpu.memory_space<vmem>>, vector<1x16xi32>,
        %swap3A_246 = vector.shape_cast %swap3A_245 : vector<1x16xi32> to vector<16xi32>
        %swap3A_247 = vector.shape_cast %add3A_242 : vector<16xi32> to vector<1x16xi32>
        tpu.vector_store %arg9[%swap3A_243, %swap3A_244], %swap3A_247 {strides = array<i32>} : memref<40x128xi32, #tpu.memory_space<vmem>>, vector<1x16xi32>,
        %get3A_248 = arith.index_cast %add3A_232 : i32 to index
        %get3A_249 = tpu.vector_load %arg8[%get3A_248] {strides = array<i32>} : memref<5120xi32, #tpu.memory_space<vmem>>, vector<16xi32>,
        %get3A_250 = vector.shape_cast %get3A_249 : vector<16xi32> to vector<16xi32>
        %swap3A_251 = arith.index_cast %scan3A_121 : i32 to index
        %swap3A_252 = arith.constant 64 : index
        %swap3A_253 = tpu.vector_load %arg10[%swap3A_251, %swap3A_252] {strides = array<i32>} : memref<40x128xi32, #tpu.memory_space<vmem>>, vector<1x16xi32>,
        %swap3A_254 = vector.shape_cast %swap3A_253 : vector<1x16xi32> to vector<16xi32>
        %swap3A_255 = vector.shape_cast %get3A_250 : vector<16xi32> to vector<1x16xi32>
        tpu.vector_store %arg10[%swap3A_251, %swap3A_252], %swap3A_255 {strides = array<i32>} : memref<40x128xi32, #tpu.memory_space<vmem>>, vector<1x16xi32>,
        %mul3A_256 = arith.constant 128 : i32
        %mul3A_257 = arith.muli %scan3A_121, %mul3A_256 : i32
        %add3A_258 = arith.constant 80 : i32
        %add3A_259 = arith.addi %mul3A_257, %add3A_258 : i32
        %get3A_260 = arith.index_cast %add3A_259 : i32 to index
        %get3A_261 = tpu.vector_load %arg6[%get3A_260] {strides = array<i32>} : memref<5120xi32, #tpu.memory_space<vmem>>, vector<16xi32>,
        %get3A_262 = vector.shape_cast %get3A_261 : vector<16xi32> to vector<16xi32>
        %mul3A_263 = arith.constant 4 : i32
        %mul3A_264 = vector.broadcast %mul3A_263 : i32 to vector<16xi32>
        %mul3A_265 = arith.muli %get3A_262, %mul3A_264 : vector<16xi32>
        %get3A_266 = arith.index_cast %add3A_259 : i32 to index
        %get3A_267 = tpu.vector_load %arg7[%get3A_266] {strides = array<i32>} : memref<5120xi32, #tpu.memory_space<vmem>>, vector<16xi32>,
        %get3A_268 = vector.shape_cast %get3A_267 : vector<16xi32> to vector<16xi32>
        %add3A_269 = arith.addi %mul3A_265, %get3A_268 : vector<16xi32>
        %swap3A_270 = arith.index_cast %scan3A_121 : i32 to index
        %swap3A_271 = arith.constant 80 : index
        %swap3A_272 = tpu.vector_load %arg9[%swap3A_270, %swap3A_271] {strides = array<i32>} : memref<40x128xi32, #tpu.memory_space<vmem>>, vector<1x16xi32>,
        %swap3A_273 = vector.shape_cast %swap3A_272 : vector<1x16xi32> to vector<16xi32>
        %swap3A_274 = vector.shape_cast %add3A_269 : vector<16xi32> to vector<1x16xi32>
        tpu.vector_store %arg9[%swap3A_270, %swap3A_271], %swap3A_274 {strides = array<i32>} : memref<40x128xi32, #tpu.memory_space<vmem>>, vector<1x16xi32>,
        %get3A_275 = arith.index_cast %add3A_259 : i32 to index
        %get3A_276 = tpu.vector_load %arg8[%get3A_275] {strides = array<i32>} : memref<5120xi32, #tpu.memory_space<vmem>>, vector<16xi32>,
        %get3A_277 = vector.shape_cast %get3A_276 : vector<16xi32> to vector<16xi32>
        %swap3A_278 = arith.index_cast %scan3A_121 : i32 to index
        %swap3A_279 = arith.constant 80 : index
        %swap3A_280 = tpu.vector_load %arg10[%swap3A_278, %swap3A_279] {strides = array<i32>} : memref<40x128xi32, #tpu.memory_space<vmem>>, vector<1x16xi32>,
        %swap3A_281 = vector.shape_cast %swap3A_280 : vector<1x16xi32> to vector<16xi32>
        %swap3A_282 = vector.shape_cast %get3A_277 : vector<16xi32> to vector<1x16xi32>
        tpu.vector_store %arg10[%swap3A_278, %swap3A_279], %swap3A_282 {strides = array<i32>} : memref<40x128xi32, #tpu.memory_space<vmem>>, vector<1x16xi32>,
        %mul3A_283 = arith.constant 128 : i32
        %mul3A_284 = arith.muli %scan3A_121, %mul3A_283 : i32
        %add3A_285 = arith.constant 96 : i32
        %add3A_286 = arith.addi %mul3A_284, %add3A_285 : i32
        %get3A_287 = arith.index_cast %add3A_286 : i32 to index
        %get3A_288 = tpu.vector_load %arg6[%get3A_287] {strides = array<i32>} : memref<5120xi32, #tpu.memory_space<vmem>>, vector<16xi32>,
        %get3A_289 = vector.shape_cast %get3A_288 : vector<16xi32> to vector<16xi32>
        %mul3A_290 = arith.constant 4 : i32
        %mul3A_291 = vector.broadcast %mul3A_290 : i32 to vector<16xi32>
        %mul3A_292 = arith.muli %get3A_289, %mul3A_291 : vector<16xi32>
        %get3A_293 = arith.index_cast %add3A_286 : i32 to index
        %get3A_294 = tpu.vector_load %arg7[%get3A_293] {strides = array<i32>} : memref<5120xi32, #tpu.memory_space<vmem>>, vector<16xi32>,
        %get3A_295 = vector.shape_cast %get3A_294 : vector<16xi32> to vector<16xi32>
        %add3A_296 = arith.addi %mul3A_292, %get3A_295 : vector<16xi32>
        %swap3A_297 = arith.index_cast %scan3A_121 : i32 to index
        %swap3A_298 = arith.constant 96 : index
        %swap3A_299 = tpu.vector_load %arg9[%swap3A_297, %swap3A_298] {strides = array<i32>} : memref<40x128xi32, #tpu.memory_space<vmem>>, vector<1x16xi32>,
        %swap3A_300 = vector.shape_cast %swap3A_299 : vector<1x16xi32> to vector<16xi32>
        %swap3A_301 = vector.shape_cast %add3A_296 : vector<16xi32> to vector<1x16xi32>
        tpu.vector_store %arg9[%swap3A_297, %swap3A_298], %swap3A_301 {strides = array<i32>} : memref<40x128xi32, #tpu.memory_space<vmem>>, vector<1x16xi32>,
        %get3A_302 = arith.index_cast %add3A_286 : i32 to index
        %get3A_303 = tpu.vector_load %arg8[%get3A_302] {strides = array<i32>} : memref<5120xi32, #tpu.memory_space<vmem>>, vector<16xi32>,
        %get3A_304 = vector.shape_cast %get3A_303 : vector<16xi32> to vector<16xi32>
        %swap3A_305 = arith.index_cast %scan3A_121 : i32 to index
        %swap3A_306 = arith.constant 96 : index
        %swap3A_307 = tpu.vector_load %arg10[%swap3A_305, %swap3A_306] {strides = array<i32>} : memref<40x128xi32, #tpu.memory_space<vmem>>, vector<1x16xi32>,
        %swap3A_308 = vector.shape_cast %swap3A_307 : vector<1x16xi32> to vector<16xi32>
        %swap3A_309 = vector.shape_cast %get3A_304 : vector<16xi32> to vector<1x16xi32>
        tpu.vector_store %arg10[%swap3A_305, %swap3A_306], %swap3A_309 {strides = array<i32>} : memref<40x128xi32, #tpu.memory_space<vmem>>, vector<1x16xi32>,
        %mul3A_310 = arith.constant 128 : i32
        %mul3A_311 = arith.muli %scan3A_121, %mul3A_310 : i32
        %add3A_312 = arith.constant 112 : i32
        %add3A_313 = arith.addi %mul3A_311, %add3A_312 : i32
        %get3A_314 = arith.index_cast %add3A_313 : i32 to index
        %get3A_315 = tpu.vector_load %arg6[%get3A_314] {strides = array<i32>} : memref<5120xi32, #tpu.memory_space<vmem>>, vector<16xi32>,
        %get3A_316 = vector.shape_cast %get3A_315 : vector<16xi32> to vector<16xi32>
        %mul3A_317 = arith.constant 4 : i32
        %mul3A_318 = vector.broadcast %mul3A_317 : i32 to vector<16xi32>
        %mul3A_319 = arith.muli %get3A_316, %mul3A_318 : vector<16xi32>
        %get3A_320 = arith.index_cast %add3A_313 : i32 to index
        %get3A_321 = tpu.vector_load %arg7[%get3A_320] {strides = array<i32>} : memref<5120xi32, #tpu.memory_space<vmem>>, vector<16xi32>,
        %get3A_322 = vector.shape_cast %get3A_321 : vector<16xi32> to vector<16xi32>
        %add3A_323 = arith.addi %mul3A_319, %get3A_322 : vector<16xi32>
        %swap3A_324 = arith.index_cast %scan3A_121 : i32 to index
        %swap3A_325 = arith.constant 112 : index
        %swap3A_326 = tpu.vector_load %arg9[%swap3A_324, %swap3A_325] {strides = array<i32>} : memref<40x128xi32, #tpu.memory_space<vmem>>, vector<1x16xi32>,
        %swap3A_327 = vector.shape_cast %swap3A_326 : vector<1x16xi32> to vector<16xi32>
        %swap3A_328 = vector.shape_cast %add3A_323 : vector<16xi32> to vector<1x16xi32>
        tpu.vector_store %arg9[%swap3A_324, %swap3A_325], %swap3A_328 {strides = array<i32>} : memref<40x128xi32, #tpu.memory_space<vmem>>, vector<1x16xi32>,
        %get3A_329 = arith.index_cast %add3A_313 : i32 to index
        %get3A_330 = tpu.vector_load %arg8[%get3A_329] {strides = array<i32>} : memref<5120xi32, #tpu.memory_space<vmem>>, vector<16xi32>,
        %get3A_331 = vector.shape_cast %get3A_330 : vector<16xi32> to vector<16xi32>
        %swap3A_332 = arith.index_cast %scan3A_121 : i32 to index
        %swap3A_333 = arith.constant 112 : index
        %swap3A_334 = tpu.vector_load %arg10[%swap3A_332, %swap3A_333] {strides = array<i32>} : memref<40x128xi32, #tpu.memory_space<vmem>>, vector<1x16xi32>,
        %swap3A_335 = vector.shape_cast %swap3A_334 : vector<1x16xi32> to vector<16xi32>
        %swap3A_336 = vector.shape_cast %get3A_331 : vector<16xi32> to vector<1x16xi32>
        tpu.vector_store %arg10[%swap3A_332, %swap3A_333], %swap3A_336 {strides = array<i32>} : memref<40x128xi32, #tpu.memory_space<vmem>>, vector<1x16xi32>,
        %scan3A_337 = arith.constant 0 : i32
        scf.yield %scan3A_337 : i32
      }
      %scan3A_51 = arith.constant 10 : i32
      %scan3A_52 = arith.constant 0 : i32
      %scan3A_53 = arith.constant 0 : i32
      %scan3A_54 = arith.constant 2 : i32
      %scan3A_55 = arith.addi %scan3A_53, %scan3A_54 : i32
      %scan3A_56 = arith.constant 1 : i32
      %scan3A_57 = scf.for %scan3A_121 = %scan3A_53 to %scan3A_55 step %scan3A_56 iter_args(%scan3A_122 = %scan3A_52) -> (i32)  : i32 {
        %mul3A_123 = arith.constant 4 : i32
        %mul3A_124 = arith.muli %scan3A_121, %mul3A_123 : i32
        %add3A_125 = arith.constant 0 : i32
        %add3A_126 = arith.addi %mul3A_124, %add3A_125 : i32
        %dma_start3A_127 = arith.constant 0 : i32
        %dma_start3A_128 = arith.constant 0 : i32
        %dma_start3A_129 = arith.constant 0 : i32
        %dma_start3A_130 = arith.constant 0 : i32
        %dma_start3A_131 = tpu.memref_slice %arg11[%dma_start3A_127, %dma_start3A_129, %dma_start3A_130] : memref<4x128x32xf32, #tpu.memory_space<vmem>> -> memref<1x128x32xf32, #tpu.memory_space<vmem>>
        %dma_start3A_132 = tpu.memref_squeeze %dma_start3A_131 : memref<1x128x32xf32, #tpu.memory_space<vmem>> -> memref<128x32xf32, #tpu.memory_space<vmem>>
        %dma_start3A_133 = arith.constant 0 : i32
        %dma_start3A_134 = tpu.memref_slice %arg9[%add3A_126, %dma_start3A_133] : memref<40x128xi32, #tpu.memory_space<vmem>> -> memref<1x128xi32, #tpu.memory_space<vmem>>
        %dma_start3A_135 = tpu.memref_squeeze %dma_start3A_134 : memref<1x128xi32, #tpu.memory_space<vmem>> -> memref<128xi32, #tpu.memory_space<vmem>>
        %dma_start3A_136 = arith.constant 0 : i32
        %dma_start3A_137 = arith.constant 0 : i32
        %dma_start3A_138 = tpu.memref_slice %arg4[%dma_start3A_136, %dma_start3A_137] : memref<40000x32xf32, #tpu.memory_space<hbm>> -> memref<40000x32xf32, #tpu.memory_space<hbm>>
        %dma_start3A_139 = tpu.memref_slice %arg14[%dma_start3A_128] : memref<4x!tpu.dma_semaphore, #tpu.memory_space<semaphore_mem>> -> memref<1x!tpu.dma_semaphore, #tpu.memory_space<semaphore_mem>>
        %dma_start3A_140 = tpu.memref_squeeze %dma_start3A_139 : memref<1x!tpu.dma_semaphore, #tpu.memory_space<semaphore_mem>> -> memref<!tpu.dma_semaphore, #tpu.memory_space<semaphore_mem>>
        tpu.enqueue_indirect_dma source(%dma_start3A_138 : memref<40000x32xf32, #tpu.memory_space<hbm>>) target(%dma_start3A_132 : memref<128x32xf32, #tpu.memory_space<vmem>>) offsets(%dma_start3A_135 : memref<128xi32, #tpu.memory_space<vmem>>) semaphore(%dma_start3A_140 : memref<!tpu.dma_semaphore, #tpu.memory_space<semaphore_mem>>)
        %mul3A_141 = arith.constant 4 : i32
        %mul3A_142 = arith.muli %scan3A_121, %mul3A_141 : i32
        %add3A_143 = arith.constant 1 : i32
        %add3A_144 = arith.addi %mul3A_142, %add3A_143 : i32
        %dma_start3A_145 = arith.constant 1 : i32
        %dma_start3A_146 = arith.constant 1 : i32
        %dma_start3A_147 = arith.constant 0 : i32
        %dma_start3A_148 = arith.constant 0 : i32
        %dma_start3A_149 = tpu.memref_slice %arg11[%dma_start3A_145, %dma_start3A_147, %dma_start3A_148] : memref<4x128x32xf32, #tpu.memory_space<vmem>> -> memref<1x128x32xf32, #tpu.memory_space<vmem>>
        %dma_start3A_150 = tpu.memref_squeeze %dma_start3A_149 : memref<1x128x32xf32, #tpu.memory_space<vmem>> -> memref<128x32xf32, #tpu.memory_space<vmem>>
        %dma_start3A_151 = arith.constant 0 : i32
        %dma_start3A_152 = tpu.memref_slice %arg9[%add3A_144, %dma_start3A_151] : memref<40x128xi32, #tpu.memory_space<vmem>> -> memref<1x128xi32, #tpu.memory_space<vmem>>
        %dma_start3A_153 = tpu.memref_squeeze %dma_start3A_152 : memref<1x128xi32, #tpu.memory_space<vmem>> -> memref<128xi32, #tpu.memory_space<vmem>>
        %dma_start3A_154 = arith.constant 0 : i32
        %dma_start3A_155 = arith.constant 0 : i32
        %dma_start3A_156 = tpu.memref_slice %arg4[%dma_start3A_154, %dma_start3A_155] : memref<40000x32xf32, #tpu.memory_space<hbm>> -> memref<40000x32xf32, #tpu.memory_space<hbm>>
        %dma_start3A_157 = tpu.memref_slice %arg14[%dma_start3A_146] : memref<4x!tpu.dma_semaphore, #tpu.memory_space<semaphore_mem>> -> memref<1x!tpu.dma_semaphore, #tpu.memory_space<semaphore_mem>>
        %dma_start3A_158 = tpu.memref_squeeze %dma_start3A_157 : memref<1x!tpu.dma_semaphore, #tpu.memory_space<semaphore_mem>> -> memref<!tpu.dma_semaphore, #tpu.memory_space<semaphore_mem>>
        tpu.enqueue_indirect_dma source(%dma_start3A_156 : memref<40000x32xf32, #tpu.memory_space<hbm>>) target(%dma_start3A_150 : memref<128x32xf32, #tpu.memory_space<vmem>>) offsets(%dma_start3A_153 : memref<128xi32, #tpu.memory_space<vmem>>) semaphore(%dma_start3A_158 : memref<!tpu.dma_semaphore, #tpu.memory_space<semaphore_mem>>)
        %mul3A_159 = arith.constant 4 : i32
        %mul3A_160 = arith.muli %scan3A_121, %mul3A_159 : i32
        %add3A_161 = arith.constant 2 : i32
        %add3A_162 = arith.addi %mul3A_160, %add3A_161 : i32
        %dma_start3A_163 = arith.constant 2 : i32
        %dma_start3A_164 = arith.constant 2 : i32
        %dma_start3A_165 = arith.constant 0 : i32
        %dma_start3A_166 = arith.constant 0 : i32
        %dma_start3A_167 = tpu.memref_slice %arg11[%dma_start3A_163, %dma_start3A_165, %dma_start3A_166] : memref<4x128x32xf32, #tpu.memory_space<vmem>> -> memref<1x128x32xf32, #tpu.memory_space<vmem>>
        %dma_start3A_168 = tpu.memref_squeeze %dma_start3A_167 : memref<1x128x32xf32, #tpu.memory_space<vmem>> -> memref<128x32xf32, #tpu.memory_space<vmem>>
        %dma_start3A_169 = arith.constant 0 : i32
        %dma_start3A_170 = tpu.memref_slice %arg9[%add3A_162, %dma_start3A_169] : memref<40x128xi32, #tpu.memory_space<vmem>> -> memref<1x128xi32, #tpu.memory_space<vmem>>
        %dma_start3A_171 = tpu.memref_squeeze %dma_start3A_170 : memref<1x128xi32, #tpu.memory_space<vmem>> -> memref<128xi32, #tpu.memory_space<vmem>>
        %dma_start3A_172 = arith.constant 0 : i32
        %dma_start3A_173 = arith.constant 0 : i32
        %dma_start3A_174 = tpu.memref_slice %arg4[%dma_start3A_172, %dma_start3A_173] : memref<40000x32xf32, #tpu.memory_space<hbm>> -> memref<40000x32xf32, #tpu.memory_space<hbm>>
        %dma_start3A_175 = tpu.memref_slice %arg14[%dma_start3A_164] : memref<4x!tpu.dma_semaphore, #tpu.memory_space<semaphore_mem>> -> memref<1x!tpu.dma_semaphore, #tpu.memory_space<semaphore_mem>>
        %dma_start3A_176 = tpu.memref_squeeze %dma_start3A_175 : memref<1x!tpu.dma_semaphore, #tpu.memory_space<semaphore_mem>> -> memref<!tpu.dma_semaphore, #tpu.memory_space<semaphore_mem>>
        tpu.enqueue_indirect_dma source(%dma_start3A_174 : memref<40000x32xf32, #tpu.memory_space<hbm>>) target(%dma_start3A_168 : memref<128x32xf32, #tpu.memory_space<vmem>>) offsets(%dma_start3A_171 : memref<128xi32, #tpu.memory_space<vmem>>) semaphore(%dma_start3A_176 : memref<!tpu.dma_semaphore, #tpu.memory_space<semaphore_mem>>)
        %mul3A_177 = arith.constant 4 : i32
        %mul3A_178 = arith.muli %scan3A_121, %mul3A_177 : i32
        %add3A_179 = arith.constant 3 : i32
        %add3A_180 = arith.addi %mul3A_178, %add3A_179 : i32
        %dma_start3A_181 = arith.constant 3 : i32
        %dma_start3A_182 = arith.constant 3 : i32
        %dma_start3A_183 = arith.constant 0 : i32
        %dma_start3A_184 = arith.constant 0 : i32
        %dma_start3A_185 = tpu.memref_slice %arg11[%dma_start3A_181, %dma_start3A_183, %dma_start3A_184] : memref<4x128x32xf32, #tpu.memory_space<vmem>> -> memref<1x128x32xf32, #tpu.memory_space<vmem>>
        %dma_start3A_186 = tpu.memref_squeeze %dma_start3A_185 : memref<1x128x32xf32, #tpu.memory_space<vmem>> -> memref<128x32xf32, #tpu.memory_space<vmem>>
        %dma_start3A_187 = arith.constant 0 : i32
        %dma_start3A_188 = tpu.memref_slice %arg9[%add3A_180, %dma_start3A_187] : memref<40x128xi32, #tpu.memory_space<vmem>> -> memref<1x128xi32, #tpu.memory_space<vmem>>
        %dma_start3A_189 = tpu.memref_squeeze %dma_start3A_188 : memref<1x128xi32, #tpu.memory_space<vmem>> -> memref<128xi32, #tpu.memory_space<vmem>>
        %dma_start3A_190 = arith.constant 0 : i32
        %dma_start3A_191 = arith.constant 0 : i32
        %dma_start3A_192 = tpu.memref_slice %arg4[%dma_start3A_190, %dma_start3A_191] : memref<40000x32xf32, #tpu.memory_space<hbm>> -> memref<40000x32xf32, #tpu.memory_space<hbm>>
        %dma_start3A_193 = tpu.memref_slice %arg14[%dma_start3A_182] : memref<4x!tpu.dma_semaphore, #tpu.memory_space<semaphore_mem>> -> memref<1x!tpu.dma_semaphore, #tpu.memory_space<semaphore_mem>>
        %dma_start3A_194 = tpu.memref_squeeze %dma_start3A_193 : memref<1x!tpu.dma_semaphore, #tpu.memory_space<semaphore_mem>> -> memref<!tpu.dma_semaphore, #tpu.memory_space<semaphore_mem>>
        tpu.enqueue_indirect_dma source(%dma_start3A_192 : memref<40000x32xf32, #tpu.memory_space<hbm>>) target(%dma_start3A_186 : memref<128x32xf32, #tpu.memory_space<vmem>>) offsets(%dma_start3A_189 : memref<128xi32, #tpu.memory_space<vmem>>) semaphore(%dma_start3A_194 : memref<!tpu.dma_semaphore, #tpu.memory_space<semaphore_mem>>)
        %dma_wait3A_195 = arith.constant 0 : i32
        %dma_wait3A_196 = arith.constant 0 : i32
        %dma_wait3A_197 = arith.constant 0 : i32
        %dma_wait3A_198 = arith.constant 0 : i32
        %dma_wait3A_199 = tpu.memref_slice %arg11[%dma_wait3A_195, %dma_wait3A_197, %dma_wait3A_198] : memref<4x128x32xf32, #tpu.memory_space<vmem>> -> memref<1x128x32xf32, #tpu.memory_space<vmem>>
        %dma_wait3A_200 = tpu.memref_squeeze %dma_wait3A_199 : memref<1x128x32xf32, #tpu.memory_space<vmem>> -> memref<128x32xf32, #tpu.memory_space<vmem>>
        %dma_wait3A_201 = arith.constant 0 : i32
        %dma_wait3A_202 = tpu.memref_slice %arg9[%add3A_126, %dma_wait3A_201] : memref<40x128xi32, #tpu.memory_space<vmem>> -> memref<1x128xi32, #tpu.memory_space<vmem>>
        %dma_wait3A_203 = tpu.memref_squeeze %dma_wait3A_202 : memref<1x128xi32, #tpu.memory_space<vmem>> -> memref<128xi32, #tpu.memory_space<vmem>>
        %dma_wait3A_204 = arith.constant 0 : i32
        %dma_wait3A_205 = arith.constant 0 : i32
        %dma_wait3A_206 = tpu.memref_slice %arg4[%dma_wait3A_204, %dma_wait3A_205] : memref<40000x32xf32, #tpu.memory_space<hbm>> -> memref<40000x32xf32, #tpu.memory_space<hbm>>
        %dma_wait3A_207 = tpu.memref_slice %arg14[%dma_wait3A_196] : memref<4x!tpu.dma_semaphore, #tpu.memory_space<semaphore_mem>> -> memref<1x!tpu.dma_semaphore, #tpu.memory_space<semaphore_mem>>
        %dma_wait3A_208 = tpu.memref_squeeze %dma_wait3A_207 : memref<1x!tpu.dma_semaphore, #tpu.memory_space<semaphore_mem>> -> memref<!tpu.dma_semaphore, #tpu.memory_space<semaphore_mem>>
        tpu.wait_indirect_dma semaphore(%dma_wait3A_208 : memref<!tpu.dma_semaphore, #tpu.memory_space<semaphore_mem>>) src(%dma_wait3A_206 : memref<40000x32xf32, #tpu.memory_space<hbm>>) dst(%dma_wait3A_200 : memref<128x32xf32, #tpu.memory_space<vmem>>)
        %mul3A_209 = arith.constant 4 : i32
        %mul3A_210 = arith.muli %scan3A_121, %mul3A_209 : i32
        %add3A_211 = arith.constant 0 : i32
        %add3A_212 = arith.addi %mul3A_210, %add3A_211 : i32
        %run_scoped3A_213 = arith.constant 0 : i32
        "tpu.region"() ({
          %run_scoped3A_272 = tpu.sem_alloc : memref<!tpu.dma_semaphore, #tpu.memory_space<semaphore_mem>>
          %dma_start3A_273 = arith.constant 0 : i32
          %dma_start3A_274 = arith.constant 0 : i32
          %dma_start3A_275 = tpu.memref_slice %arg11[%run_scoped3A_213, %dma_start3A_273, %dma_start3A_274] : memref<4x128x32xf32, #tpu.memory_space<vmem>> -> memref<1x128x32xf32, #tpu.memory_space<vmem>>
          %dma_start3A_276 = tpu.memref_squeeze %dma_start3A_275 : memref<1x128x32xf32, #tpu.memory_space<vmem>> -> memref<128x32xf32, #tpu.memory_space<vmem>>
          %dma_start3A_277 = arith.constant 0 : i32
          %dma_start3A_278 = tpu.memref_slice %arg10[%add3A_212, %dma_start3A_277] : memref<40x128xi32, #tpu.memory_space<vmem>> -> memref<1x128xi32, #tpu.memory_space<vmem>>
          %dma_start3A_279 = tpu.memref_squeeze %dma_start3A_278 : memref<1x128xi32, #tpu.memory_space<vmem>> -> memref<128xi32, #tpu.memory_space<vmem>>
          %dma_start3A_280 = arith.constant 0 : i32
          %dma_start3A_281 = arith.constant 0 : i32
          %dma_start3A_282 = tpu.memref_slice %arg13[%dma_start3A_280, %dma_start3A_281] : memref<10240x32xf32, #tpu.memory_space<vmem_shared>> -> memref<10240x32xf32, #tpu.memory_space<vmem_shared>>
          tpu.enqueue_indirect_dma source(%dma_start3A_276 : memref<128x32xf32, #tpu.memory_space<vmem>>) target(%dma_start3A_282 : memref<10240x32xf32, #tpu.memory_space<vmem_shared>>) offsets(%dma_start3A_279 : memref<128xi32, #tpu.memory_space<vmem>>) semaphore(%run_scoped3A_272 : memref<!tpu.dma_semaphore, #tpu.memory_space<semaphore_mem>>) {add = true}
          %dma_wait3A_283 = arith.constant 0 : i32
          %dma_wait3A_284 = arith.constant 0 : i32
          %dma_wait3A_285 = tpu.memref_slice %arg11[%run_scoped3A_213, %dma_wait3A_283, %dma_wait3A_284] : memref<4x128x32xf32, #tpu.memory_space<vmem>> -> memref<1x128x32xf32, #tpu.memory_space<vmem>>
          %dma_wait3A_286 = tpu.memref_squeeze %dma_wait3A_285 : memref<1x128x32xf32, #tpu.memory_space<vmem>> -> memref<128x32xf32, #tpu.memory_space<vmem>>
          %dma_wait3A_287 = arith.constant 0 : i32
          %dma_wait3A_288 = tpu.memref_slice %arg10[%add3A_212, %dma_wait3A_287] : memref<40x128xi32, #tpu.memory_space<vmem>> -> memref<1x128xi32, #tpu.memory_space<vmem>>
          %dma_wait3A_289 = tpu.memref_squeeze %dma_wait3A_288 : memref<1x128xi32, #tpu.memory_space<vmem>> -> memref<128xi32, #tpu.memory_space<vmem>>
          %dma_wait3A_290 = arith.constant 0 : i32
          %dma_wait3A_291 = arith.constant 0 : i32
          %dma_wait3A_292 = tpu.memref_slice %arg13[%dma_wait3A_290, %dma_wait3A_291] : memref<10240x32xf32, #tpu.memory_space<vmem_shared>> -> memref<10240x32xf32, #tpu.memory_space<vmem_shared>>
          tpu.wait_indirect_dma semaphore(%run_scoped3A_272 : memref<!tpu.dma_semaphore, #tpu.memory_space<semaphore_mem>>) src(%dma_wait3A_286 : memref<128x32xf32, #tpu.memory_space<vmem>>) dst(%dma_wait3A_292 : memref<10240x32xf32, #tpu.memory_space<vmem_shared>>)
          tpu.yield
        }) : () -> ()
        %dma_wait3A_214 = arith.constant 1 : i32
        %dma_wait3A_215 = arith.constant 1 : i32
        %dma_wait3A_216 = arith.constant 0 : i32
        %dma_wait3A_217 = arith.constant 0 : i32
        %dma_wait3A_218 = tpu.memref_slice %arg11[%dma_wait3A_214, %dma_wait3A_216, %dma_wait3A_217] : memref<4x128x32xf32, #tpu.memory_space<vmem>> -> memref<1x128x32xf32, #tpu.memory_space<vmem>>
        %dma_wait3A_219 = tpu.memref_squeeze %dma_wait3A_218 : memref<1x128x32xf32, #tpu.memory_space<vmem>> -> memref<128x32xf32, #tpu.memory_space<vmem>>
        %dma_wait3A_220 = arith.constant 0 : i32
        %dma_wait3A_221 = tpu.memref_slice %arg9[%add3A_144, %dma_wait3A_220] : memref<40x128xi32, #tpu.memory_space<vmem>> -> memref<1x128xi32, #tpu.memory_space<vmem>>
        %dma_wait3A_222 = tpu.memref_squeeze %dma_wait3A_221 : memref<1x128xi32, #tpu.memory_space<vmem>> -> memref<128xi32, #tpu.memory_space<vmem>>
        %dma_wait3A_223 = arith.constant 0 : i32
        %dma_wait3A_224 = arith.constant 0 : i32
        %dma_wait3A_225 = tpu.memref_slice %arg4[%dma_wait3A_223, %dma_wait3A_224] : memref<40000x32xf32, #tpu.memory_space<hbm>> -> memref<40000x32xf32, #tpu.memory_space<hbm>>
        %dma_wait3A_226 = tpu.memref_slice %arg14[%dma_wait3A_215] : memref<4x!tpu.dma_semaphore, #tpu.memory_space<semaphore_mem>> -> memref<1x!tpu.dma_semaphore, #tpu.memory_space<semaphore_mem>>
        %dma_wait3A_227 = tpu.memref_squeeze %dma_wait3A_226 : memref<1x!tpu.dma_semaphore, #tpu.memory_space<semaphore_mem>> -> memref<!tpu.dma_semaphore, #tpu.memory_space<semaphore_mem>>
        tpu.wait_indirect_dma semaphore(%dma_wait3A_227 : memref<!tpu.dma_semaphore, #tpu.memory_space<semaphore_mem>>) src(%dma_wait3A_225 : memref<40000x32xf32, #tpu.memory_space<hbm>>) dst(%dma_wait3A_219 : memref<128x32xf32, #tpu.memory_space<vmem>>)
        %mul3A_228 = arith.constant 4 : i32
        %mul3A_229 = arith.muli %scan3A_121, %mul3A_228 : i32
        %add3A_230 = arith.constant 1 : i32
        %add3A_231 = arith.addi %mul3A_229, %add3A_230 : i32
        %run_scoped3A_232 = arith.constant 1 : i32
        "tpu.region"() ({
          %run_scoped3A_272 = tpu.sem_alloc : memref<!tpu.dma_semaphore, #tpu.memory_space<semaphore_mem>>
          %dma_start3A_273 = arith.constant 0 : i32
          %dma_start3A_274 = arith.constant 0 : i32
          %dma_start3A_275 = tpu.memref_slice %arg11[%run_scoped3A_232, %dma_start3A_273, %dma_start3A_274] : memref<4x128x32xf32, #tpu.memory_space<vmem>> -> memref<1x128x32xf32, #tpu.memory_space<vmem>>
          %dma_start3A_276 = tpu.memref_squeeze %dma_start3A_275 : memref<1x128x32xf32, #tpu.memory_space<vmem>> -> memref<128x32xf32, #tpu.memory_space<vmem>>
          %dma_start3A_277 = arith.constant 0 : i32
          %dma_start3A_278 = tpu.memref_slice %arg10[%add3A_231, %dma_start3A_277] : memref<40x128xi32, #tpu.memory_space<vmem>> -> memref<1x128xi32, #tpu.memory_space<vmem>>
          %dma_start3A_279 = tpu.memref_squeeze %dma_start3A_278 : memref<1x128xi32, #tpu.memory_space<vmem>> -> memref<128xi32, #tpu.memory_space<vmem>>
          %dma_start3A_280 = arith.constant 0 : i32
          %dma_start3A_281 = arith.constant 0 : i32
          %dma_start3A_282 = tpu.memref_slice %arg13[%dma_start3A_280, %dma_start3A_281] : memref<10240x32xf32, #tpu.memory_space<vmem_shared>> -> memref<10240x32xf32, #tpu.memory_space<vmem_shared>>
          tpu.enqueue_indirect_dma source(%dma_start3A_276 : memref<128x32xf32, #tpu.memory_space<vmem>>) target(%dma_start3A_282 : memref<10240x32xf32, #tpu.memory_space<vmem_shared>>) offsets(%dma_start3A_279 : memref<128xi32, #tpu.memory_space<vmem>>) semaphore(%run_scoped3A_272 : memref<!tpu.dma_semaphore, #tpu.memory_space<semaphore_mem>>) {add = true}
          %dma_wait3A_283 = arith.constant 0 : i32
          %dma_wait3A_284 = arith.constant 0 : i32
          %dma_wait3A_285 = tpu.memref_slice %arg11[%run_scoped3A_232, %dma_wait3A_283, %dma_wait3A_284] : memref<4x128x32xf32, #tpu.memory_space<vmem>> -> memref<1x128x32xf32, #tpu.memory_space<vmem>>
          %dma_wait3A_286 = tpu.memref_squeeze %dma_wait3A_285 : memref<1x128x32xf32, #tpu.memory_space<vmem>> -> memref<128x32xf32, #tpu.memory_space<vmem>>
          %dma_wait3A_287 = arith.constant 0 : i32
          %dma_wait3A_288 = tpu.memref_slice %arg10[%add3A_231, %dma_wait3A_287] : memref<40x128xi32, #tpu.memory_space<vmem>> -> memref<1x128xi32, #tpu.memory_space<vmem>>
          %dma_wait3A_289 = tpu.memref_squeeze %dma_wait3A_288 : memref<1x128xi32, #tpu.memory_space<vmem>> -> memref<128xi32, #tpu.memory_space<vmem>>
          %dma_wait3A_290 = arith.constant 0 : i32
          %dma_wait3A_291 = arith.constant 0 : i32
          %dma_wait3A_292 = tpu.memref_slice %arg13[%dma_wait3A_290, %dma_wait3A_291] : memref<10240x32xf32, #tpu.memory_space<vmem_shared>> -> memref<10240x32xf32, #tpu.memory_space<vmem_shared>>
          tpu.wait_indirect_dma semaphore(%run_scoped3A_272 : memref<!tpu.dma_semaphore, #tpu.memory_space<semaphore_mem>>) src(%dma_wait3A_286 : memref<128x32xf32, #tpu.memory_space<vmem>>) dst(%dma_wait3A_292 : memref<10240x32xf32, #tpu.memory_space<vmem_shared>>)
          tpu.yield
        }) : () -> ()
        %dma_wait3A_233 = arith.constant 2 : i32
        %dma_wait3A_234 = arith.constant 2 : i32
        %dma_wait3A_235 = arith.constant 0 : i32
        %dma_wait3A_236 = arith.constant 0 : i32
        %dma_wait3A_237 = tpu.memref_slice %arg11[%dma_wait3A_233, %dma_wait3A_235, %dma_wait3A_236] : memref<4x128x32xf32, #tpu.memory_space<vmem>> -> memref<1x128x32xf32, #tpu.memory_space<vmem>>
        %dma_wait3A_238 = tpu.memref_squeeze %dma_wait3A_237 : memref<1x128x32xf32, #tpu.memory_space<vmem>> -> memref<128x32xf32, #tpu.memory_space<vmem>>
        %dma_wait3A_239 = arith.constant 0 : i32
        %dma_wait3A_240 = tpu.memref_slice %arg9[%add3A_162, %dma_wait3A_239] : memref<40x128xi32, #tpu.memory_space<vmem>> -> memref<1x128xi32, #tpu.memory_space<vmem>>
        %dma_wait3A_241 = tpu.memref_squeeze %dma_wait3A_240 : memref<1x128xi32, #tpu.memory_space<vmem>> -> memref<128xi32, #tpu.memory_space<vmem>>
        %dma_wait3A_242 = arith.constant 0 : i32
        %dma_wait3A_243 = arith.constant 0 : i32
        %dma_wait3A_244 = tpu.memref_slice %arg4[%dma_wait3A_242, %dma_wait3A_243] : memref<40000x32xf32, #tpu.memory_space<hbm>> -> memref<40000x32xf32, #tpu.memory_space<hbm>>
        %dma_wait3A_245 = tpu.memref_slice %arg14[%dma_wait3A_234] : memref<4x!tpu.dma_semaphore, #tpu.memory_space<semaphore_mem>> -> memref<1x!tpu.dma_semaphore, #tpu.memory_space<semaphore_mem>>
        %dma_wait3A_246 = tpu.memref_squeeze %dma_wait3A_245 : memref<1x!tpu.dma_semaphore, #tpu.memory_space<semaphore_mem>> -> memref<!tpu.dma_semaphore, #tpu.memory_space<semaphore_mem>>
        tpu.wait_indirect_dma semaphore(%dma_wait3A_246 : memref<!tpu.dma_semaphore, #tpu.memory_space<semaphore_mem>>) src(%dma_wait3A_244 : memref<40000x32xf32, #tpu.memory_space<hbm>>) dst(%dma_wait3A_238 : memref<128x32xf32, #tpu.memory_space<vmem>>)
        %mul3A_247 = arith.constant 4 : i32
        %mul3A_248 = arith.muli %scan3A_121, %mul3A_247 : i32
        %add3A_249 = arith.constant 2 : i32
        %add3A_250 = arith.addi %mul3A_248, %add3A_249 : i32
        %run_scoped3A_251 = arith.constant 2 : i32
        "tpu.region"() ({
          %run_scoped3A_272 = tpu.sem_alloc : memref<!tpu.dma_semaphore, #tpu.memory_space<semaphore_mem>>
          %dma_start3A_273 = arith.constant 0 : i32
          %dma_start3A_274 = arith.constant 0 : i32
          %dma_start3A_275 = tpu.memref_slice %arg11[%run_scoped3A_251, %dma_start3A_273, %dma_start3A_274] : memref<4x128x32xf32, #tpu.memory_space<vmem>> -> memref<1x128x32xf32, #tpu.memory_space<vmem>>
          %dma_start3A_276 = tpu.memref_squeeze %dma_start3A_275 : memref<1x128x32xf32, #tpu.memory_space<vmem>> -> memref<128x32xf32, #tpu.memory_space<vmem>>
          %dma_start3A_277 = arith.constant 0 : i32
          %dma_start3A_278 = tpu.memref_slice %arg10[%add3A_250, %dma_start3A_277] : memref<40x128xi32, #tpu.memory_space<vmem>> -> memref<1x128xi32, #tpu.memory_space<vmem>>
          %dma_start3A_279 = tpu.memref_squeeze %dma_start3A_278 : memref<1x128xi32, #tpu.memory_space<vmem>> -> memref<128xi32, #tpu.memory_space<vmem>>
          %dma_start3A_280 = arith.constant 0 : i32
          %dma_start3A_281 = arith.constant 0 : i32
          %dma_start3A_282 = tpu.memref_slice %arg13[%dma_start3A_280, %dma_start3A_281] : memref<10240x32xf32, #tpu.memory_space<vmem_shared>> -> memref<10240x32xf32, #tpu.memory_space<vmem_shared>>
          tpu.enqueue_indirect_dma source(%dma_start3A_276 : memref<128x32xf32, #tpu.memory_space<vmem>>) target(%dma_start3A_282 : memref<10240x32xf32, #tpu.memory_space<vmem_shared>>) offsets(%dma_start3A_279 : memref<128xi32, #tpu.memory_space<vmem>>) semaphore(%run_scoped3A_272 : memref<!tpu.dma_semaphore, #tpu.memory_space<semaphore_mem>>) {add = true}
          %dma_wait3A_283 = arith.constant 0 : i32
          %dma_wait3A_284 = arith.constant 0 : i32
          %dma_wait3A_285 = tpu.memref_slice %arg11[%run_scoped3A_251, %dma_wait3A_283, %dma_wait3A_284] : memref<4x128x32xf32, #tpu.memory_space<vmem>> -> memref<1x128x32xf32, #tpu.memory_space<vmem>>
          %dma_wait3A_286 = tpu.memref_squeeze %dma_wait3A_285 : memref<1x128x32xf32, #tpu.memory_space<vmem>> -> memref<128x32xf32, #tpu.memory_space<vmem>>
          %dma_wait3A_287 = arith.constant 0 : i32
          %dma_wait3A_288 = tpu.memref_slice %arg10[%add3A_250, %dma_wait3A_287] : memref<40x128xi32, #tpu.memory_space<vmem>> -> memref<1x128xi32, #tpu.memory_space<vmem>>
          %dma_wait3A_289 = tpu.memref_squeeze %dma_wait3A_288 : memref<1x128xi32, #tpu.memory_space<vmem>> -> memref<128xi32, #tpu.memory_space<vmem>>
          %dma_wait3A_290 = arith.constant 0 : i32
          %dma_wait3A_291 = arith.constant 0 : i32
          %dma_wait3A_292 = tpu.memref_slice %arg13[%dma_wait3A_290, %dma_wait3A_291] : memref<10240x32xf32, #tpu.memory_space<vmem_shared>> -> memref<10240x32xf32, #tpu.memory_space<vmem_shared>>
          tpu.wait_indirect_dma semaphore(%run_scoped3A_272 : memref<!tpu.dma_semaphore, #tpu.memory_space<semaphore_mem>>) src(%dma_wait3A_286 : memref<128x32xf32, #tpu.memory_space<vmem>>) dst(%dma_wait3A_292 : memref<10240x32xf32, #tpu.memory_space<vmem_shared>>)
          tpu.yield
        }) : () -> ()
        %dma_wait3A_252 = arith.constant 3 : i32
        %dma_wait3A_253 = arith.constant 3 : i32
        %dma_wait3A_254 = arith.constant 0 : i32
        %dma_wait3A_255 = arith.constant 0 : i32
        %dma_wait3A_256 = tpu.memref_slice %arg11[%dma_wait3A_252, %dma_wait3A_254, %dma_wait3A_255] : memref<4x128x32xf32, #tpu.memory_space<vmem>> -> memref<1x128x32xf32, #tpu.memory_space<vmem>>
        %dma_wait3A_257 = tpu.memref_squeeze %dma_wait3A_256 : memref<1x128x32xf32, #tpu.memory_space<vmem>> -> memref<128x32xf32, #tpu.memory_space<vmem>>
        %dma_wait3A_258 = arith.constant 0 : i32
        %dma_wait3A_259 = tpu.memref_slice %arg9[%add3A_180, %dma_wait3A_258] : memref<40x128xi32, #tpu.memory_space<vmem>> -> memref<1x128xi32, #tpu.memory_space<vmem>>
        %dma_wait3A_260 = tpu.memref_squeeze %dma_wait3A_259 : memref<1x128xi32, #tpu.memory_space<vmem>> -> memref<128xi32, #tpu.memory_space<vmem>>
        %dma_wait3A_261 = arith.constant 0 : i32
        %dma_wait3A_262 = arith.constant 0 : i32
        %dma_wait3A_263 = tpu.memref_slice %arg4[%dma_wait3A_261, %dma_wait3A_262] : memref<40000x32xf32, #tpu.memory_space<hbm>> -> memref<40000x32xf32, #tpu.memory_space<hbm>>
        %dma_wait3A_264 = tpu.memref_slice %arg14[%dma_wait3A_253] : memref<4x!tpu.dma_semaphore, #tpu.memory_space<semaphore_mem>> -> memref<1x!tpu.dma_semaphore, #tpu.memory_space<semaphore_mem>>
        %dma_wait3A_265 = tpu.memref_squeeze %dma_wait3A_264 : memref<1x!tpu.dma_semaphore, #tpu.memory_space<semaphore_mem>> -> memref<!tpu.dma_semaphore, #tpu.memory_space<semaphore_mem>>
        tpu.wait_indirect_dma semaphore(%dma_wait3A_265 : memref<!tpu.dma_semaphore, #tpu.memory_space<semaphore_mem>>) src(%dma_wait3A_263 : memref<40000x32xf32, #tpu.memory_space<hbm>>) dst(%dma_wait3A_257 : memref<128x32xf32, #tpu.memory_space<vmem>>)
        %mul3A_266 = arith.constant 4 : i32
        %mul3A_267 = arith.muli %scan3A_121, %mul3A_266 : i32
        %add3A_268 = arith.constant 3 : i32
        %add3A_269 = arith.addi %mul3A_267, %add3A_268 : i32
        %run_scoped3A_270 = arith.constant 3 : i32
        "tpu.region"() ({
          %run_scoped3A_272 = tpu.sem_alloc : memref<!tpu.dma_semaphore, #tpu.memory_space<semaphore_mem>>
          %dma_start3A_273 = arith.constant 0 : i32
          %dma_start3A_274 = arith.constant 0 : i32
          %dma_start3A_275 = tpu.memref_slice %arg11[%run_scoped3A_270, %dma_start3A_273, %dma_start3A_274] : memref<4x128x32xf32, #tpu.memory_space<vmem>> -> memref<1x128x32xf32, #tpu.memory_space<vmem>>
          %dma_start3A_276 = tpu.memref_squeeze %dma_start3A_275 : memref<1x128x32xf32, #tpu.memory_space<vmem>> -> memref<128x32xf32, #tpu.memory_space<vmem>>
          %dma_start3A_277 = arith.constant 0 : i32
          %dma_start3A_278 = tpu.memref_slice %arg10[%add3A_269, %dma_start3A_277] : memref<40x128xi32, #tpu.memory_space<vmem>> -> memref<1x128xi32, #tpu.memory_space<vmem>>
          %dma_start3A_279 = tpu.memref_squeeze %dma_start3A_278 : memref<1x128xi32, #tpu.memory_space<vmem>> -> memref<128xi32, #tpu.memory_space<vmem>>
          %dma_start3A_280 = arith.constant 0 : i32
          %dma_start3A_281 = arith.constant 0 : i32
          %dma_start3A_282 = tpu.memref_slice %arg13[%dma_start3A_280, %dma_start3A_281] : memref<10240x32xf32, #tpu.memory_space<vmem_shared>> -> memref<10240x32xf32, #tpu.memory_space<vmem_shared>>
          tpu.enqueue_indirect_dma source(%dma_start3A_276 : memref<128x32xf32, #tpu.memory_space<vmem>>) target(%dma_start3A_282 : memref<10240x32xf32, #tpu.memory_space<vmem_shared>>) offsets(%dma_start3A_279 : memref<128xi32, #tpu.memory_space<vmem>>) semaphore(%run_scoped3A_272 : memref<!tpu.dma_semaphore, #tpu.memory_space<semaphore_mem>>) {add = true}
          %dma_wait3A_283 = arith.constant 0 : i32
          %dma_wait3A_284 = arith.constant 0 : i32
          %dma_wait3A_285 = tpu.memref_slice %arg11[%run_scoped3A_270, %dma_wait3A_283, %dma_wait3A_284] : memref<4x128x32xf32, #tpu.memory_space<vmem>> -> memref<1x128x32xf32, #tpu.memory_space<vmem>>
          %dma_wait3A_286 = tpu.memref_squeeze %dma_wait3A_285 : memref<1x128x32xf32, #tpu.memory_space<vmem>> -> memref<128x32xf32, #tpu.memory_space<vmem>>
          %dma_wait3A_287 = arith.constant 0 : i32
          %dma_wait3A_288 = tpu.memref_slice %arg10[%add3A_269, %dma_wait3A_287] : memref<40x128xi32, #tpu.memory_space<vmem>> -> memref<1x128xi32, #tpu.memory_space<vmem>>
          %dma_wait3A_289 = tpu.memref_squeeze %dma_wait3A_288 : memref<1x128xi32, #tpu.memory_space<vmem>> -> memref<128xi32, #tpu.memory_space<vmem>>
          %dma_wait3A_290 = arith.constant 0 : i32
          %dma_wait3A_291 = arith.constant 0 : i32
          %dma_wait3A_292 = tpu.memref_slice %arg13[%dma_wait3A_290, %dma_wait3A_291] : memref<10240x32xf32, #tpu.memory_space<vmem_shared>> -> memref<10240x32xf32, #tpu.memory_space<vmem_shared>>
          tpu.wait_indirect_dma semaphore(%run_scoped3A_272 : memref<!tpu.dma_semaphore, #tpu.memory_space<semaphore_mem>>) src(%dma_wait3A_286 : memref<128x32xf32, #tpu.memory_space<vmem>>) dst(%dma_wait3A_292 : memref<10240x32xf32, #tpu.memory_space<vmem_shared>>)
          tpu.yield
        }) : () -> ()
        %scan3A_271 = arith.constant 0 : i32
        scf.yield %scan3A_271 : i32
      }
      %scan3A_58 = arith.constant 2 : i32
      %dma_start3A = arith.constant 8 : i32
      %dma_start3A_59 = arith.constant 0 : i32
      %dma_start3A_60 = arith.constant 0 : i32
      %dma_start3A_61 = arith.constant 0 : i32
      %dma_start3A_62 = arith.constant 0 : i32
      %dma_start3A_63 = tpu.memref_slice %arg11[%dma_start3A_59, %dma_start3A_61, %dma_start3A_62] : memref<4x128x32xf32, #tpu.memory_space<vmem>> -> memref<1x128x32xf32, #tpu.memory_space<vmem>>
      %dma_start3A_64 = tpu.memref_squeeze %dma_start3A_63 : memref<1x128x32xf32, #tpu.memory_space<vmem>> -> memref<128x32xf32, #tpu.memory_space<vmem>>
      %dma_start3A_65 = arith.constant 0 : i32
      %dma_start3A_66 = tpu.memref_slice %arg9[%dma_start3A, %dma_start3A_65] : memref<40x128xi32, #tpu.memory_space<vmem>> -> memref<1x128xi32, #tpu.memory_space<vmem>>
      %dma_start3A_67 = tpu.memref_squeeze %dma_start3A_66 : memref<1x128xi32, #tpu.memory_space<vmem>> -> memref<128xi32, #tpu.memory_space<vmem>>
      %dma_start3A_68 = arith.constant 0 : i32
      %dma_start3A_69 = arith.constant 0 : i32
      %dma_start3A_70 = tpu.memref_slice %arg4[%dma_start3A_68, %dma_start3A_69] : memref<40000x32xf32, #tpu.memory_space<hbm>> -> memref<40000x32xf32, #tpu.memory_space<hbm>>
      %dma_start3A_71 = tpu.memref_slice %arg14[%dma_start3A_60] : memref<4x!tpu.dma_semaphore, #tpu.memory_space<semaphore_mem>> -> memref<1x!tpu.dma_semaphore, #tpu.memory_space<semaphore_mem>>
      %dma_start3A_72 = tpu.memref_squeeze %dma_start3A_71 : memref<1x!tpu.dma_semaphore, #tpu.memory_space<semaphore_mem>> -> memref<!tpu.dma_semaphore, #tpu.memory_space<semaphore_mem>>
      tpu.enqueue_indirect_dma source(%dma_start3A_70 : memref<40000x32xf32, #tpu.memory_space<hbm>>) target(%dma_start3A_64 : memref<128x32xf32, #tpu.memory_space<vmem>>) offsets(%dma_start3A_67 : memref<128xi32, #tpu.memory_space<vmem>>) semaphore(%dma_start3A_72 : memref<!tpu.dma_semaphore, #tpu.memory_space<semaphore_mem>>)
      %dma_wait3A = arith.constant 8 : i32
      %dma_wait3A_73 = arith.constant 0 : i32
      %dma_wait3A_74 = arith.constant 0 : i32
      %dma_wait3A_75 = arith.constant 0 : i32
      %dma_wait3A_76 = arith.constant 0 : i32
      %dma_wait3A_77 = tpu.memref_slice %arg11[%dma_wait3A_73, %dma_wait3A_75, %dma_wait3A_76] : memref<4x128x32xf32, #tpu.memory_space<vmem>> -> memref<1x128x32xf32, #tpu.memory_space<vmem>>
      %dma_wait3A_78 = tpu.memref_squeeze %dma_wait3A_77 : memref<1x128x32xf32, #tpu.memory_space<vmem>> -> memref<128x32xf32, #tpu.memory_space<vmem>>
      %dma_wait3A_79 = arith.constant 0 : i32
      %dma_wait3A_80 = tpu.memref_slice %arg9[%dma_wait3A, %dma_wait3A_79] : memref<40x128xi32, #tpu.memory_space<vmem>> -> memref<1x128xi32, #tpu.memory_space<vmem>>
      %dma_wait3A_81 = tpu.memref_squeeze %dma_wait3A_80 : memref<1x128xi32, #tpu.memory_space<vmem>> -> memref<128xi32, #tpu.memory_space<vmem>>
      %dma_wait3A_82 = arith.constant 0 : i32
      %dma_wait3A_83 = arith.constant 0 : i32
      %dma_wait3A_84 = tpu.memref_slice %arg4[%dma_wait3A_82, %dma_wait3A_83] : memref<40000x32xf32, #tpu.memory_space<hbm>> -> memref<40000x32xf32, #tpu.memory_space<hbm>>
      %dma_wait3A_85 = tpu.memref_slice %arg14[%dma_wait3A_74] : memref<4x!tpu.dma_semaphore, #tpu.memory_space<semaphore_mem>> -> memref<1x!tpu.dma_semaphore, #tpu.memory_space<semaphore_mem>>
      %dma_wait3A_86 = tpu.memref_squeeze %dma_wait3A_85 : memref<1x!tpu.dma_semaphore, #tpu.memory_space<semaphore_mem>> -> memref<!tpu.dma_semaphore, #tpu.memory_space<semaphore_mem>>
      tpu.wait_indirect_dma semaphore(%dma_wait3A_86 : memref<!tpu.dma_semaphore, #tpu.memory_space<semaphore_mem>>) src(%dma_wait3A_84 : memref<40000x32xf32, #tpu.memory_space<hbm>>) dst(%dma_wait3A_78 : memref<128x32xf32, #tpu.memory_space<vmem>>)
      %run_scoped3A_87 = arith.constant 0 : i32
      %run_scoped3A_88 = arith.constant 8 : i32
      "tpu.region"() ({
        %run_scoped3A_121 = tpu.sem_alloc : memref<!tpu.dma_semaphore, #tpu.memory_space<semaphore_mem>>
        %dma_start3A_122 = arith.constant 0 : i32
        %dma_start3A_123 = arith.constant 0 : i32
        %dma_start3A_124 = tpu.memref_slice %arg11[%run_scoped3A_87, %dma_start3A_122, %dma_start3A_123] : memref<4x128x32xf32, #tpu.memory_space<vmem>> -> memref<1x128x32xf32, #tpu.memory_space<vmem>>
        %dma_start3A_125 = tpu.memref_squeeze %dma_start3A_124 : memref<1x128x32xf32, #tpu.memory_space<vmem>> -> memref<128x32xf32, #tpu.memory_space<vmem>>
        %dma_start3A_126 = arith.constant 0 : i32
        %dma_start3A_127 = tpu.memref_slice %arg10[%run_scoped3A_88, %dma_start3A_126] : memref<40x128xi32, #tpu.memory_space<vmem>> -> memref<1x128xi32, #tpu.memory_space<vmem>>
        %dma_start3A_128 = tpu.memref_squeeze %dma_start3A_127 : memref<1x128xi32, #tpu.memory_space<vmem>> -> memref<128xi32, #tpu.memory_space<vmem>>
        %dma_start3A_129 = arith.constant 0 : i32
        %dma_start3A_130 = arith.constant 0 : i32
        %dma_start3A_131 = tpu.memref_slice %arg13[%dma_start3A_129, %dma_start3A_130] : memref<10240x32xf32, #tpu.memory_space<vmem_shared>> -> memref<10240x32xf32, #tpu.memory_space<vmem_shared>>
        tpu.enqueue_indirect_dma source(%dma_start3A_125 : memref<128x32xf32, #tpu.memory_space<vmem>>) target(%dma_start3A_131 : memref<10240x32xf32, #tpu.memory_space<vmem_shared>>) offsets(%dma_start3A_128 : memref<128xi32, #tpu.memory_space<vmem>>) semaphore(%run_scoped3A_121 : memref<!tpu.dma_semaphore, #tpu.memory_space<semaphore_mem>>) {add = true}
        %dma_wait3A_132 = arith.constant 0 : i32
        %dma_wait3A_133 = arith.constant 0 : i32
        %dma_wait3A_134 = tpu.memref_slice %arg11[%run_scoped3A_87, %dma_wait3A_132, %dma_wait3A_133] : memref<4x128x32xf32, #tpu.memory_space<vmem>> -> memref<1x128x32xf32, #tpu.memory_space<vmem>>
        %dma_wait3A_135 = tpu.memref_squeeze %dma_wait3A_134 : memref<1x128x32xf32, #tpu.memory_space<vmem>> -> memref<128x32xf32, #tpu.memory_space<vmem>>
        %dma_wait3A_136 = arith.constant 0 : i32
        %dma_wait3A_137 = tpu.memref_slice %arg10[%run_scoped3A_88, %dma_wait3A_136] : memref<40x128xi32, #tpu.memory_space<vmem>> -> memref<1x128xi32, #tpu.memory_space<vmem>>
        %dma_wait3A_138 = tpu.memref_squeeze %dma_wait3A_137 : memref<1x128xi32, #tpu.memory_space<vmem>> -> memref<128xi32, #tpu.memory_space<vmem>>
        %dma_wait3A_139 = arith.constant 0 : i32
        %dma_wait3A_140 = arith.constant 0 : i32
        %dma_wait3A_141 = tpu.memref_slice %arg13[%dma_wait3A_139, %dma_wait3A_140] : memref<10240x32xf32, #tpu.memory_space<vmem_shared>> -> memref<10240x32xf32, #tpu.memory_space<vmem_shared>>
        tpu.wait_indirect_dma semaphore(%run_scoped3A_121 : memref<!tpu.dma_semaphore, #tpu.memory_space<semaphore_mem>>) src(%dma_wait3A_135 : memref<128x32xf32, #tpu.memory_space<vmem>>) dst(%dma_wait3A_141 : memref<10240x32xf32, #tpu.memory_space<vmem_shared>>)
        tpu.yield
      }) : () -> ()
      %dma_start3A_89 = arith.constant 9 : i32
      %dma_start3A_90 = arith.constant 1 : i32
      %dma_start3A_91 = arith.constant 1 : i32
      %dma_start3A_92 = arith.constant 0 : i32
      %dma_start3A_93 = arith.constant 0 : i32
      %dma_start3A_94 = tpu.memref_slice %arg11[%dma_start3A_90, %dma_start3A_92, %dma_start3A_93] : memref<4x128x32xf32, #tpu.memory_space<vmem>> -> memref<1x128x32xf32, #tpu.memory_space<vmem>>
      %dma_start3A_95 = tpu.memref_squeeze %dma_start3A_94 : memref<1x128x32xf32, #tpu.memory_space<vmem>> -> memref<128x32xf32, #tpu.memory_space<vmem>>
      %dma_start3A_96 = arith.constant 0 : i32
      %dma_start3A_97 = tpu.memref_slice %arg9[%dma_start3A_89, %dma_start3A_96] : memref<40x128xi32, #tpu.memory_space<vmem>> -> memref<1x128xi32, #tpu.memory_space<vmem>>
      %dma_start3A_98 = tpu.memref_squeeze %dma_start3A_97 : memref<1x128xi32, #tpu.memory_space<vmem>> -> memref<128xi32, #tpu.memory_space<vmem>>
      %dma_start3A_99 = arith.constant 0 : i32
      %dma_start3A_100 = arith.constant 0 : i32
      %dma_start3A_101 = tpu.memref_slice %arg4[%dma_start3A_99, %dma_start3A_100] : memref<40000x32xf32, #tpu.memory_space<hbm>> -> memref<40000x32xf32, #tpu.memory_space<hbm>>
      %dma_start3A_102 = tpu.memref_slice %arg14[%dma_start3A_91] : memref<4x!tpu.dma_semaphore, #tpu.memory_space<semaphore_mem>> -> memref<1x!tpu.dma_semaphore, #tpu.memory_space<semaphore_mem>>
      %dma_start3A_103 = tpu.memref_squeeze %dma_start3A_102 : memref<1x!tpu.dma_semaphore, #tpu.memory_space<semaphore_mem>> -> memref<!tpu.dma_semaphore, #tpu.memory_space<semaphore_mem>>
      tpu.enqueue_indirect_dma source(%dma_start3A_101 : memref<40000x32xf32, #tpu.memory_space<hbm>>) target(%dma_start3A_95 : memref<128x32xf32, #tpu.memory_space<vmem>>) offsets(%dma_start3A_98 : memref<128xi32, #tpu.memory_space<vmem>>) semaphore(%dma_start3A_103 : memref<!tpu.dma_semaphore, #tpu.memory_space<semaphore_mem>>)
      %dma_wait3A_104 = arith.constant 9 : i32
      %dma_wait3A_105 = arith.constant 1 : i32
      %dma_wait3A_106 = arith.constant 1 : i32
      %dma_wait3A_107 = arith.constant 0 : i32
      %dma_wait3A_108 = arith.constant 0 : i32
      %dma_wait3A_109 = tpu.memref_slice %arg11[%dma_wait3A_105, %dma_wait3A_107, %dma_wait3A_108] : memref<4x128x32xf32, #tpu.memory_space<vmem>> -> memref<1x128x32xf32, #tpu.memory_space<vmem>>
      %dma_wait3A_110 = tpu.memref_squeeze %dma_wait3A_109 : memref<1x128x32xf32, #tpu.memory_space<vmem>> -> memref<128x32xf32, #tpu.memory_space<vmem>>
      %dma_wait3A_111 = arith.constant 0 : i32
      %dma_wait3A_112 = tpu.memref_slice %arg9[%dma_wait3A_104, %dma_wait3A_111] : memref<40x128xi32, #tpu.memory_space<vmem>> -> memref<1x128xi32, #tpu.memory_space<vmem>>
      %dma_wait3A_113 = tpu.memref_squeeze %dma_wait3A_112 : memref<1x128xi32, #tpu.memory_space<vmem>> -> memref<128xi32, #tpu.memory_space<vmem>>
      %dma_wait3A_114 = arith.constant 0 : i32
      %dma_wait3A_115 = arith.constant 0 : i32
      %dma_wait3A_116 = tpu.memref_slice %arg4[%dma_wait3A_114, %dma_wait3A_115] : memref<40000x32xf32, #tpu.memory_space<hbm>> -> memref<40000x32xf32, #tpu.memory_space<hbm>>
      %dma_wait3A_117 = tpu.memref_slice %arg14[%dma_wait3A_106] : memref<4x!tpu.dma_semaphore, #tpu.memory_space<semaphore_mem>> -> memref<1x!tpu.dma_semaphore, #tpu.memory_space<semaphore_mem>>
      %dma_wait3A_118 = tpu.memref_squeeze %dma_wait3A_117 : memref<1x!tpu.dma_semaphore, #tpu.memory_space<semaphore_mem>> -> memref<!tpu.dma_semaphore, #tpu.memory_space<semaphore_mem>>
      tpu.wait_indirect_dma semaphore(%dma_wait3A_118 : memref<!tpu.dma_semaphore, #tpu.memory_space<semaphore_mem>>) src(%dma_wait3A_116 : memref<40000x32xf32, #tpu.memory_space<hbm>>) dst(%dma_wait3A_110 : memref<128x32xf32, #tpu.memory_space<vmem>>)
      %run_scoped3A_119 = arith.constant 1 : i32
      %run_scoped3A_120 = arith.constant 9 : i32
      "tpu.region"() ({
        %run_scoped3A_121 = tpu.sem_alloc : memref<!tpu.dma_semaphore, #tpu.memory_space<semaphore_mem>>
        %dma_start3A_122 = arith.constant 0 : i32
        %dma_start3A_123 = arith.constant 0 : i32
        %dma_start3A_124 = tpu.memref_slice %arg11[%run_scoped3A_119, %dma_start3A_122, %dma_start3A_123] : memref<4x128x32xf32, #tpu.memory_space<vmem>> -> memref<1x128x32xf32, #tpu.memory_space<vmem>>
        %dma_start3A_125 = tpu.memref_squeeze %dma_start3A_124 : memref<1x128x32xf32, #tpu.memory_space<vmem>> -> memref<128x32xf32, #tpu.memory_space<vmem>>
        %dma_start3A_126 = arith.constant 0 : i32
        %dma_start3A_127 = tpu.memref_slice %arg10[%run_scoped3A_120, %dma_start3A_126] : memref<40x128xi32, #tpu.memory_space<vmem>> -> memref<1x128xi32, #tpu.memory_space<vmem>>
        %dma_start3A_128 = tpu.memref_squeeze %dma_start3A_127 : memref<1x128xi32, #tpu.memory_space<vmem>> -> memref<128xi32, #tpu.memory_space<vmem>>
        %dma_start3A_129 = arith.constant 0 : i32
        %dma_start3A_130 = arith.constant 0 : i32
        %dma_start3A_131 = tpu.memref_slice %arg13[%dma_start3A_129, %dma_start3A_130] : memref<10240x32xf32, #tpu.memory_space<vmem_shared>> -> memref<10240x32xf32, #tpu.memory_space<vmem_shared>>
        tpu.enqueue_indirect_dma source(%dma_start3A_125 : memref<128x32xf32, #tpu.memory_space<vmem>>) target(%dma_start3A_131 : memref<10240x32xf32, #tpu.memory_space<vmem_shared>>) offsets(%dma_start3A_128 : memref<128xi32, #tpu.memory_space<vmem>>) semaphore(%run_scoped3A_121 : memref<!tpu.dma_semaphore, #tpu.memory_space<semaphore_mem>>) {add = true}
        %dma_wait3A_132 = arith.constant 0 : i32
        %dma_wait3A_133 = arith.constant 0 : i32
        %dma_wait3A_134 = tpu.memref_slice %arg11[%run_scoped3A_119, %dma_wait3A_132, %dma_wait3A_133] : memref<4x128x32xf32, #tpu.memory_space<vmem>> -> memref<1x128x32xf32, #tpu.memory_space<vmem>>
        %dma_wait3A_135 = tpu.memref_squeeze %dma_wait3A_134 : memref<1x128x32xf32, #tpu.memory_space<vmem>> -> memref<128x32xf32, #tpu.memory_space<vmem>>
        %dma_wait3A_136 = arith.constant 0 : i32
        %dma_wait3A_137 = tpu.memref_slice %arg10[%run_scoped3A_120, %dma_wait3A_136] : memref<40x128xi32, #tpu.memory_space<vmem>> -> memref<1x128xi32, #tpu.memory_space<vmem>>
        %dma_wait3A_138 = tpu.memref_squeeze %dma_wait3A_137 : memref<1x128xi32, #tpu.memory_space<vmem>> -> memref<128xi32, #tpu.memory_space<vmem>>
        %dma_wait3A_139 = arith.constant 0 : i32
        %dma_wait3A_140 = arith.constant 0 : i32
        %dma_wait3A_141 = tpu.memref_slice %arg13[%dma_wait3A_139, %dma_wait3A_140] : memref<10240x32xf32, #tpu.memory_space<vmem_shared>> -> memref<10240x32xf32, #tpu.memory_space<vmem_shared>>
        tpu.wait_indirect_dma semaphore(%run_scoped3A_121 : memref<!tpu.dma_semaphore, #tpu.memory_space<semaphore_mem>>) src(%dma_wait3A_135 : memref<128x32xf32, #tpu.memory_space<vmem>>) dst(%dma_wait3A_141 : memref<10240x32xf32, #tpu.memory_space<vmem_shared>>)
        tpu.yield
      }) : () -> ()
    } else {
    }
    %barrier3A_38 = arith.constant 0 : index
    tpu.barrier barrier_id(%barrier3A_38)
    %mul3A_39 = arith.constant 640 : i32
    %mul3A_40 = arith.muli %arg1, %mul3A_39 : i32
    "tpu.region"() ({
      %run_scoped3A_43 = tpu.sem_alloc : memref<!tpu.dma_semaphore, #tpu.memory_space<semaphore_mem>>
      %dma_start3A = arith.constant 0 : i32
      %dma_start3A_44 = tpu.memref_slice %arg13[%mul3A_40, %dma_start3A] : memref<10240x32xf32, #tpu.memory_space<vmem_shared>> -> memref<640x32xf32, #tpu.memory_space<vmem_shared>>
      %dma_start3A_45 = arith.constant 0 : i32
      %dma_start3A_46 = tpu.memref_slice %arg13[%mul3A_40, %dma_start3A_45] : memref<10240x32xf32, #tpu.memory_space<vmem_shared>> -> memref<640x32xf32, #tpu.memory_space<vmem_shared>>
      tpu.enqueue_dma source(%dma_start3A_46 : memref<640x32xf32, #tpu.memory_space<vmem_shared>>) target(%arg12 : memref<640x32xf32, #tpu.memory_space<vmem>>) target_semaphore(%run_scoped3A_43 : memref<!tpu.dma_semaphore, #tpu.memory_space<semaphore_mem>>)
      %dma_wait3A = arith.constant 0 : i32
      %dma_wait3A_47 = tpu.memref_slice %arg13[%mul3A_40, %dma_wait3A] : memref<10240x32xf32, #tpu.memory_space<vmem_shared>> -> memref<640x32xf32, #tpu.memory_space<vmem_shared>>
      %dma_wait3A_48 = arith.constant 0 : i32
      %dma_wait3A_49 = tpu.memref_slice %arg13[%mul3A_40, %dma_wait3A_48] : memref<10240x32xf32, #tpu.memory_space<vmem_shared>> -> memref<640x32xf32, #tpu.memory_space<vmem_shared>>
      tpu.wait_dma2 semaphore(%run_scoped3A_43 : memref<!tpu.dma_semaphore, #tpu.memory_space<semaphore_mem>>) src(%dma_wait3A_49 : memref<640x32xf32, #tpu.memory_space<vmem_shared>>) dst(%arg12 : memref<640x32xf32, #tpu.memory_space<vmem>>)
      tpu.yield
    }) : () -> ()
    %mul3A_41 = arith.constant 640 : i32
    %mul3A_42 = arith.muli %arg1, %mul3A_41 : i32
    "tpu.region"() ({
      %run_scoped3A_43 = tpu.sem_alloc : memref<!tpu.dma_semaphore, #tpu.memory_space<semaphore_mem>>
      %dma_start3A = arith.constant 0 : i32
      %dma_start3A_44 = tpu.memref_slice %arg5[%arg0, %mul3A_42, %dma_start3A] : memref<2x10240x32xf32, #tpu.memory_space<hbm>> -> memref<1x640x32xf32, #tpu.memory_space<hbm>>
      %dma_start3A_45 = tpu.memref_squeeze %dma_start3A_44 : memref<1x640x32xf32, #tpu.memory_space<hbm>> -> memref<640x32xf32, #tpu.memory_space<hbm>>
      %dma_start3A_46 = arith.constant 0 : i32
      %dma_start3A_47 = tpu.memref_slice %arg5[%arg0, %mul3A_42, %dma_start3A_46] : memref<2x10240x32xf32, #tpu.memory_space<hbm>> -> memref<1x640x32xf32, #tpu.memory_space<hbm>>
      %dma_start3A_48 = tpu.memref_squeeze %dma_start3A_47 : memref<1x640x32xf32, #tpu.memory_space<hbm>> -> memref<640x32xf32, #tpu.memory_space<hbm>>
      tpu.enqueue_dma source(%arg12 : memref<640x32xf32, #tpu.memory_space<vmem>>) target(%dma_start3A_48 : memref<640x32xf32, #tpu.memory_space<hbm>>) target_semaphore(%run_scoped3A_43 : memref<!tpu.dma_semaphore, #tpu.memory_space<semaphore_mem>>)
      %dma_wait3A = arith.constant 0 : i32
      %dma_wait3A_49 = tpu.memref_slice %arg5[%arg0, %mul3A_42, %dma_wait3A] : memref<2x10240x32xf32, #tpu.memory_space<hbm>> -> memref<1x640x32xf32, #tpu.memory_space<hbm>>
      %dma_wait3A_50 = tpu.memref_squeeze %dma_wait3A_49 : memref<1x640x32xf32, #tpu.memory_space<hbm>> -> memref<640x32xf32, #tpu.memory_space<hbm>>
      %dma_wait3A_51 = arith.constant 0 : i32
      %dma_wait3A_52 = tpu.memref_slice %arg5[%arg0, %mul3A_42, %dma_wait3A_51] : memref<2x10240x32xf32, #tpu.memory_space<hbm>> -> memref<1x640x32xf32, #tpu.memory_space<hbm>>
      %dma_wait3A_53 = tpu.memref_squeeze %dma_wait3A_52 : memref<1x640x32xf32, #tpu.memory_space<hbm>> -> memref<640x32xf32, #tpu.memory_space<hbm>>
      tpu.wait_dma2 semaphore(%run_scoped3A_43 : memref<!tpu.dma_semaphore, #tpu.memory_space<semaphore_mem>>) src(%arg12 : memref<640x32xf32, #tpu.memory_space<vmem>>) dst(%dma_wait3A_53 : memref<640x32xf32, #tpu.memory_space<hbm>>)
      tpu.yield
    }) : () -> ()
    return
  }
}

module attributes {stable_mosaic.version = 14 : i64} {
  func.func @_mm_body(%arg0: i32, %arg1: memref<2000x128xf32, #tpu.memory_space<vmem>>, %arg2: memref<128x128xf32, #tpu.memory_space<vmem>>, %arg3: memref<128x32xf32, #tpu.memory_space<vmem>>, %arg4: memref<1x32xf32, #tpu.memory_space<vmem>>, %arg5: memref<2000x128xf32, #tpu.memory_space<vmem>>, %arg6: memref<2000x32xf32, #tpu.memory_space<vmem>>) attributes {dimension_semantics = [#tpu.dimension_semantics<arbitrary>], iteration_bounds = array<i64: 5>, scalar_prefetch = 0 : i64, scratch_operands = 0 : i64, tpu.core_type = #tpu.core_type<tc>, window_params = [{transform_indices = @transform_0, window_bounds = array<i64: 2000, 128>}, {pipeline_mode = #tpu.pipeline_mode<synchronous>, transform_indices = @transform_1, window_bounds = array<i64: 128, 128>}, {pipeline_mode = #tpu.pipeline_mode<synchronous>, transform_indices = @transform_2, window_bounds = array<i64: 128, 32>}, {pipeline_mode = #tpu.pipeline_mode<synchronous>, transform_indices = @transform_3, window_bounds = array<i64: 1, 32>}, {transform_indices = @transform_4, window_bounds = array<i64: 2000, 128>}, {transform_indices = @transform_5, window_bounds = array<i64: 2000, 32>}]} {
    %get3A = arith.constant 0 : index
    %get3A_0 = arith.constant 0 : index
    %get3A_1 = vector.load %arg1[%get3A, %get3A_0] : memref<2000x128xf32, #tpu.memory_space<vmem>>, vector<2000x128xf32>
    %get3A_2 = arith.constant 0 : index
    %get3A_3 = arith.constant 0 : index
    %get3A_4 = vector.load %arg2[%get3A_2, %get3A_3] : memref<128x128xf32, #tpu.memory_space<vmem>>, vector<128x128xf32>
    %dot_general3A = arith.constant dense<0.000000e+00> : vector<2000x128xf32>
    %dot_general3A_5 = tpu.matmul %get3A_1, %get3A_4, %dot_general3A {dimension_numbers = #tpu.dot_dimension_numbers<[1], [0], [0], [1], [0, 0, 1, 1], [], []>, transpose_lhs_hint = false} : vector<2000x128xf32>, vector<128x128xf32>, vector<2000x128xf32> -> vector<2000x128xf32>
    %swap3A = arith.constant 0 : index
    %swap3A_6 = arith.constant 0 : index
    %swap3A_7 = vector.load %arg5[%swap3A, %swap3A_6] : memref<2000x128xf32, #tpu.memory_space<vmem>>, vector<2000x128xf32>
    tpu.vector_store %arg5[%swap3A, %swap3A_6], %dot_general3A_5 {strides = array<i32>} : memref<2000x128xf32, #tpu.memory_space<vmem>>, vector<2000x128xf32>,
    %get3A_8 = arith.constant 0 : index
    %get3A_9 = arith.constant 0 : index
    %get3A_10 = vector.load %arg3[%get3A_8, %get3A_9] : memref<128x32xf32, #tpu.memory_space<vmem>>, vector<128x32xf32>
    %dot_general3A_11 = arith.constant dense<0.000000e+00> : vector<2000x32xf32>
    %dot_general3A_12 = tpu.matmul %get3A_1, %get3A_10, %dot_general3A_11 {dimension_numbers = #tpu.dot_dimension_numbers<[1], [0], [0], [1], [0, 0, 1, 1], [], []>, transpose_lhs_hint = false} : vector<2000x128xf32>, vector<128x32xf32>, vector<2000x32xf32> -> vector<2000x32xf32>
    %get3A_13 = arith.constant 0 : index
    %get3A_14 = arith.constant 0 : index
    %get3A_15 = vector.load %arg4[%get3A_13, %get3A_14] : memref<1x32xf32, #tpu.memory_space<vmem>>, vector<1x32xf32>
    %add3A = vector.broadcast %get3A_15 : vector<1x32xf32> to vector<2000x32xf32>
    %add3A_16 = arith.addf %dot_general3A_12, %add3A : vector<2000x32xf32>
    %swap3A_17 = arith.constant 0 : index
    %swap3A_18 = arith.constant 0 : index
    %swap3A_19 = vector.load %arg6[%swap3A_17, %swap3A_18] : memref<2000x32xf32, #tpu.memory_space<vmem>>, vector<2000x32xf32>
    tpu.vector_store %arg6[%swap3A_17, %swap3A_18], %add3A_16 {strides = array<i32>} : memref<2000x32xf32, #tpu.memory_space<vmem>>, vector<2000x32xf32>,
    return
  }
  func.func @transform_0(%arg0: i32) -> (i32, i32) {
    %c0_i32 = arith.constant 0 : i32
    %c0_i32_0 = arith.constant 0 : i32
    return %arg0, %c0_i32 : i32, i32
  }
  func.func @transform_1(%arg0: i32) -> (i32, i32) {
    %c0_i32 = arith.constant 0 : i32
    %c0_i32_0 = arith.constant 0 : i32
    %c0_i32_1 = arith.constant 0 : i32
    return %c0_i32, %c0_i32_0 : i32, i32
  }
  func.func @transform_2(%arg0: i32) -> (i32, i32) {
    %c0_i32 = arith.constant 0 : i32
    %c0_i32_0 = arith.constant 0 : i32
    %c0_i32_1 = arith.constant 0 : i32
    return %c0_i32, %c0_i32_0 : i32, i32
  }
  func.func @transform_3(%arg0: i32) -> (i32, i32) {
    %c0_i32 = arith.constant 0 : i32
    %c0_i32_0 = arith.constant 0 : i32
    %c0_i32_1 = arith.constant 0 : i32
    return %c0_i32, %c0_i32_0 : i32, i32
  }
  func.func @transform_4(%arg0: i32) -> (i32, i32) {
    %c0_i32 = arith.constant 0 : i32
    %c0_i32_0 = arith.constant 0 : i32
    return %arg0, %c0_i32 : i32, i32
  }
  func.func @transform_5(%arg0: i32) -> (i32, i32) {
    %c0_i32 = arith.constant 0 : i32
    %c0_i32_0 = arith.constant 0 : i32
    return %arg0, %c0_i32 : i32, i32
  }
}

module attributes {stable_mosaic.version = 14 : i64} {
  func.func @_combine_body(%arg0: memref<2x2560x128xf32, #tpu.memory_space<vmem>>, %arg1: memref<2500x128xf32, #tpu.memory_space<vmem>>, %arg2: memref<2500x128xf32, #tpu.memory_space<vmem>>) attributes {dimension_semantics = [], scalar_prefetch = 0 : i64, scratch_operands = 0 : i64, tpu.core_type = #tpu.core_type<tc>} {
    %get3A = arith.constant 0 : index
    %get3A_0 = arith.constant 0 : index
    %get3A_1 = arith.constant 0 : index
    %get3A_2 = vector.load %arg0[%get3A, %get3A_0, %get3A_1] : memref<2x2560x128xf32, #tpu.memory_space<vmem>>, vector<1x2500x128xf32>
    %get3A_3 = vector.shape_cast %get3A_2 : vector<1x2500x128xf32> to vector<2500x128xf32>
    %get3A_4 = arith.constant 1 : index
    %get3A_5 = arith.constant 0 : index
    %get3A_6 = arith.constant 0 : index
    %get3A_7 = vector.load %arg0[%get3A_4, %get3A_5, %get3A_6] : memref<2x2560x128xf32, #tpu.memory_space<vmem>>, vector<1x2500x128xf32>
    %get3A_8 = vector.shape_cast %get3A_7 : vector<1x2500x128xf32> to vector<2500x128xf32>
    %add3A = arith.addf %get3A_3, %get3A_8 : vector<2500x128xf32>
    %get3A_9 = arith.constant 0 : index
    %get3A_10 = arith.constant 0 : index
    %get3A_11 = vector.load %arg1[%get3A_9, %get3A_10] : memref<2500x128xf32, #tpu.memory_space<vmem>>, vector<2500x128xf32>
    %add3A_12 = arith.addf %add3A, %get3A_11 : vector<2500x128xf32>
    %swap3A = arith.constant 0 : index
    %swap3A_13 = arith.constant 0 : index
    %swap3A_14 = vector.load %arg2[%swap3A, %swap3A_13] : memref<2500x128xf32, #tpu.memory_space<vmem>>, vector<2500x128xf32>
    tpu.vector_store %arg2[%swap3A, %swap3A_13], %add3A_12 {strides = array<i32>} : memref<2500x128xf32, #tpu.memory_space<vmem>>, vector<2500x128xf32>,
    return
  }
}

</mosaic_0001>

<sc_bundles>
// kernel: kernel.5.cloned.1.call-start
scs
__scs_entry_jumppad:
0x0: {  	(pc) =	sbr.rel $0x88, $3  }
0x1: {  	(tag) =	ssettag $0x0;
	lr =	simm.s32 $0x1  }
0x2: {  	[smem:$0x3F9B] =	sst lr;
	_ =	strace $0xD0000000  }
0x3: {  	_ = 	snop  }
0x4: {  	_ = 	snop  }
0x5: {  	_ = 	snop  }
0x6: {  	_ = 	snop  }
0x7: {  	_ = 	snop  }
__scs_overlays_trampoline_lowered:
0x8: {  	[smem:$0x3FAA] =	sst s0  }
0x9: {  	[smem:$0x3FAB] =	sst s1  }
0xa: {  	[smem:$0x3FAC] =	sst s2  }
0xb: {  	[smem:$0x3FAD] =	sst s3  }
0xc: {  	[smem:$0x3FAE] =	sst s4  }
0xd: {  	[smem:$0x3FAF] =	sst s5  }
0xe: {  	[smem:$0x3FB0] =	sst s6  }
0xf: {  	[smem:$0x3FB1] =	sst s7  }
0x10: {  	[smem:$0x3FB2] =	sst s8  }
0x11: {  	[smem:$0x3FB3] =	sst s9;
	s0 =	simm.s32 @!p0 $0x0  }
0x12: {  	s1 =	sld [smem:$0x3F99];
	s0 =	simm.s32 @p0 $0x1  }
0x13: {  	[smem:$0x3FB4] =	sst s0;
	s0 =	simm.s32 @!p1 $0x0  }
0x14: {  	s2 =	sld [smem:$0x3F98];
	s0 =	simm.s32 @p1 $0x1  }
0x15: {  	[smem:$0x3FB5] =	sst s0;
	s0 =	simm.s32 @!p2 $0x0  }
0x16: {  	s3 =	sld [smem:$0x3FDB];
	s0 =	simm.s32 @p2 $0x1  }
0x17: {  	s4 =	simm.s32 $0x1BF5;
	[smem:$0x3FB7] =	sst s0  }
0x18: {  	s0 =	sld [smem:$0x3F9A];
	_ =	swait.ge [sflag:s4], $0x0  }
0x19: {  	s7 =	sld [smem:$0x3F9B]  }
0x1a: {  	s8 =	sadd.s32 $0xFFFFE003, lr  }
0x1b: {  	s9 =	sadd.s32 $0xFFFFFEF7, lr;
	s5 =	simm.s32 $0xFFFFFFFF;
	p2 =	slt.u32 s8, $0xFFFFF086  }
0x1c: {  	p1 =	slt.u32 s9, $0xF7A;
	s5 =	simm.s32 @!p2 $0x0  }
0x1d: {  	s5 =	simm.s32 @p1 $0x1;
	p0 =	seq.s32 s7, s2  }
0x1e: {  	s7 =	smul.u32 @!p0 $0xF7A, s2;
	p2 =	seq.s32 @!p0 s5, $0x0  }
0x1f: {  	s9 =	smul.u32 $0xF7A, s1;
	s8 =	simm.s32 @!p0 $0x1BF5;
	p2 =	por !p2, p0  }
0x20: {  	[sflag:s8] =	ssyncset.s32 @!p0 $0xFFFFF086;
	s6 =	sadd.s32 @!p0 s3, s7;
	s7 =	simm.s32 @!p0 $0x108  }
0x21: {  	s3 =	sadd.s32 s3, s9;
	s6 =	sadd.s32 @!p0 $0x88, s6;
	s7 =	simm.s32 @p2 $0x1082  }
0x22: {  	[simem:s7], [sflag:s8] =	dma.local @!p0 [hbm:s6], $0xF7A  }
0x23: {  	s9 =	sor.u32 $0xD0000000, s2;
	s6 =	simm.s32 $0x108;
	_ =	swait.ge @!p0 [sflag:s8], $0x0  }
0x24: {  	s3 =	sadd.s32 $0x88, s3;
	s6 =	simm.s32 @!p1 $0x1082;
	[sflag:s4] =	ssyncset.s32 $0xFFFFF086  }
0x25: {  	[simem:s6], [sflag:s4] =	dma.local [hbm:s3], $0xF7A  }
0x26: {  	[smem:$0x3F9B] =	sst s1;
	(tag) =	ssettag s2;
	_ =	strace s9  }
0x27: {  	s1 =	sld [smem:$0x3FAB]  }
0x28: {  	s2 =	sld [smem:$0x3FAC]  }
0x29: {  	s4 =	sld [smem:$0x3FAE]  }
0x2a: {  	p0 =	seq.s32 s5, $0x0;
	s5 =	sld [smem:$0x3FAF]  }
0x2b: {  	s6 =	sld [smem:$0x3FB0]  }
0x2c: {  	s7 =	sld [smem:$0x3FB1]  }
0x2d: {  	s3 =	simm.s32 $0x108;
	s8 =	sld [smem:$0x3FB2]  }
0x2e: {  	s3 =	simm.s32 @!p0 $0x1082;
	s9 =	sld [smem:$0x3FB3]  }
0x2f: {  	lr =	sadd.s32 s0, s3;
	s0 =	sld [smem:$0x3FAA]  }
0x30: {  	s3 =	sld [smem:$0x3FAD]  }
0x31: {  	[smem:$0x3FB6] =	sst s10  }
0x32: {  	s10 =	sld [smem:$0x3FB4];
	_ =	sdelay $0x3  }
0x33: {  	p0 =	seq.s32 s10, $0x1;
	s10 =	sld [smem:$0x3FB6];
	_ =	sdelay $0x3  }
0x34: {  	[smem:$0x3FB6] =	sst s10  }
0x35: {  	s10 =	sld [smem:$0x3FB5];
	_ =	sdelay $0x3  }
0x36: {  	p1 =	seq.s32 s10, $0x1;
	s10 =	sld [smem:$0x3FB6];
	_ =	sdelay $0x3  }
0x37: {  	[smem:$0x3FB6] =	sst s10  }
0x38: {  	s10 =	sld [smem:$0x3FB7]  }
0x39: {  	_ = 	snop;
	(pc) =	sbr.ind lr, $3  }
0x3a: {  	_ = 	snop  }
0x3b: {  	_ = 	snop  }
0x3c: {  	p2 =	seq.s32 s10, $0x1;
	s10 =	sld [smem:$0x3FB6]  }
0x3d: {  	_ =	shalt  }
0x3e: {  	_ =	shalt  }
0x3f: {  	_ =	shalt  }
0x40: {  	_ =	shalt  }
0x41: {  	_ =	shalt  }
0x42: {  	_ =	shalt  }
0x43: {  	_ =	shalt  }
0x44: {  	_ =	shalt  }
0x45: {  	_ =	shalt  }
0x46: {  	_ =	shalt  }
0x47: {  	_ =	shalt  }
0x48: {  	_ =	shalt  }
0x49: {  	_ =	shalt  }
0x4a: {  	_ =	shalt  }
0x4b: {  	_ =	shalt  }
0x4c: {  	_ =	shalt  }
0x4d: {  	_ =	shalt  }
0x4e: {  	_ =	shalt  }
0x4f: {  	_ =	shalt  }
0x50: {  	_ =	shalt  }
0x51: {  	_ =	shalt  }
0x52: {  	_ =	shalt  }
0x53: {  	_ =	shalt  }
0x54: {  	_ =	shalt  }
0x55: {  	_ =	shalt  }
0x56: {  	_ =	shalt  }
0x57: {  	_ =	shalt  }
0x58: {  	_ =	shalt  }
0x59: {  	_ =	shalt  }
0x5a: {  	_ =	shalt  }
0x5b: {  	_ =	shalt  }
0x5c: {  	_ =	shalt  }
0x5d: {  	_ =	shalt  }
0x5e: {  	_ =	shalt  }
0x5f: {  	_ =	shalt  }
0x60: {  	_ =	shalt  }
0x61: {  	_ =	shalt  }
0x62: {  	_ =	shalt  }
0x63: {  	_ =	shalt  }
0x64: {  	_ =	shalt  }
0x65: {  	_ =	shalt  }
0x66: {  	_ =	shalt  }
0x67: {  	_ =	shalt  }
0x68: {  	_ =	shalt  }
0x69: {  	_ =	shalt  }
0x6a: {  	_ =	shalt  }
0x6b: {  	_ =	shalt  }
0x6c: {  	_ =	shalt  }
0x6d: {  	_ =	shalt  }
0x6e: {  	_ =	shalt  }
0x6f: {  	_ =	shalt  }
0x70: {  	_ =	shalt  }
0x71: {  	_ =	shalt  }
0x72: {  	_ =	shalt  }
0x73: {  	_ =	shalt  }
0x74: {  	_ =	shalt  }
0x75: {  	_ =	shalt  }
0x76: {  	_ =	shalt  }
0x77: {  	_ =	shalt  }
0x78: {  	_ =	shalt  }
0x79: {  	_ =	shalt  }
0x7a: {  	_ =	shalt  }
0x7b: {  	_ =	shalt  }
0x7c: {  	_ =	shalt  }
0x7d: {  	_ =	shalt  }
0x7e: {  	_ =	shalt  }
0x7f: {  	_ =	shalt  }
0x80: {  	_ =	shalt  }
0x81: {  	_ =	shalt  }
0x82: {  	_ =	shalt  }
0x83: {  	_ =	shalt  }
0x84: {  	_ =	shalt  }
0x85: {  	_ =	shalt  }
0x86: {  	_ =	shalt  }
0x87: {  	_ =	shalt  }
.Lfunc_end0:
.L_simem_size_0:
called_computation_lowered:
.L_overlay_start_0:
0x88: {  	s2 =	sld [smem:$0x3FD9]  }
0x89: {  	s3 =	sld [smem:$0x3FFE];
	_ =	sdelay $0x1  }
0x8a: {  	s1 =	srdreg.scid  }
0x8b: {  	s0 =	sand.u32 $0x1, s1  }
0x8c: {  	s17 =	sshll.u32 s0, $0xA;
	s2 =	sadd.s32 s3, s2  }
0x8d: {  	s2 =	sadd.s32 s2, s17  }
0x8e: {  	[smem:$0x3FC2] =	sst s2  }
0x8f: {  	_ = 	snop  }
0x90: {  	s2 =	sld [smem:$0x3FC7]  }
0x91: {  	s18 =	sld [smem:$0x3FD0];
	(tm) =	ssettm $0x1  }
0x92: {  	s4 =	sld [smem:$0x3FFB];
	_ =	sdelay $0x3  }
0x93: {  	_ =	strace s4  }
0x94: {  	s4 =	sld [smem:$0x3FFC];
	_ =	sdelay $0x3  }
0x95: {  	_ =	strace s4  }
0x96: {  	s4 =	sld [smem:$0x3FFD];
	_ =	sdelay $0x3  }
0x97: {  	_ =	strace s4  }
0x98: {  	_ =	strace $0x8FFFFFFF  }
0x99: {  	s19 =	sld [smem:$0x3FDB];
	_ =	sdelay $0x1  }
0x9a: {  	s5 =	simm.s32 $_scs_section_size  }
0x9b: {  	s6 =	simm.s32 $_size__tile_overlayer_lowered;
	s7 =	simm.s32 $_tile_overlayer_lowered  }
0x9c: {  	s22 =	simm.s32 $0x1BFF;
	s21 =	sshll.u32 s7, $0x1;
	s4 =	sadd.s32 s5, s19  }
0x9d: {  	s8 =	simm.s32 $0x0;
	s20 =	sshll.u32 s6, $0x1;
	s6 =	sadd.s32 s21, s4  }
0x9e: {  	[timem:s8], [sflag:s22] =	dma.local [hbm:s6], s20  }
0x9f: {  	_ =	swait.ge [sflag:s22], s20  }
0xa0: {  	s5 =	ssub.s32 $0x0, s20;
	[sflag:s22] =	ssyncset.done $0x0  }
0xa1: {  	[sflag:s22] =	ssyncadd.s32 s5;
	_ =	sdelay $0x1  }
0xa2: {  	s23 =	simm.s32 $0x1B8B  }
0xa3: {  	_ =	swait.ge [sflag:s23], $0x1  }
0xa4: {  	[sflag:s23] =	ssyncset.done $0x0  }
0xa5: {  	s25 =	simm.s32 $0x1B8E;
	s24 =	sld [smem:$0x3FFE];
	[sflag:s23] =	ssyncadd.s32 $0xFFFFFFFF  }
0xa6: {  	s26 =	simm.s32 $execute0_lowered;
	[smem:$0x3FD2] =	sst s25  }
0xa7: {  	s6 =	sshll.u32 s26, $0x1;
	_ =	strace $0x80000046;
	[dreg:$0x1] =	wrdreg $0xFFFFFFFF  }
0xa8: {  	s28 =	simm.s32 $_size_execute0_lowered;
	s4 =	sadd.s32 s4, s6;
	[dreg:$0x0] =	wrdreg $0x0  }
0xa9: {  	s6 =	sshll.u32 s28, $0x1;
	[dreg:$0x2] =	wrdreg s4  }
0xaa: {  	[dreg:$0x3] =	wrdreg s6  }
0xab: {  	[dreg:$0x4] =	wrdreg $0xC0  }
0xac: {  	_ =	task [dreg:s8], $0x5FFFF  }
0xad: {  	[dreg:$0x1] =	wrdreg $0xFFFFFFFF  }
0xae: {  	[dreg:$0x0] =	wrdreg $0x60  }
0xaf: {  	[dreg:$0x2] =	wrdreg s18  }
0xb0: {  	[dreg:$0x3] =	wrdreg s2  }
0xb1: {  	[dreg:$0x4] =	wrdreg s24  }
0xb2: {  	[dreg:$0x5] =	wrdreg $0xF4000  }
0xb3: {  	[dreg:$0x6] =	wrdreg $0x9  }
0xb4: {  	_ =	task.clear_ibuf [dreg:s8], $0x7FFFF;
	_ =	strace $0x90000046  }
0xb5: {  	s29 =	simm.s32 $0x9;
	_ =	strace $0x80000048  }
0xb6: {  	_ =	swait.ge [sflag:s29], $0x1  }
0xb7: {  	[sflag:s29] =	ssyncadd.s32 $0xFFFFFFFF  }
0xb8: {  	_ =	strace $0x90000048  }
0xb9: {  	_ =	sfence  }
0xba: {  	s30 =	sld [smem:$0x0];
	_ =	sdelay $0x2  }
0xbb: {  	s31 =	sshll.u32 s1, $0xD;
	s1 =	sshrl.u32 s1, $0x2  }
0xbc: {  	s3 =	sand.u32 $0x4000, s31;
	s1 =	sadd.s32 s1, s30  }
0xbd: {  	s0 =	sor.u32 s3, s0;
	s1 =	sshll.u32 s1, $0x11  }
0xbe: {  	s0 =	sor.u32 s1, s0  }
0xbf: {  	s0 =	sadd.s32 $0x8F2B, s0  }
0xc0: {  	[sflag:s0] =	ssyncadd.remote.s32 $0x1  }
0xc1: {  	_ =	sfence.sel $0xFFFF  }
0xc2: {  	[dreg:$0x0] =	wrdreg $0xFFFFFFFF;
	(pc) =	sbr.abs _section_cstart, $3  }
0xc3: {  	[dreg:$0x1] =	wrdreg $0xFFFFFFFF  }
0xc4: {  	_ =	task.clear_ibuf [dreg:s8], $0x2FFFF;
	_ =	strace $0x9FFFFFFF  }
0xc5: {  	(tm) =	ssettm $0x7FFFFFFF  }
tec
execute0_lowered:
.L_overlay_start_1:
0x0: {  	(tag) =	ssettag $0x1  }
0x1: {  	s0 =	rddreg [dreg:$0x0]  }
0x2: {  	s1 =	rddreg [dreg:$0x1]  }
0x3: {  	s3 =	rddreg [dreg:$0x2];
	s4 =	srdreg.scid  }
0x4: {  	s10 =	stileid.u32;
	s2 =	rddreg [dreg:$0x3];
	s11 =	simm.s32 $0x0  }
0x5: {  	s19 =	simm.s32 $0x5;
	s21 =	simm.s32 $0x2800;
	s22 =	simm.s32 $0x80  }
0x6: {  	s28 =	simm.s32 $0x8400;
	s30 =	simm.s32 $0x9400;
	s31 =	simm.s32 $0x1  }
0x7: {  	s29 =	simm.s32 $0x4;
	s5 =	sand.u32 $0x1, s4;
	s6 =	smul.u32 $0x5000, s10  }
0x8: {  	[smem:$0x7FF] =	sst s11;
	s4 =	sadd.s32 $0xE00, s3;
	s9 =	smul.u32 $0x14000, s10  }
0x9: {  	s14 =	sadd.s32 $0x9BA0, s0;
	s15 =	sadd.s32 $0x4D80, s1;
	s7 =	smul.u32 $0x50000, s5  }
0xa: {  	_ =	strace $0x80000047;
	s8 =	sshll.u32 s5, $0x4;
	s5 =	ssub.s32 $0x2, s5  }
0xb: {  	s18 =	sor.u32 s10, s8;
	s23 =	sshrl.u32 s5, $0x1;
	s24 =	sshrl.u32 s9, $0x2  }
0xc: {  	s7 =	sadd.s32 s6, s7;
	s25 =	smul.u32 $0x1400, s18;
	s17 =	ssub.s32 s5, s23  }
0xd: {  	s5 =	sadd.s32 s6, s2;
	s26 =	sadd.s32 s24, s2;
	p0 =	seq.s32 s18, $0x1F  }
0xe: {  	s18 =	simm.s32 $0x6400;
	s24 =	simm.s32 $0x3;
	s23 =	simm.s32 $0xA400  }
0xf: {  	s7 =	sshrl.u32 s7, $0x3;
	s6 =	sadd.s32 $0x1000, s26;
	s8 =	sadd.s32 $0x3000, s26  }
.Ltmp0:
0x10: {  	s9 =	sadd.s32 $0x4000, s26;
	s17 =	smax.u32 s17, $0x1;
	(pc) =	sbr.rel .LBB2_1-.Ltmp0, $4  }
0x11: {  	s3 =	sadd.s32 s7, s3;
	s7 =	sadd.s32 $0x2000, s26;
	s12 =	sshrl.u32 s25, $0x3  }
0x12: {  	s25 =	simm.s32 $0x7400;
	s26 =	simm.s32 $0x0;
	s10 =	sadd.s32 s0, s12  }
0x13: {  	s12 =	sadd.s32 s1, s12;
	s16 =	sadd.s32 $0x28000, s3;
	s13 =	sadd.s32 $0x4E20, s10  }
0x14: {  	v0 =	vimm.f32 $0.0e+00;
	[dreg:$0x5] =	wrdreg s13;
	s13 =	sadd.s32 $0x4D80, s0;
	s0 =	simm.s32 $0x2  }
.LBB2_8:
0x15: {  	s3 =	sadd.s32 $0x3C00, s1;
	[sflag:s19] =	ssyncadd.s32 $0xFFFFF000  }
0x16: {  	[tilespmem:s18], [sflag:$0x1] =	stream.indirect.gather [hbm4b:s4+s22], $0x20, s3, s22, $0xb8;
	[tilespmem:$0x14400] =	vst v63  }
0x17: {  	s21 =	sadd.s32 $0x3C80, s1  }
0x18: {  	[tilespmem:s25], [sflag:$0x2] =	stream.indirect.gather [hbm4b:s4+s22], $0x20, s21, s22, $0xb8;
	[tilespmem:$0x14400] =	vst v63  }
0x19: {  	s11 =	sadd.s32 $0x3D00, s1  }
0x1a: {  	[tilespmem:s28], [sflag:$0x3] =	stream.indirect.gather [hbm4b:s4+s22], $0x20, s11, s22, $0xb8;
	[tilespmem:$0x14400] =	vst v63  }
0x1b: {  	s20 =	sadd.s32 $0x3D80, s1  }
0x1c: {  	[tilespmem:s30], [sflag:$0x4] =	stream.indirect.gather [hbm4b:s4+s22], $0x20, s20, s22, $0xb8;
	[tilespmem:$0x14400] =	vst v63  }
0x1d: {  	_ =	swait.ge [sflag:s31], $0x1000  }
0x1e: {  	[sflag:s31] =	ssyncset.done $0x0  }
0x1f: {  	s21 =	sadd.s32 $0x5000, s1;
	[sflag:s31] =	ssyncadd.s32 $0xFFFFF000  }
0x20: {  	[spmem:s2] =	stream.indirect.scatter.add.f32 [tilespmem:s18], [sflag:$0x5], $0x20, s21, s22, $0xb8;
	[tilespmem:$0x14400] =	vst v63  }
0x21: {  	_ =	swait.ge [sflag:s19], $0x1000  }
0x22: {  	[sflag:s19] =	ssyncset.done $0x0  }
0x23: {  	[sflag:s19] =	ssyncadd.s32 $0xFFFFF000  }
0x24: {  	_ =	swait.ge [sflag:s0], $0x1000  }
0x25: {  	[sflag:s0] =	ssyncset.done $0x0  }
0x26: {  	s11 =	sadd.s32 $0x5080, s1;
	[sflag:s0] =	ssyncadd.s32 $0xFFFFF000  }
0x27: {  	[spmem:s2] =	stream.indirect.scatter.add.f32 [tilespmem:s25], [sflag:$0x5], $0x20, s11, s22, $0xb8;
	[tilespmem:$0x14400] =	vst v63  }
0x28: {  	_ =	swait.ge [sflag:s19], $0x1000  }
0x29: {  	[sflag:s19] =	ssyncset.done $0x0  }
0x2a: {  	[sflag:s19] =	ssyncadd.s32 $0xFFFFF000  }
0x2b: {  	_ =	swait.ge [sflag:s24], $0x1000  }
0x2c: {  	[sflag:s24] =	ssyncset.done $0x0  }
0x2d: {  	s20 =	sadd.s32 $0x5100, s1;
	[sflag:s24] =	ssyncadd.s32 $0xFFFFF000  }
0x2e: {  	[spmem:s2] =	stream.indirect.scatter.add.f32 [tilespmem:s28], [sflag:$0x5], $0x20, s20, s22, $0xb8;
	[tilespmem:$0x14400] =	vst v63  }
0x2f: {  	_ =	swait.ge [sflag:s19], $0x1000  }
0x30: {  	[sflag:s19] =	ssyncset.done $0x0  }
0x31: {  	[sflag:s19] =	ssyncadd.s32 $0xFFFFF000  }
0x32: {  	_ =	swait.ge [sflag:s29], $0x1000  }
0x33: {  	[sflag:s29] =	ssyncset.done $0x0  }
0x34: {  	s21 =	sadd.s32 $0x5180, s1;
	[sflag:s29] =	ssyncadd.s32 $0xFFFFF000  }
0x35: {  	[spmem:s2] =	stream.indirect.scatter.add.f32 [tilespmem:s30], [sflag:$0x5], $0x20, s21, s22, $0xb8;
	[tilespmem:$0x14400] =	vst v63  }
0x36: {  	_ =	swait.ge [sflag:s19], $0x1000  }
0x37: {  	[sflag:s19] =	ssyncset.done $0x0  }
0x38: {  	s11 =	simm.s32 $0x0;
	s21 =	simm.s32 $0x2800;
	[sflag:s19] =	ssyncadd.s32 $0xFFFFF000  }
.LBB2_12:
0x39: {  	[bflag:$0x0] =	sbarrier.arrive $0xFFFF  }
0x3a: {  	[tilespmem:s23], [sflag:$0x5] =	stream.linear.gather [spmem:s5], $0x5000, $0x38;
	[tilespmem:$0x14400] =	vst v63  }
0x3b: {  	s26 =	sadd.s32 $0x1, s26;
	_ =	swait.ge [sflag:s19], $0x5000  }
0x3c: {  	p1 =	sne.s32 s26, s17;
	[sflag:s19] =	ssyncset.done $0x0  }
.Ltmp1:
0x3d: {  	[sflag:s19] =	ssyncadd.s32 $0xFFFFB000;
	(pc) =	sbr.rel @!p1 .LBB2_13-.Ltmp1, $4  }
0x3e: {  	[hbm4b:s16+s11] =	stream.linear.scatter [tilespmem:s23], [sflag:$0x5], $0x5000, $0x38;
	[tilespmem:$0x14400] =	vst v63  }
0x3f: {  	_ =	swait.ge [sflag:s19], $0x5000  }
0x40: {  	[sflag:s19] =	ssyncset.done $0x0  }
0x41: {  	[sflag:s19] =	ssyncadd.s32 $0xFFFFB000  }
.LBB2_1:
0x42: {  	s1 =	simm.s32 $0x80;
	s3 =	simm.s32 $0x0  }
.LBB2_2:
0x43: {  	p1 =	sne.s32 s1, $0x3F80;
	[tilespmem:s3+$0x6400] =	vst v0;
	s20 =	smov.u32 s1;
	s1 =	sadd.s32 $0x80, s1  }
.Ltmp2:
0x44: {  	[tilespmem:s3+$0x6410] =	vst v0;
	(pc) =	sbr.rel @p1 .LBB2_2-.Ltmp2, $2  }
0x45: {  	_ =	sdelay $0x2  }
0x46: {  	s3 =	sshra.s32 s20, $0x2  }
0x47: {  	[tilespmem:s3+$0x6400] =	vst v0  }
0x48: {  	[tilespmem:s3+$0x6410] =	vst v0  }
0x49: {  	[spmem:s5] =	stream.linear.scatter [tilespmem:s18], [sflag:$0x5], $0x1000, $0x38;
	[tilespmem:$0x14400] =	vst v63  }
0x4a: {  	_ =	swait.ge [sflag:s19], $0x1000  }
0x4b: {  	[sflag:s19] =	ssyncset.done $0x0  }
0x4c: {  	[sflag:s19] =	ssyncadd.s32 $0xFFFFF000  }
0x4d: {  	[spmem:s6] =	stream.linear.scatter [tilespmem:s18], [sflag:$0x5], $0x1000, $0x38;
	[tilespmem:$0x14400] =	vst v63  }
0x4e: {  	_ =	swait.ge [sflag:s19], $0x1000  }
0x4f: {  	[sflag:s19] =	ssyncset.done $0x0  }
0x50: {  	[sflag:s19] =	ssyncadd.s32 $0xFFFFF000  }
0x51: {  	[spmem:s7] =	stream.linear.scatter [tilespmem:s18], [sflag:$0x5], $0x1000, $0x38;
	[tilespmem:$0x14400] =	vst v63  }
0x52: {  	_ =	swait.ge [sflag:s19], $0x1000  }
0x53: {  	[sflag:s19] =	ssyncset.done $0x0  }
0x54: {  	[sflag:s19] =	ssyncadd.s32 $0xFFFFF000  }
0x55: {  	[spmem:s8] =	stream.linear.scatter [tilespmem:s18], [sflag:$0x5], $0x1000, $0x38;
	[tilespmem:$0x14400] =	vst v63  }
0x56: {  	_ =	swait.ge [sflag:s19], $0x1000  }
0x57: {  	[sflag:s19] =	ssyncset.done $0x0  }
0x58: {  	[sflag:s19] =	ssyncadd.s32 $0xFFFFF000  }
0x59: {  	[spmem:s9] =	stream.linear.scatter [tilespmem:s18], [sflag:$0x5], $0x1000, $0x38;
	[tilespmem:$0x14400] =	vst v63  }
.Ltmp3:
0x5a: {  	_ =	swait.ge [sflag:s19], $0x1000;
	(pc) =	sbr.rel @!p0 .LBB2_4-.Ltmp3, $4  }
0x5b: {  	[sflag:s19] =	ssyncset.done $0x0  }
0x5c: {  	[sflag:s19] =	ssyncadd.s32 $0xFFFFF000  }
0x5d: {  	[bflag:$0x0] =	sbarrier.arrive $0xFFFF  }
0x5e: {  	s1 =	simm.s32 $0x0  }
0x5f: {  	[tilespmem:s1], [sflag:$0x5] =	stream.linear.gather [hbm4b:s13+s1], $0x500, $0x38;
	[tilespmem:$0x14400] =	vst v63  }
0x60: {  	_ =	swait.ge [sflag:s19], $0x500  }
0x61: {  	[sflag:s19] =	ssyncset.done $0x0  }
0x62: {  	[sflag:s19] =	ssyncadd.s32 $0xFFFFFB00  }
0x63: {  	[tilespmem:s21], [sflag:$0x5] =	stream.linear.gather [hbm4b:s14+s1], $0x500, $0x38;
	[tilespmem:$0x14400] =	vst v63  }
0x64: {  	_ =	swait.ge [sflag:s19], $0x500  }
0x65: {  	[sflag:s19] =	ssyncset.done $0x0  }
0x66: {  	s3 =	simm.s32 $0x1400;
	[sflag:s19] =	ssyncadd.s32 $0xFFFFFB00  }
0x67: {  	[tilespmem:s3], [sflag:$0x5] =	stream.linear.gather [hbm4b:s15+s1], $0x500, $0x38;
	[tilespmem:$0x14400] =	vst v63  }
0x68: {  	_ =	swait.ge [sflag:s19], $0x500  }
0x69: {  	[sflag:s19] =	ssyncset.done $0x0  }
0x6a: {  	s1 =	simm.s32 $0x0;
	[sflag:s19] =	ssyncadd.s32 $0xFFFFFB00  }
0x6b: {  	v1 =	vld [tilespmem:s1+$0x70]  }
0x6c: {  	v2 =	vld [tilespmem:s1+$0x1470]  }
0x6d: {  	v3 =	vld [tilespmem:s1+$0x0]  }
0x6e: {  	v4 =	vld [tilespmem:s1+$0x10]  }
0x6f: {  	v5 =	vld [tilespmem:s1+$0x20]  }
0x70: {  	v6 =	vld [tilespmem:s1+$0x30]  }
0x71: {  	v7 =	vld [tilespmem:s1+$0x40]  }
0x72: {  	v8 =	vld [tilespmem:s1+$0x50];
	v1 =	vshll.u32 v1, $0x2  }
0x73: {  	v9 =	vld [tilespmem:s1+$0x60];
	v1 =	vadd.s32 v2, v1  }
0x74: {  	[tilespmem:s1+$0x3C70] =	vst v1;
	v1 =	vld [tilespmem:s1+$0x1400]  }
0x75: {  	v13 =	vld [tilespmem:s1+$0x2800]  }
0x76: {  	v2 =	vld [tilespmem:s1+$0x1410]  }
0x77: {  	v10 =	vld [tilespmem:s1+$0x1420]  }
0x78: {  	v11 =	vld [tilespmem:s1+$0x1430];
	v3 =	vshll.u32 v3, $0x2  }
0x79: {  	v12 =	vld [tilespmem:s1+$0x1440];
	v1 =	vadd.s32 v1, v3  }
0x7a: {  	v3 =	vld [tilespmem:s1+$0x1450];
	[tilespmem:s1+$0x3C00] =	vst v1;
	v1 =	vshll.u32 v4, $0x2  }
0x7b: {  	[tilespmem:s1+$0x5000] =	vst v13;
	v4 =	vld [tilespmem:s1+$0x1460];
	v1 =	vadd.s32 v2, v1;
	v2 =	vshll.u32 v5, $0x2  }
0x7c: {  	v63 =	vld [tilespmem:s1+$0x2810];
	[tilespmem:s1+$0x3C10] =	vst v1;
	v1 =	vadd.s32 v10, v2;
	v2 =	vshll.u32 v6, $0x2  }
0x7d: {  	v5 =	vshll.u32 v7, $0x2;
	[tilespmem:s1+$0x3C20] =	vst v1;
	v2 =	vadd.s32 v11, v2;
	v1 =	vld [tilespmem:s1+$0x2820]  }
0x7e: {  	v5 =	vadd.s32 v12, v5;
	v6 =	vshll.u32 v8, $0x2;
	[tilespmem:s1+$0x3C30] =	vst v2;
	v2 =	vld [tilespmem:s1+$0x2830]  }
0x7f: {  	[tilespmem:s1+$0x3C40] =	vst v5;
	v5 =	vadd.s32 v3, v6;
	v3 =	vld [tilespmem:s1+$0x2840];
	v6 =	vshll.u32 v9, $0x2  }
0x80: {  	[tilespmem:s1+$0x3C50] =	vst v5;
	v5 =	vadd.s32 v4, v6;
	v4 =	vld [tilespmem:s1+$0x2850]  }
0x81: {  	[tilespmem:s1+$0x5010] =	vst v63;
	v6 =	vld [tilespmem:s1+$0x2870]  }
0x82: {  	s20 =	simm.s32 $0x400;
	s3 =	simm.s32 $0x80;
	[tilespmem:s1+$0x3C60] =	vst v5;
	v5 =	vld [tilespmem:s1+$0x2860]  }
.LBB2_10:
0x83: {  	p1 =	sne.s32 s20, $0x1200;
	v7 =	vld [tilespmem:s3+$0x70];
	[tilespmem:s1+$0x5020] =	vst v1  }
0x84: {  	v1 =	vld [tilespmem:s3+$0x1470];
	[tilespmem:s1+$0x5030] =	vst v2  }
0x85: {  	v2 =	vld [tilespmem:s3+$0x0];
	[tilespmem:s1+$0x5040] =	vst v3  }
0x86: {  	v3 =	vld [tilespmem:s3+$0x10];
	[tilespmem:s1+$0x5050] =	vst v4  }
0x87: {  	v4 =	vld [tilespmem:s3+$0x20];
	[tilespmem:s1+$0x5060] =	vst v5  }
0x88: {  	v5 =	vld [tilespmem:s3+$0x30];
	v7 =	vshll.u32 v7, $0x2;
	[tilespmem:s1+$0x5070] =	vst v6;
	s1 =	smov.u32 s3  }
0x89: {  	v6 =	vld [tilespmem:s1+$0x40];
	v1 =	vadd.s32 v1, v7  }
0x8a: {  	v2 =	vshll.u32 v2, $0x2;
	v7 =	vld [tilespmem:s1+$0x50];
	[tilespmem:s1+$0x3C70] =	vst v1  }
0x8b: {  	v1 =	vshll.u32 v3, $0x2;
	v3 =	vld [tilespmem:s1+$0x60]  }
0x8c: {  	v8 =	vld [tilespmem:s1+$0x1400];
	v4 =	vshll.u32 v4, $0x2  }
0x8d: {  	v9 =	vld [tilespmem:s1+$0x1410];
	v5 =	vshll.u32 v5, $0x2  }
0x8e: {  	v10 =	vld [tilespmem:s1+$0x1420];
	v6 =	vshll.u32 v6, $0x2  }
0x8f: {  	v11 =	vld [tilespmem:s1+$0x1430];
	v7 =	vshll.u32 v7, $0x2  }
0x90: {  	v12 =	vld [tilespmem:s1+$0x1440];
	v13 =	vshll.u32 v3, $0x2  }
0x91: {  	v2 =	vadd.s32 v8, v2;
	v3 =	vld [tilespmem:s1+$0x1450]  }
0x92: {  	[tilespmem:s1+$0x3C00] =	vst v2;
	v1 =	vadd.s32 v9, v1;
	v8 =	vld [tilespmem:s1+$0x1460]  }
0x93: {  	v9 =	vld [tilespmem:s1+$0x2800];
	[tilespmem:s1+$0x3C10] =	vst v1;
	v1 =	vadd.s32 v10, v4  }
0x94: {  	v10 =	vld [tilespmem:s1+$0x2810];
	[tilespmem:s1+$0x3C20] =	vst v1;
	v2 =	vadd.s32 v11, v5  }
0x95: {  	v1 =	vld [tilespmem:s1+$0x2820];
	[tilespmem:s1+$0x3C30] =	vst v2;
	v4 =	vadd.s32 v12, v6  }
.Ltmp4:
0x96: {  	v2 =	vld [tilespmem:s1+$0x2830];
	[tilespmem:s1+$0x3C40] =	vst v4;
	v4 =	vadd.s32 v3, v7;
	(pc) =	sbr.rel @p1 .LBB2_10-.Ltmp4, $4  }
0x97: {  	v3 =	vld [tilespmem:s1+$0x2840];
	[tilespmem:s1+$0x3C50] =	vst v4;
	v5 =	vadd.s32 v8, v13  }
0x98: {  	v4 =	vld [tilespmem:s1+$0x2850];
	[tilespmem:s1+$0x3C60] =	vst v5  }
0x99: {  	[tilespmem:s1+$0x5000] =	vst v9;
	v5 =	vld [tilespmem:s1+$0x2860]  }
0x9a: {  	s3 =	sshra.s32 s20, $0x2;
	s20 =	sadd.s32 $0x200, s20;
	[tilespmem:s1+$0x5010] =	vst v10;
	v6 =	vld [tilespmem:s1+$0x2870]  }
0x9b: {  	v7 =	vld [tilespmem:s3+$0x70];
	[tilespmem:s1+$0x5020] =	vst v1  }
0x9c: {  	v1 =	vld [tilespmem:s3+$0x1470];
	[tilespmem:s1+$0x5030] =	vst v2  }
0x9d: {  	v2 =	vld [tilespmem:s3+$0x0];
	[tilespmem:s1+$0x5040] =	vst v3  }
0x9e: {  	v3 =	vld [tilespmem:s3+$0x10];
	[tilespmem:s1+$0x5050] =	vst v4  }
0x9f: {  	v4 =	vld [tilespmem:s3+$0x20];
	[tilespmem:s1+$0x5060] =	vst v5  }
0xa0: {  	v5 =	vld [tilespmem:s3+$0x30];
	[tilespmem:s1+$0x5070] =	vst v6  }
0xa1: {  	v56 =	vld [tilespmem:s3+$0x40]  }
0xa2: {  	v57 =	vld [tilespmem:s3+$0x50]  }
0xa3: {  	v8 =	vld [tilespmem:s3+$0x1400]  }
0xa4: {  	v9 =	vld [tilespmem:s3+$0x1410]  }
0xa5: {  	v10 =	vld [tilespmem:s3+$0x1420]  }
0xa6: {  	v59 =	vld [tilespmem:s3+$0x2800]  }
0xa7: {  	v60 =	vld [tilespmem:s3+$0x2810]  }
0xa8: {  	v55 =	vshll.u32 v7, $0x2;
	v11 =	vld [tilespmem:s3+$0x1430]  }
0xa9: {  	v1 =	vadd.s32 v1, v55;
	v61 =	vld [tilespmem:s3+$0x2820]  }
0xaa: {  	v12 =	vld [tilespmem:s3+$0x1440];
	[tilespmem:s3+$0x3C70] =	vst v1  }
0xab: {  	v58 =	vld [tilespmem:s3+$0x1450];
	v2 =	vshll.u32 v2, $0x2;
	[tilespmem:s3+$0x5000] =	vst v59  }
0xac: {  	v1 =	vld [tilespmem:s3+$0x60];
	v2 =	vadd.s32 v8, v2;
	[tilespmem:s3+$0x5010] =	vst v60  }
0xad: {  	[tilespmem:s3+$0x3C00] =	vst v2;
	v2 =	vshll.u32 v3, $0x2;
	v3 =	vld [tilespmem:s3+$0x1460]  }
0xae: {  	v4 =	vshll.u32 v4, $0x2;
	[tilespmem:s3+$0x5020] =	vst v61;
	v2 =	vadd.s32 v9, v2  }
0xaf: {  	v5 =	vshll.u32 v5, $0x2;
	[tilespmem:s3+$0x3C10] =	vst v2;
	v2 =	vadd.s32 v10, v4  }
0xb0: {  	v62 =	vld [tilespmem:s3+$0x2830];
	v7 =	vshll.u32 v56, $0x2;
	[tilespmem:s3+$0x3C20] =	vst v2;
	v2 =	vadd.s32 v11, v5  }
0xb1: {  	v63 =	vld [tilespmem:s3+$0x2840];
	v6 =	vshll.u32 v57, $0x2;
	v1 =	vshll.u32 v1, $0x2;
	[tilespmem:s3+$0x3C30] =	vst v2;
	v2 =	vadd.s32 v12, v7  }
0xb2: {  	[tilespmem:s3+$0x3C40] =	vst v2;
	v2 =	vadd.s32 v58, v6;
	v1 =	vadd.s32 v3, v1;
	v3 =	vld [tilespmem:s3+$0x2870]  }
0xb3: {  	[tilespmem:s3+$0x3C50] =	vst v2;
	v2 =	vld [tilespmem:s3+$0x2850]  }
0xb4: {  	[tilespmem:s3+$0x3C60] =	vst v1;
	v1 =	vld [tilespmem:s3+$0x2860]  }
0xb5: {  	[tilespmem:s3+$0x5030] =	vst v62  }
0xb6: {  	[tilespmem:s3+$0x5040] =	vst v63  }
0xb7: {  	[tilespmem:s3+$0x5070] =	vst v3  }
0xb8: {  	[tilespmem:s3+$0x5050] =	vst v2  }
0xb9: {  	[tilespmem:s3+$0x5060] =	vst v1;
	s3 =	simm.s32 $0x3C00  }
0xba: {  	[tilespmem:s18], [sflag:$0x1] =	stream.indirect.gather [hbm4b:s4+s22], $0x20, s3, s22, $0xb8;
	[tilespmem:$0x14400] =	vst v63  }
0xbb: {  	s20 =	simm.s32 $0x3C80  }
0xbc: {  	[tilespmem:s25], [sflag:$0x2] =	stream.indirect.gather [hbm4b:s4+s22], $0x20, s20, s22, $0xb8;
	[tilespmem:$0x14400] =	vst v63  }
0xbd: {  	s3 =	simm.s32 $0x3D00  }
0xbe: {  	[tilespmem:s28], [sflag:$0x3] =	stream.indirect.gather [hbm4b:s4+s22], $0x20, s3, s22, $0xb8;
	[tilespmem:$0x14400] =	vst v63  }
0xbf: {  	s20 =	simm.s32 $0x3D80  }
0xc0: {  	[tilespmem:s30], [sflag:$0x4] =	stream.indirect.gather [hbm4b:s4+s22], $0x20, s20, s22, $0xb8;
	[tilespmem:$0x14400] =	vst v63  }
0xc1: {  	_ =	swait.ge [sflag:s31], $0x1000  }
0xc2: {  	[sflag:s31] =	ssyncset.done $0x0  }
0xc3: {  	s3 =	simm.s32 $0x5000;
	[sflag:s31] =	ssyncadd.s32 $0xFFFFF000  }
0xc4: {  	[spmem:s2] =	stream.indirect.scatter.add.f32 [tilespmem:s18], [sflag:$0x5], $0x20, s3, s22, $0xb8;
	[tilespmem:$0x14400] =	vst v63  }
0xc5: {  	_ =	swait.ge [sflag:s19], $0x1000  }
0xc6: {  	[sflag:s19] =	ssyncset.done $0x0  }
0xc7: {  	[sflag:s19] =	ssyncadd.s32 $0xFFFFF000  }
0xc8: {  	_ =	swait.ge [sflag:s0], $0x1000  }
0xc9: {  	[sflag:s0] =	ssyncset.done $0x0  }
0xca: {  	s20 =	simm.s32 $0x5080;
	[sflag:s0] =	ssyncadd.s32 $0xFFFFF000  }
0xcb: {  	[spmem:s2] =	stream.indirect.scatter.add.f32 [tilespmem:s25], [sflag:$0x5], $0x20, s20, s22, $0xb8;
	[tilespmem:$0x14400] =	vst v63  }
0xcc: {  	_ =	swait.ge [sflag:s19], $0x1000  }
0xcd: {  	[sflag:s19] =	ssyncset.done $0x0  }
0xce: {  	[sflag:s19] =	ssyncadd.s32 $0xFFFFF000  }
0xcf: {  	_ =	swait.ge [sflag:s24], $0x1000  }
0xd0: {  	[sflag:s24] =	ssyncset.done $0x0  }
0xd1: {  	s3 =	simm.s32 $0x5100;
	[sflag:s24] =	ssyncadd.s32 $0xFFFFF000  }
0xd2: {  	[spmem:s2] =	stream.indirect.scatter.add.f32 [tilespmem:s28], [sflag:$0x5], $0x20, s3, s22, $0xb8;
	[tilespmem:$0x14400] =	vst v63  }
0xd3: {  	_ =	swait.ge [sflag:s19], $0x1000  }
0xd4: {  	[sflag:s19] =	ssyncset.done $0x0  }
0xd5: {  	[sflag:s19] =	ssyncadd.s32 $0xFFFFF000  }
0xd6: {  	_ =	swait.ge [sflag:s29], $0x1000  }
0xd7: {  	[sflag:s29] =	ssyncset.done $0x0  }
0xd8: {  	s20 =	simm.s32 $0x5180;
	[sflag:s29] =	ssyncadd.s32 $0xFFFFF000  }
0xd9: {  	[spmem:s2] =	stream.indirect.scatter.add.f32 [tilespmem:s30], [sflag:$0x5], $0x20, s20, s22, $0xb8;
	[tilespmem:$0x14400] =	vst v63  }
0xda: {  	_ =	swait.ge [sflag:s19], $0x1000  }
0xdb: {  	[sflag:s19] =	ssyncset.done $0x0  }
0xdc: {  	s3 =	simm.s32 $0x3E00;
	[sflag:s19] =	ssyncadd.s32 $0xFFFFF000  }
0xdd: {  	[tilespmem:s18], [sflag:$0x1] =	stream.indirect.gather [hbm4b:s4+s22], $0x20, s3, s22, $0xb8;
	[tilespmem:$0x14400] =	vst v63  }
0xde: {  	s20 =	simm.s32 $0x3E80  }
0xdf: {  	[tilespmem:s25], [sflag:$0x2] =	stream.indirect.gather [hbm4b:s4+s22], $0x20, s20, s22, $0xb8;
	[tilespmem:$0x14400] =	vst v63  }
0xe0: {  	s3 =	simm.s32 $0x3F00  }
0xe1: {  	[tilespmem:s28], [sflag:$0x3] =	stream.indirect.gather [hbm4b:s4+s22], $0x20, s3, s22, $0xb8;
	[tilespmem:$0x14400] =	vst v63  }
0xe2: {  	s20 =	simm.s32 $0x3F80  }
0xe3: {  	[tilespmem:s30], [sflag:$0x4] =	stream.indirect.gather [hbm4b:s4+s22], $0x20, s20, s22, $0xb8;
	[tilespmem:$0x14400] =	vst v63  }
0xe4: {  	_ =	swait.ge [sflag:s31], $0x1000  }
0xe5: {  	[sflag:s31] =	ssyncset.done $0x0  }
0xe6: {  	s3 =	simm.s32 $0x5200;
	[sflag:s31] =	ssyncadd.s32 $0xFFFFF000  }
0xe7: {  	[spmem:s2] =	stream.indirect.scatter.add.f32 [tilespmem:s18], [sflag:$0x5], $0x20, s3, s22, $0xb8;
	[tilespmem:$0x14400] =	vst v63  }
0xe8: {  	_ =	swait.ge [sflag:s19], $0x1000  }
0xe9: {  	[sflag:s19] =	ssyncset.done $0x0  }
0xea: {  	[sflag:s19] =	ssyncadd.s32 $0xFFFFF000  }
0xeb: {  	_ =	swait.ge [sflag:s0], $0x1000  }
0xec: {  	[sflag:s0] =	ssyncset.done $0x0  }
0xed: {  	s20 =	simm.s32 $0x5280;
	[sflag:s0] =	ssyncadd.s32 $0xFFFFF000  }
0xee: {  	[spmem:s2] =	stream.indirect.scatter.add.f32 [tilespmem:s25], [sflag:$0x5], $0x20, s20, s22, $0xb8;
	[tilespmem:$0x14400] =	vst v63  }
0xef: {  	_ =	swait.ge [sflag:s19], $0x1000  }
0xf0: {  	[sflag:s19] =	ssyncset.done $0x0  }
0xf1: {  	[sflag:s19] =	ssyncadd.s32 $0xFFFFF000  }
0xf2: {  	_ =	swait.ge [sflag:s24], $0x1000  }
0xf3: {  	[sflag:s24] =	ssyncset.done $0x0  }
0xf4: {  	s3 =	simm.s32 $0x5300;
	[sflag:s24] =	ssyncadd.s32 $0xFFFFF000  }
0xf5: {  	[spmem:s2] =	stream.indirect.scatter.add.f32 [tilespmem:s28], [sflag:$0x5], $0x20, s3, s22, $0xb8;
	[tilespmem:$0x14400] =	vst v63  }
0xf6: {  	_ =	swait.ge [sflag:s19], $0x1000  }
0xf7: {  	[sflag:s19] =	ssyncset.done $0x0  }
0xf8: {  	[sflag:s19] =	ssyncadd.s32 $0xFFFFF000  }
0xf9: {  	_ =	swait.ge [sflag:s29], $0x1000  }
0xfa: {  	[sflag:s29] =	ssyncset.done $0x0  }
0xfb: {  	s20 =	simm.s32 $0x5380;
	[sflag:s29] =	ssyncadd.s32 $0xFFFFF000  }
0xfc: {  	[spmem:s2] =	stream.indirect.scatter.add.f32 [tilespmem:s30], [sflag:$0x5], $0x20, s20, s22, $0xb8;
	[tilespmem:$0x14400] =	vst v63  }
0xfd: {  	_ =	swait.ge [sflag:s19], $0x1000  }
0xfe: {  	[sflag:s19] =	ssyncset.done $0x0  }
0xff: {  	s3 =	simm.s32 $0x4000;
	[sflag:s19] =	ssyncadd.s32 $0xFFFFF000  }
0x100: {  	[tilespmem:s18], [sflag:$0x1] =	stream.indirect.gather [hbm4b:s4+s22], $0x20, s3, s22, $0xb8;
	[tilespmem:$0x14400] =	vst v63  }
0x101: {  	_ =	swait.ge [sflag:s31], $0x1000  }
0x102: {  	[sflag:s31] =	ssyncset.done $0x0  }
0x103: {  	s20 =	simm.s32 $0x5400;
	[sflag:s31] =	ssyncadd.s32 $0xFFFFF000  }
0x104: {  	[spmem:s2] =	stream.indirect.scatter.add.f32 [tilespmem:s18], [sflag:$0x5], $0x20, s20, s22, $0xb8;
	[tilespmem:$0x14400] =	vst v63  }
0x105: {  	_ =	swait.ge [sflag:s19], $0x1000  }
0x106: {  	[sflag:s19] =	ssyncset.done $0x0  }
0x107: {  	s3 =	simm.s32 $0x4080;
	[sflag:s19] =	ssyncadd.s32 $0xFFFFF000  }
0x108: {  	[tilespmem:s25], [sflag:$0x2] =	stream.indirect.gather [hbm4b:s4+s22], $0x20, s3, s22, $0xb8;
	[tilespmem:$0x14400] =	vst v63  }
0x109: {  	_ =	swait.ge [sflag:s0], $0x1000  }
0x10a: {  	[sflag:s0] =	ssyncset.done $0x0  }
.Ltmp5:
0x10b: {  	s20 =	simm.s32 $0x5480;
	[sflag:s0] =	ssyncadd.s32 $0xFFFFF000;
	(pc) =	sbr.rel .LBB2_12-.Ltmp5, $4  }
0x10c: {  	[spmem:s2] =	stream.indirect.scatter.add.f32 [tilespmem:s25], [sflag:$0x5], $0x20, s20, s22, $0xb8;
	[tilespmem:$0x14400] =	vst v63  }
0x10d: {  	_ =	swait.ge [sflag:s19], $0x1000  }
0x10e: {  	[sflag:s19] =	ssyncset.done $0x0  }
0x10f: {  	[sflag:s19] =	ssyncadd.s32 $0xFFFFF000  }
.LBB2_4:
0x110: {  	[tilespmem:s1], [sflag:$0x5] =	stream.linear.gather [hbm4b:s10+s1], $0x1400, $0x38;
	[tilespmem:$0x14400] =	vst v63  }
0x111: {  	_ =	swait.ge [sflag:s19], $0x1400  }
0x112: {  	[sflag:s19] =	ssyncset.done $0x0  }
0x113: {  	s3 =	rddreg [dreg:$0x5];
	[sflag:s19] =	ssyncadd.s32 $0xFFFFEC00  }
0x114: {  	[tilespmem:s21], [sflag:$0x5] =	stream.linear.gather [hbm4b:s3+s1], $0x1400, $0x38;
	[tilespmem:$0x14400] =	vst v63  }
0x115: {  	_ =	swait.ge [sflag:s19], $0x1400  }
0x116: {  	[sflag:s19] =	ssyncset.done $0x0  }
0x117: {  	s21 =	simm.s32 $0x1400;
	[sflag:s19] =	ssyncadd.s32 $0xFFFFEC00  }
0x118: {  	[tilespmem:s21], [sflag:$0x5] =	stream.linear.gather [hbm4b:s12+s1], $0x1400, $0x38;
	[tilespmem:$0x14400] =	vst v63  }
0x119: {  	_ =	swait.ge [sflag:s19], $0x1400  }
0x11a: {  	[sflag:s19] =	ssyncset.done $0x0  }
0x11b: {  	s1 =	simm.s32 $0x0;
	[sflag:s19] =	ssyncadd.s32 $0xFFFFEC00  }
0x11c: {  	v1 =	vld [tilespmem:s1+$0x70]  }
0x11d: {  	v2 =	vld [tilespmem:s1+$0x1470]  }
0x11e: {  	v3 =	vld [tilespmem:s1+$0x0]  }
0x11f: {  	v4 =	vld [tilespmem:s1+$0x10]  }
0x120: {  	v5 =	vld [tilespmem:s1+$0x20]  }
0x121: {  	v6 =	vld [tilespmem:s1+$0x30]  }
0x122: {  	v7 =	vld [tilespmem:s1+$0x40]  }
0x123: {  	v8 =	vld [tilespmem:s1+$0x50];
	v1 =	vshll.u32 v1, $0x2  }
0x124: {  	v9 =	vld [tilespmem:s1+$0x60];
	v1 =	vadd.s32 v2, v1  }
0x125: {  	[tilespmem:s1+$0x3C70] =	vst v1;
	v1 =	vld [tilespmem:s1+$0x1400]  }
0x126: {  	v13 =	vld [tilespmem:s1+$0x2800]  }
0x127: {  	v2 =	vld [tilespmem:s1+$0x1410]  }
0x128: {  	v10 =	vld [tilespmem:s1+$0x1420]  }
0x129: {  	v11 =	vld [tilespmem:s1+$0x1430];
	v3 =	vshll.u32 v3, $0x2  }
0x12a: {  	v12 =	vld [tilespmem:s1+$0x1440];
	v1 =	vadd.s32 v1, v3  }
0x12b: {  	v3 =	vld [tilespmem:s1+$0x1450];
	[tilespmem:s1+$0x3C00] =	vst v1;
	v1 =	vshll.u32 v4, $0x2  }
0x12c: {  	[tilespmem:s1+$0x5000] =	vst v13;
	v4 =	vld [tilespmem:s1+$0x1460];
	v1 =	vadd.s32 v2, v1;
	v2 =	vshll.u32 v5, $0x2  }
0x12d: {  	v63 =	vld [tilespmem:s1+$0x2810];
	[tilespmem:s1+$0x3C10] =	vst v1;
	v1 =	vadd.s32 v10, v2;
	v2 =	vshll.u32 v6, $0x2  }
0x12e: {  	v5 =	vshll.u32 v7, $0x2;
	[tilespmem:s1+$0x3C20] =	vst v1;
	v2 =	vadd.s32 v11, v2;
	v1 =	vld [tilespmem:s1+$0x2820]  }
0x12f: {  	v5 =	vadd.s32 v12, v5;
	v6 =	vshll.u32 v8, $0x2;
	[tilespmem:s1+$0x3C30] =	vst v2;
	v2 =	vld [tilespmem:s1+$0x2830]  }
0x130: {  	[tilespmem:s1+$0x3C40] =	vst v5;
	v5 =	vadd.s32 v3, v6;
	v3 =	vld [tilespmem:s1+$0x2840];
	v6 =	vshll.u32 v9, $0x2  }
0x131: {  	[tilespmem:s1+$0x3C50] =	vst v5;
	v5 =	vadd.s32 v4, v6;
	v4 =	vld [tilespmem:s1+$0x2850]  }
0x132: {  	[tilespmem:s1+$0x5010] =	vst v63;
	v6 =	vld [tilespmem:s1+$0x2870]  }
0x133: {  	s20 =	simm.s32 $0x400;
	s3 =	simm.s32 $0x80;
	[tilespmem:s1+$0x3C60] =	vst v5;
	v5 =	vld [tilespmem:s1+$0x2860]  }
.LBB2_5:
0x134: {  	p1 =	sne.s32 s20, $0x4E00;
	v7 =	vld [tilespmem:s3+$0x70];
	[tilespmem:s1+$0x5020] =	vst v1  }
0x135: {  	v1 =	vld [tilespmem:s3+$0x1470];
	[tilespmem:s1+$0x5030] =	vst v2  }
0x136: {  	v2 =	vld [tilespmem:s3+$0x0];
	[tilespmem:s1+$0x5040] =	vst v3  }
0x137: {  	v3 =	vld [tilespmem:s3+$0x10];
	[tilespmem:s1+$0x5050] =	vst v4  }
0x138: {  	v4 =	vld [tilespmem:s3+$0x20];
	[tilespmem:s1+$0x5060] =	vst v5  }
0x139: {  	v5 =	vld [tilespmem:s3+$0x30];
	v7 =	vshll.u32 v7, $0x2;
	[tilespmem:s1+$0x5070] =	vst v6;
	s1 =	smov.u32 s3  }
0x13a: {  	v6 =	vld [tilespmem:s1+$0x40];
	v1 =	vadd.s32 v1, v7  }
0x13b: {  	v2 =	vshll.u32 v2, $0x2;
	v7 =	vld [tilespmem:s1+$0x50];
	[tilespmem:s1+$0x3C70] =	vst v1  }
0x13c: {  	v1 =	vshll.u32 v3, $0x2;
	v3 =	vld [tilespmem:s1+$0x60]  }
0x13d: {  	v8 =	vld [tilespmem:s1+$0x1400];
	v4 =	vshll.u32 v4, $0x2  }
0x13e: {  	v9 =	vld [tilespmem:s1+$0x1410];
	v5 =	vshll.u32 v5, $0x2  }
0x13f: {  	v10 =	vld [tilespmem:s1+$0x1420];
	v6 =	vshll.u32 v6, $0x2  }
0x140: {  	v11 =	vld [tilespmem:s1+$0x1430];
	v7 =	vshll.u32 v7, $0x2  }
0x141: {  	v12 =	vld [tilespmem:s1+$0x1440];
	v13 =	vshll.u32 v3, $0x2  }
0x142: {  	v2 =	vadd.s32 v8, v2;
	v3 =	vld [tilespmem:s1+$0x1450]  }
0x143: {  	[tilespmem:s1+$0x3C00] =	vst v2;
	v1 =	vadd.s32 v9, v1;
	v8 =	vld [tilespmem:s1+$0x1460]  }
0x144: {  	v9 =	vld [tilespmem:s1+$0x2800];
	[tilespmem:s1+$0x3C10] =	vst v1;
	v1 =	vadd.s32 v10, v4  }
0x145: {  	v10 =	vld [tilespmem:s1+$0x2810];
	[tilespmem:s1+$0x3C20] =	vst v1;
	v2 =	vadd.s32 v11, v5  }
0x146: {  	v1 =	vld [tilespmem:s1+$0x2820];
	[tilespmem:s1+$0x3C30] =	vst v2;
	v4 =	vadd.s32 v12, v6  }
.Ltmp6:
0x147: {  	v2 =	vld [tilespmem:s1+$0x2830];
	[tilespmem:s1+$0x3C40] =	vst v4;
	v4 =	vadd.s32 v3, v7;
	(pc) =	sbr.rel @p1 .LBB2_5-.Ltmp6, $4  }
0x148: {  	v3 =	vld [tilespmem:s1+$0x2840];
	[tilespmem:s1+$0x3C50] =	vst v4;
	v5 =	vadd.s32 v8, v13  }
0x149: {  	v4 =	vld [tilespmem:s1+$0x2850];
	[tilespmem:s1+$0x3C60] =	vst v5  }
0x14a: {  	[tilespmem:s1+$0x5000] =	vst v9;
	v5 =	vld [tilespmem:s1+$0x2860]  }
0x14b: {  	s3 =	sshra.s32 s20, $0x2;
	s20 =	sadd.s32 $0x200, s20;
	[tilespmem:s1+$0x5010] =	vst v10;
	v6 =	vld [tilespmem:s1+$0x2870]  }
0x14c: {  	v7 =	vld [tilespmem:s3+$0x70];
	[tilespmem:s1+$0x5020] =	vst v1  }
0x14d: {  	v1 =	vld [tilespmem:s3+$0x1470];
	[tilespmem:s1+$0x5030] =	vst v2  }
0x14e: {  	v2 =	vld [tilespmem:s3+$0x0];
	[tilespmem:s1+$0x5040] =	vst v3  }
0x14f: {  	v3 =	vld [tilespmem:s3+$0x10];
	[tilespmem:s1+$0x5050] =	vst v4  }
0x150: {  	v4 =	vld [tilespmem:s3+$0x20];
	[tilespmem:s1+$0x5060] =	vst v5  }
0x151: {  	v5 =	vld [tilespmem:s3+$0x30];
	[tilespmem:s1+$0x5070] =	vst v6  }
0x152: {  	v56 =	vld [tilespmem:s3+$0x40]  }
0x153: {  	v57 =	vld [tilespmem:s3+$0x50]  }
0x154: {  	v8 =	vld [tilespmem:s3+$0x1400]  }
0x155: {  	v9 =	vld [tilespmem:s3+$0x1410]  }
0x156: {  	v10 =	vld [tilespmem:s3+$0x1420]  }
0x157: {  	v59 =	vld [tilespmem:s3+$0x2800]  }
0x158: {  	v60 =	vld [tilespmem:s3+$0x2810]  }
0x159: {  	v55 =	vshll.u32 v7, $0x2;
	v11 =	vld [tilespmem:s3+$0x1430]  }
0x15a: {  	v1 =	vadd.s32 v1, v55;
	v61 =	vld [tilespmem:s3+$0x2820]  }
0x15b: {  	v12 =	vld [tilespmem:s3+$0x1440];
	[tilespmem:s3+$0x3C70] =	vst v1  }
0x15c: {  	v58 =	vld [tilespmem:s3+$0x1450];
	v2 =	vshll.u32 v2, $0x2;
	[tilespmem:s3+$0x5000] =	vst v59  }
0x15d: {  	v1 =	vld [tilespmem:s3+$0x60];
	v2 =	vadd.s32 v8, v2;
	[tilespmem:s3+$0x5010] =	vst v60  }
0x15e: {  	[tilespmem:s3+$0x3C00] =	vst v2;
	v2 =	vshll.u32 v3, $0x2;
	v3 =	vld [tilespmem:s3+$0x1460]  }
0x15f: {  	v4 =	vshll.u32 v4, $0x2;
	[tilespmem:s3+$0x5020] =	vst v61;
	v2 =	vadd.s32 v9, v2  }
0x160: {  	v5 =	vshll.u32 v5, $0x2;
	[tilespmem:s3+$0x3C10] =	vst v2;
	v2 =	vadd.s32 v10, v4  }
0x161: {  	v62 =	vld [tilespmem:s3+$0x2830];
	v7 =	vshll.u32 v56, $0x2;
	[tilespmem:s3+$0x3C20] =	vst v2;
	v2 =	vadd.s32 v11, v5  }
0x162: {  	v63 =	vld [tilespmem:s3+$0x2840];
	v6 =	vshll.u32 v57, $0x2;
	v1 =	vshll.u32 v1, $0x2;
	[tilespmem:s3+$0x3C30] =	vst v2;
	v2 =	vadd.s32 v12, v7  }
0x163: {  	[tilespmem:s3+$0x3C40] =	vst v2;
	v2 =	vadd.s32 v58, v6;
	v1 =	vadd.s32 v3, v1;
	v3 =	vld [tilespmem:s3+$0x2870]  }
0x164: {  	[tilespmem:s3+$0x3C50] =	vst v2;
	v2 =	vld [tilespmem:s3+$0x2850]  }
0x165: {  	[tilespmem:s3+$0x3C60] =	vst v1;
	v1 =	vld [tilespmem:s3+$0x2860]  }
0x166: {  	[tilespmem:s3+$0x5030] =	vst v62  }
0x167: {  	[tilespmem:s3+$0x5040] =	vst v63  }
0x168: {  	[tilespmem:s3+$0x5070] =	vst v3  }
0x169: {  	[tilespmem:s3+$0x5050] =	vst v2  }
0x16a: {  	[tilespmem:s3+$0x5060] =	vst v1;
	s3 =	simm.s32 $0x3C00  }
0x16b: {  	[tilespmem:s18], [sflag:$0x1] =	stream.indirect.gather [hbm4b:s4+s22], $0x20, s3, s22, $0xb8;
	[tilespmem:$0x14400] =	vst v63  }
0x16c: {  	s11 =	simm.s32 $0x3C80  }
0x16d: {  	[tilespmem:s25], [sflag:$0x2] =	stream.indirect.gather [hbm4b:s4+s22], $0x20, s11, s22, $0xb8;
	[tilespmem:$0x14400] =	vst v63  }
0x16e: {  	s20 =	simm.s32 $0x3D00  }
0x16f: {  	[tilespmem:s28], [sflag:$0x3] =	stream.indirect.gather [hbm4b:s4+s22], $0x20, s20, s22, $0xb8;
	[tilespmem:$0x14400] =	vst v63  }
0x170: {  	s21 =	simm.s32 $0x3D80  }
0x171: {  	[tilespmem:s30], [sflag:$0x4] =	stream.indirect.gather [hbm4b:s4+s22], $0x20, s21, s22, $0xb8;
	[tilespmem:$0x14400] =	vst v63  }
0x172: {  	_ =	swait.ge [sflag:s31], $0x1000  }
0x173: {  	[sflag:s31] =	ssyncset.done $0x0  }
0x174: {  	s3 =	simm.s32 $0x5000;
	[sflag:s31] =	ssyncadd.s32 $0xFFFFF000  }
0x175: {  	[spmem:s2] =	stream.indirect.scatter.add.f32 [tilespmem:s18], [sflag:$0x5], $0x20, s3, s22, $0xb8;
	[tilespmem:$0x14400] =	vst v63  }
0x176: {  	_ =	swait.ge [sflag:s19], $0x1000  }
0x177: {  	[sflag:s19] =	ssyncset.done $0x0  }
0x178: {  	[sflag:s19] =	ssyncadd.s32 $0xFFFFF000  }
0x179: {  	_ =	swait.ge [sflag:s0], $0x1000  }
0x17a: {  	[sflag:s0] =	ssyncset.done $0x0  }
0x17b: {  	s11 =	simm.s32 $0x5080;
	[sflag:s0] =	ssyncadd.s32 $0xFFFFF000  }
0x17c: {  	[spmem:s2] =	stream.indirect.scatter.add.f32 [tilespmem:s25], [sflag:$0x5], $0x20, s11, s22, $0xb8;
	[tilespmem:$0x14400] =	vst v63  }
0x17d: {  	_ =	swait.ge [sflag:s19], $0x1000  }
0x17e: {  	[sflag:s19] =	ssyncset.done $0x0  }
0x17f: {  	[sflag:s19] =	ssyncadd.s32 $0xFFFFF000  }
0x180: {  	_ =	swait.ge [sflag:s24], $0x1000  }
0x181: {  	[sflag:s24] =	ssyncset.done $0x0  }
0x182: {  	s20 =	simm.s32 $0x5100;
	[sflag:s24] =	ssyncadd.s32 $0xFFFFF000  }
0x183: {  	[spmem:s2] =	stream.indirect.scatter.add.f32 [tilespmem:s28], [sflag:$0x5], $0x20, s20, s22, $0xb8;
	[tilespmem:$0x14400] =	vst v63  }
0x184: {  	_ =	swait.ge [sflag:s19], $0x1000  }
0x185: {  	[sflag:s19] =	ssyncset.done $0x0  }
0x186: {  	[sflag:s19] =	ssyncadd.s32 $0xFFFFF000  }
0x187: {  	_ =	swait.ge [sflag:s29], $0x1000  }
0x188: {  	[sflag:s29] =	ssyncset.done $0x0  }
0x189: {  	s21 =	simm.s32 $0x5180;
	[sflag:s29] =	ssyncadd.s32 $0xFFFFF000  }
0x18a: {  	[spmem:s2] =	stream.indirect.scatter.add.f32 [tilespmem:s30], [sflag:$0x5], $0x20, s21, s22, $0xb8;
	[tilespmem:$0x14400] =	vst v63  }
0x18b: {  	_ =	swait.ge [sflag:s19], $0x1000  }
0x18c: {  	s1 =	simm.s32 $0x200;
	s3 =	simm.s32 $0x1000;
	[sflag:s19] =	ssyncset.done $0x0  }
.LBB2_7:
0x18d: {  	s11 =	sadd.s32 $0x3C00, s1  }
0x18e: {  	[sflag:s19] =	ssyncadd.s32 $0xFFFFF000;
	s20 =	smov.u32 s3;
	s21 =	sadd.s32 $0x800, s3  }
0x18f: {  	[tilespmem:s18], [sflag:$0x1] =	stream.indirect.gather [hbm4b:s4+s22], $0x20, s11, s22, $0xb8;
	[tilespmem:$0x14400] =	vst v63  }
0x190: {  	p1 =	seq.s32 s3, $0x4800;
	s3 =	sadd.s32 $0x3C80, s1  }
0x191: {  	[tilespmem:s25], [sflag:$0x2] =	stream.indirect.gather [hbm4b:s4+s22], $0x20, s3, s22, $0xb8;
	[tilespmem:$0x14400] =	vst v63  }
0x192: {  	s3 =	sadd.s32 $0x3D00, s1  }
0x193: {  	[tilespmem:s28], [sflag:$0x3] =	stream.indirect.gather [hbm4b:s4+s22], $0x20, s3, s22, $0xb8;
	[tilespmem:$0x14400] =	vst v63  }
0x194: {  	s3 =	sadd.s32 $0x3D80, s1  }
0x195: {  	[tilespmem:s30], [sflag:$0x4] =	stream.indirect.gather [hbm4b:s4+s22], $0x20, s3, s22, $0xb8;
	[tilespmem:$0x14400] =	vst v63  }
0x196: {  	_ =	swait.ge [sflag:s31], $0x1000  }
0x197: {  	[sflag:s31] =	ssyncset.done $0x0  }
0x198: {  	s3 =	sadd.s32 $0x5000, s1;
	[sflag:s31] =	ssyncadd.s32 $0xFFFFF000  }
0x199: {  	[spmem:s2] =	stream.indirect.scatter.add.f32 [tilespmem:s18], [sflag:$0x5], $0x20, s3, s22, $0xb8;
	[tilespmem:$0x14400] =	vst v63  }
0x19a: {  	_ =	swait.ge [sflag:s19], $0x1000  }
0x19b: {  	[sflag:s19] =	ssyncset.done $0x0  }
0x19c: {  	[sflag:s19] =	ssyncadd.s32 $0xFFFFF000  }
0x19d: {  	_ =	swait.ge [sflag:s0], $0x1000  }
0x19e: {  	[sflag:s0] =	ssyncset.done $0x0  }
0x19f: {  	s3 =	sadd.s32 $0x5080, s1;
	[sflag:s0] =	ssyncadd.s32 $0xFFFFF000  }
0x1a0: {  	[spmem:s2] =	stream.indirect.scatter.add.f32 [tilespmem:s25], [sflag:$0x5], $0x20, s3, s22, $0xb8;
	[tilespmem:$0x14400] =	vst v63  }
0x1a1: {  	_ =	swait.ge [sflag:s19], $0x1000  }
0x1a2: {  	[sflag:s19] =	ssyncset.done $0x0  }
0x1a3: {  	[sflag:s19] =	ssyncadd.s32 $0xFFFFF000  }
0x1a4: {  	_ =	swait.ge [sflag:s24], $0x1000  }
0x1a5: {  	[sflag:s24] =	ssyncset.done $0x0  }
0x1a6: {  	s3 =	sadd.s32 $0x5100, s1;
	[sflag:s24] =	ssyncadd.s32 $0xFFFFF000  }
0x1a7: {  	[spmem:s2] =	stream.indirect.scatter.add.f32 [tilespmem:s28], [sflag:$0x5], $0x20, s3, s22, $0xb8;
	[tilespmem:$0x14400] =	vst v63  }
0x1a8: {  	_ =	swait.ge [sflag:s19], $0x1000  }
0x1a9: {  	[sflag:s19] =	ssyncset.done $0x0  }
0x1aa: {  	[sflag:s19] =	ssyncadd.s32 $0xFFFFF000  }
0x1ab: {  	_ =	swait.ge [sflag:s29], $0x1000  }
.Ltmp7:
0x1ac: {  	[sflag:s29] =	ssyncset.done $0x0;
	(pc) =	sbr.rel @!p1 .LBB2_7-.Ltmp7, $4  }
0x1ad: {  	s1 =	sadd.s32 $0x5180, s1;
	[sflag:s29] =	ssyncadd.s32 $0xFFFFF000  }
0x1ae: {  	[spmem:s2] =	stream.indirect.scatter.add.f32 [tilespmem:s30], [sflag:$0x5], $0x20, s1, s22, $0xb8;
	[tilespmem:$0x14400] =	vst v63  }
0x1af: {  	_ =	swait.ge [sflag:s19], $0x1000  }
0x1b0: {  	s3 =	smov.u32 s21;
	s1 =	sshra.s32 s20, $0x2;
	[sflag:s19] =	ssyncset.done $0x0  }
.Ltmp8:
0x1b1: {  	_ = 	snop;
	(pc) =	sbr.rel .LBB2_8-.Ltmp8, $1  }
0x1b2: {  	_ =	sdelay $0x3  }
.LBB2_13:
0x1b3: {  	_ =	sfence.sel $0x180000  }
0x1b4: {  	[bflag:$0x0] =	sbarrier.arrive $0xFFFF  }
0x1b5: {  	_ =	strace $0x90000047  }
0x1b6: {  	s0 =	stileid.u32;
	[bflag:$0x2] =	sbarrier.arrive $0xFFFF  }
0x1b7: {  	p0 =	sne.s32 s0, $0x0;
	s0 =	rddreg [dreg:$0x4]  }
0x1b8: {  	s0 =	sadd.s32 @!p0 $0x100000, s0  }
0x1b9: {  	[sflag:s0] =	ssyncadd.tile.s32 @!p0 $0x1;
	_ =	shalt  }
.Lfunc_end2:
_tile_overlayer_lowered:
.L_overlay_start_2:
0x1ba: {  	(tag) =	ssettag $0x2  }
0x1bb: {  	s0 =	rddreg [dreg:$0x0];
	s2 =	stileid.u32  }
0x1bc: {  	s1 =	rddreg [dreg:$0x1];
	p0 =	sne.s32 s2, $0x0  }
0x1bd: {  	s3 =	rddreg [dreg:$0x2];
	[bflag:$0x3] =	sbarrier.arrive $0xFFFF;
	s2 =	simm.s32 @!p0 $0x1C05  }
0x1be: {  	[timem:s3], [sflag:s2] =	dma.local @!p0 [hbm:s0], s1  }
0x1bf: {  	s0 =	simm.s32 @!p0 $0x5  }
0x1c0: {  	_ =	swait.ge @!p0 [sflag:s0], s1  }
0x1c1: {  	s1 =	ssub.s32 @!p0 $0x0, s1;
	[sflag:s0] =	ssyncset.done @!p0 $0x0  }
0x1c2: {  	[sflag:s0] =	ssyncadd.s32 @!p0 s1  }
0x1c3: {  	[bflag:$0x3] =	sbarrier.arrive $0xFFFF  }
0x1c4: {  	_ =	shalt  }

</sc_bundles>
